<compile_context>
chip_gen: v7x
topology: tpu7x:2x2x1
jax: 0.10.2.dev20260603
libtpu: 0.0.44.dev20260713+nightly
codegen_flags: <defaults>
</compile_context>

<pallas_src>
import functools

import jax
import jax.numpy as jnp
from jax import lax
from jax.experimental import pallas as pl
from jax.experimental.pallas import tpu as pltpu
from jax.experimental.pallas import tpu_sc as plsc

VOCAB_ = 1000000
EMBED_ = 64
B_ = 4096
T_ = 200
TP1_ = T_ + 1
N_ = B_ * TP1_
NC_ = 2
NS_ = 16
NW_ = NC_ * NS_
BPW_ = B_ // NW_
NB_ = 2
CH_ = NB_ * T_
NCH_ = BPW_ // NB_
NBUF_ = 4
LANES_ = 16
GATHER_SPLIT_ = [(0, 128), (128, 128), (256, 128), (384, 16)]


def _sc_body(emb_hbm, ph_hbm, rt_hbm, tp_hbm, pos_hbm, out_hbm,
             idx_v, scale_v, rows_v, pos_v, orow_v,
             semi, semg, semo, semt):
    wid = lax.axis_index("s") * NC_ + lax.axis_index("c")
    b0 = wid * BPW_

    tgt = rows_v.at[0, pl.ds(0, BPW_)]
    pltpu.sync_copy(tp_hbm.at[pl.ds(b0, BPW_)], orow_v)
    pltpu.async_copy(emb_hbm.at[orow_v], tgt, semt)

    pltpu.sync_copy(pos_hbm, pos_v)

    def fire_prefetch(c, p):
        h0 = (b0 + c * NB_) * T_
        pltpu.async_copy(ph_hbm.at[pl.ds(h0, CH_)], idx_v.at[p], semi.at[p])
        pltpu.async_copy(rt_hbm.at[pl.ds(h0, CH_)], scale_v.at[p], semi.at[p])

    def fire_gathers(c, p):
        pltpu.make_async_copy(ph_hbm.at[pl.ds(0, CH_)], idx_v.at[p],
                              semi.at[p]).wait()
        pltpu.make_async_copy(rt_hbm.at[pl.ds(0, CH_)], scale_v.at[p],
                              semi.at[p]).wait()

        if not (isinstance(c, int) and c < NBUF_):
            @pl.when(c >= NBUF_)
            def _():
                for bb in range(NB_):
                    pltpu.make_async_copy(
                        rows_v.at[p, pl.ds(bb * T_, T_)],
                        out_hbm.at[pl.ds(0, T_)], semo.at[p]).wait()

        for off, cnt in GATHER_SPLIT_:
            pltpu.async_copy(emb_hbm.at[idx_v.at[p, pl.ds(off, cnt)]],
                             rows_v.at[p, pl.ds(off, cnt)], semg.at[p])

    def compute_and_write(c, p):
        for off, cnt in GATHER_SPLIT_:
            pltpu.make_async_copy(emb_hbm.at[idx_v.at[p, pl.ds(off, cnt)]],
                                  rows_v.at[p, pl.ds(off, cnt)],
                                  semg.at[p]).wait()

        @pl.loop(0, CH_ // LANES_)
        def _rowgrp(g):
            r0 = g * LANES_
            tvec = lax.rem(r0 + lax.iota(jnp.int32, LANES_), T_)
            svec = scale_v[p, pl.ds(r0, LANES_)]
            ts = [tvec[i] for i in range(LANES_)]
            for i0 in range(0, LANES_, 4):
                vals = []
                for i in range(i0, i0 + 4):
                    r = r0 + i
                    for j in range(EMBED_ // LANES_):
                        sl = pl.ds(j * LANES_, LANES_)
                        vals.append(
                            (i, r, sl, rows_v[p, r, sl] + pos_v[ts[i], sl]))
                for (i, r, sl, v) in vals:
                    rows_v[p, r, sl] = v * svec[i]


        for bb in range(NB_):
            pltpu.async_copy(
                rows_v.at[p, pl.ds(bb * T_, T_)],
                out_hbm.at[pl.ds((b0 + c * NB_ + bb) * TP1_, T_)],
                semo.at[p])

    pltpu.make_async_copy(emb_hbm.at[orow_v], tgt, semt).wait()
    for g in range(BPW_ // LANES_):
        orow_v[pl.ds(g * LANES_, LANES_)] = (
            (b0 + g * LANES_) * TP1_ + T_
            + lax.iota(jnp.int32, LANES_) * TP1_)
    pltpu.async_copy(tgt, out_hbm.at[orow_v], semt).wait()

    fire_prefetch(0, 0)
    fire_prefetch(1, 1)
    fire_gathers(0, 0)

    @pl.loop(0, NCH_)
    def _chunk(c):
        @pl.when(c + 2 < NCH_)
        def _():
            fire_prefetch(c + 2, lax.rem(c + 2, NBUF_))

        @pl.when(c + 1 < NCH_)
        def _():
            fire_gathers(c + 1, lax.rem(c + 1, NBUF_))

        compute_and_write(c, lax.rem(c, NBUF_))

    for p in range(NBUF_):
        for bb in range(NB_):
            pltpu.make_async_copy(
                rows_v.at[p, pl.ds(bb * T_, T_)],
                out_hbm.at[pl.ds(0, T_)], semo.at[p]).wait()


@jax.jit
def _run_sc(emb_weights, ph_flat, rt_flat, tp_flat, pos_weights):
    mesh = plsc.VectorSubcoreMesh(core_axis_name="c", subcore_axis_name="s")
    fn = pl.kernel(
        _sc_body,
        out_type=jax.ShapeDtypeStruct((N_, EMBED_), jnp.float32),
        mesh=mesh,
        scratch_types=[
            pltpu.VMEM((NBUF_, CH_), jnp.int32),
            pltpu.VMEM((NBUF_, CH_), jnp.float32),
            pltpu.VMEM((NBUF_, CH_, EMBED_), jnp.float32),
            pltpu.VMEM((T_, EMBED_), jnp.float32),
            pltpu.VMEM((BPW_,), jnp.int32),
            pltpu.SemaphoreType.DMA((NBUF_,)),
            pltpu.SemaphoreType.DMA((NBUF_,)),
            pltpu.SemaphoreType.DMA((NBUF_,)),
            pltpu.SemaphoreType.DMA,
        ],
        compiler_params=pltpu.CompilerParams(use_tc_tiling_on_sc=False),
    )
    return fn(emb_weights, ph_flat, rt_flat, tp_flat, pos_weights)


def kernel(user_id, product_history, target_product_id,
           product_history_ratings, emb_weights, pos_weights):
    del user_id
    ph_flat = product_history.astype(jnp.int32).reshape(B_ * T_)
    tp_flat = target_product_id.astype(jnp.int32).reshape(B_)
    rt_flat = product_history_ratings.reshape(B_ * T_)
    out = _run_sc(emb_weights, ph_flat, rt_flat, tp_flat, pos_weights)
    return out.reshape(B_, TP1_, EMBED_)

# --- scband reference (transcript-rebuilt; emitter-appended) ---
"""Pipeline reference for scband-meta-bertembedding-3272765079572 (READ-ONLY COPY).

The authoritative reference and input builder live on the scoring server;
editing this copy changes nothing except your own understanding.
"""

import jax, jax.numpy as jnp
import numpy as np

VOCAB = 1000000
EMBED = 64
B = 4096
T = 200

def setup_inputs(seed: int = 0) -> dict:
    key = jax.random.key(seed)
    k1, k2, k3, k4, k5, k6 = jax.random.split(key, 6)
    user_id = jax.random.randint(k1, (B, 1), 0, VOCAB, dtype=jnp.int64) if jax.config.jax_enable_x64 else jax.random.randint(k1, (B, 1), 0, VOCAB)
    product_history = jax.random.randint(k2, (B, T), 0, VOCAB)
    target_product_id = jax.random.randint(k3, (B, 1), 0, VOCAB)
    product_history_ratings = jax.random.uniform(k4, (B, T), dtype=jnp.float32)
    # xavier_uniform init for embedding table [VOCAB, EMBED]
    emb_bound = float(np.sqrt(6.0 / (VOCAB + EMBED)))
    emb_weights = jax.random.uniform(k5, (VOCAB, EMBED), minval=-emb_bound, maxval=emb_bound, dtype=jnp.float32)
    # xavier_uniform init for positional table [T, EMBED] (max_len == T)
    pos_bound = float(np.sqrt(6.0 / (T + EMBED)))
    pos_weights = jax.random.uniform(k6, (T, EMBED), minval=-pos_bound, maxval=pos_bound, dtype=jnp.float32)
    return {
        "user_id": user_id,
        "product_history": product_history,
        "target_product_id": target_product_id,
        "product_history_ratings": product_history_ratings,
        "emb_weights": emb_weights,
        "pos_weights": pos_weights,
    }

def reference(user_id, product_history, target_product_id, product_history_ratings, emb_weights, pos_weights):
    # token embedding gather + positional embedding broadcast (repeat over batch)
    x = jnp.take(emb_weights, product_history, axis=0) + pos_weights[None, :, :]
    Bq, Tq = product_history_ratings.shape
    # target product embedding gather
    target_info = jnp.take(emb_weights, target_product_id, axis=0).reshape(Bq, 1, -1)
    # scale history embeddings by ratings
    x = x * product_history_ratings[:, :, None]
    out = jnp.concatenate([x, target_info], axis=1)
    # dropout is identity in eval mode
    return out

if __name__ == "__main__":
    import jax
    _d = setup_inputs()
    print(jax.jit(kernel)(*tuple(_d.values())))

</pallas_src>

<mosaic_0001>
#map = affine_map<(d0, d1) -> (0, 0)>
#map1 = affine_map<(d0, d1) -> (0)>
module attributes {stable_mosaic.version = 14 : i64} {
  func.func @_sc_body(%arg0: i32, %arg1: i32, %arg2: memref<1000000x64xf32, #tpu.memory_space<hbm>>, %arg3: memref<819200xi32, #tpu.memory_space<hbm>>, %arg4: memref<819200xf32, #tpu.memory_space<hbm>>, %arg5: memref<4096xi32, #tpu.memory_space<hbm>>, %arg6: memref<200x64xf32, #tpu.memory_space<hbm>>, %arg7: memref<823296x64xf32, #tpu.memory_space<hbm>>, %arg8: memref<4x400xi32, #tpu.memory_space<vmem>>, %arg9: memref<4x400xf32, #tpu.memory_space<vmem>>, %arg10: memref<4x400x64xf32, #tpu.memory_space<vmem>>, %arg11: memref<200x64xf32, #tpu.memory_space<vmem>>, %arg12: memref<128xi32, #tpu.memory_space<vmem>>, %arg13: memref<4x!tpu.dma_semaphore, #tpu.memory_space<semaphore_mem>>, %arg14: memref<4x!tpu.dma_semaphore, #tpu.memory_space<semaphore_mem>>, %arg15: memref<4x!tpu.dma_semaphore, #tpu.memory_space<semaphore_mem>>, %arg16: memref<!tpu.dma_semaphore, #tpu.memory_space<semaphore_mem>>) attributes {dimension_semantics = [#tpu.dimension_semantics<core_parallel>, #tpu.dimension_semantics<subcore_parallel>], iteration_bounds = array<i64: 2, 16>, scalar_prefetch = 0 : i64, scratch_operands = 9 : i64, tpu.core_type = #tpu.core_type<sc_vector_subcore>, window_params = [{transform_indices = #map}, {transform_indices = #map1}, {transform_indices = #map1}, {transform_indices = #map1}, {transform_indices = #map}, {transform_indices = #map}]} {
    %mul3A = arith.constant 2 : i32
    %mul3A_0 = arith.muli %arg1, %mul3A : i32
    %add3A = arith.addi %mul3A_0, %arg0 : i32
    %mul3A_1 = arith.constant 128 : i32
    %mul3A_2 = arith.muli %add3A, %mul3A_1 : i32
    "tpu.region"() ({
      %run_scoped3A = tpu.sem_alloc : memref<!tpu.dma_semaphore, #tpu.memory_space<semaphore_mem>>
      %dma_start3A_451 = tpu.memref_slice %arg5[%mul3A_2] : memref<4096xi32, #tpu.memory_space<hbm>> -> memref<128xi32, #tpu.memory_space<hbm>>
      %dma_start3A_452 = tpu.memref_slice %arg5[%mul3A_2] : memref<4096xi32, #tpu.memory_space<hbm>> -> memref<128xi32, #tpu.memory_space<hbm>>
      tpu.enqueue_dma source(%dma_start3A_452 : memref<128xi32, #tpu.memory_space<hbm>>) target(%arg12 : memref<128xi32, #tpu.memory_space<vmem>>) target_semaphore(%run_scoped3A : memref<!tpu.dma_semaphore, #tpu.memory_space<semaphore_mem>>)
      %dma_wait3A_453 = tpu.memref_slice %arg5[%mul3A_2] : memref<4096xi32, #tpu.memory_space<hbm>> -> memref<128xi32, #tpu.memory_space<hbm>>
      %dma_wait3A_454 = tpu.memref_slice %arg5[%mul3A_2] : memref<4096xi32, #tpu.memory_space<hbm>> -> memref<128xi32, #tpu.memory_space<hbm>>
      tpu.wait_dma2 semaphore(%run_scoped3A : memref<!tpu.dma_semaphore, #tpu.memory_space<semaphore_mem>>) src(%dma_wait3A_454 : memref<128xi32, #tpu.memory_space<hbm>>) dst(%arg12 : memref<128xi32, #tpu.memory_space<vmem>>)
      tpu.yield
    }) : () -> ()
    %dma_start3A = arith.constant 0 : i32
    %dma_start3A_3 = arith.constant 0 : i32
    %dma_start3A_4 = arith.constant 0 : i32
    %dma_start3A_5 = tpu.memref_slice %arg10[%dma_start3A, %dma_start3A_3, %dma_start3A_4] : memref<4x400x64xf32, #tpu.memory_space<vmem>> -> memref<1x128x64xf32, #tpu.memory_space<vmem>>
    %dma_start3A_6 = tpu.memref_squeeze %dma_start3A_5 : memref<1x128x64xf32, #tpu.memory_space<vmem>> -> memref<128x64xf32, #tpu.memory_space<vmem>>
    %dma_start3A_7 = arith.constant 0 : i32
    %dma_start3A_8 = arith.constant 0 : i32
    %dma_start3A_9 = tpu.memref_slice %arg2[%dma_start3A_7, %dma_start3A_8] : memref<1000000x64xf32, #tpu.memory_space<hbm>> -> memref<1000000x64xf32, #tpu.memory_space<hbm>>
    tpu.enqueue_indirect_dma source(%dma_start3A_9 : memref<1000000x64xf32, #tpu.memory_space<hbm>>) target(%dma_start3A_6 : memref<128x64xf32, #tpu.memory_space<vmem>>) offsets(%arg12 : memref<128xi32, #tpu.memory_space<vmem>>) semaphore(%arg16 : memref<!tpu.dma_semaphore, #tpu.memory_space<semaphore_mem>>)
    "tpu.region"() ({
      %run_scoped3A = tpu.sem_alloc : memref<!tpu.dma_semaphore, #tpu.memory_space<semaphore_mem>>
      tpu.enqueue_dma source(%arg6 : memref<200x64xf32, #tpu.memory_space<hbm>>) target(%arg11 : memref<200x64xf32, #tpu.memory_space<vmem>>) target_semaphore(%run_scoped3A : memref<!tpu.dma_semaphore, #tpu.memory_space<semaphore_mem>>)
      tpu.wait_dma2 semaphore(%run_scoped3A : memref<!tpu.dma_semaphore, #tpu.memory_space<semaphore_mem>>) src(%arg6 : memref<200x64xf32, #tpu.memory_space<hbm>>) dst(%arg11 : memref<200x64xf32, #tpu.memory_space<vmem>>)
      tpu.yield
    }) : () -> ()
    %dma_wait3A = arith.constant 0 : i32
    %dma_wait3A_10 = arith.constant 0 : i32
    %dma_wait3A_11 = arith.constant 0 : i32
    %dma_wait3A_12 = tpu.memref_slice %arg10[%dma_wait3A, %dma_wait3A_10, %dma_wait3A_11] : memref<4x400x64xf32, #tpu.memory_space<vmem>> -> memref<1x128x64xf32, #tpu.memory_space<vmem>>
    %dma_wait3A_13 = tpu.memref_squeeze %dma_wait3A_12 : memref<1x128x64xf32, #tpu.memory_space<vmem>> -> memref<128x64xf32, #tpu.memory_space<vmem>>
    %dma_wait3A_14 = arith.constant 0 : i32
    %dma_wait3A_15 = arith.constant 0 : i32
    %dma_wait3A_16 = tpu.memref_slice %arg2[%dma_wait3A_14, %dma_wait3A_15] : memref<1000000x64xf32, #tpu.memory_space<hbm>> -> memref<1000000x64xf32, #tpu.memory_space<hbm>>
    tpu.wait_indirect_dma semaphore(%arg16 : memref<!tpu.dma_semaphore, #tpu.memory_space<semaphore_mem>>) src(%dma_wait3A_16 : memref<1000000x64xf32, #tpu.memory_space<hbm>>) dst(%dma_wait3A_13 : memref<128x64xf32, #tpu.memory_space<vmem>>)
    %add3A_17 = arith.constant 0 : i32
    %add3A_18 = arith.addi %mul3A_2, %add3A_17 : i32
    %mul3A_19 = arith.constant 201 : i32
    %mul3A_20 = arith.muli %add3A_18, %mul3A_19 : i32
    %add3A_21 = arith.constant 200 : i32
    %add3A_22 = arith.addi %mul3A_20, %add3A_21 : i32
    %iota3A = tpu.iota {dimensions = array<i32: 0>} : vector<16xi32>
    %mul3A_23 = arith.constant 201 : i32
    %mul3A_24 = vector.broadcast %mul3A_23 : i32 to vector<16xi32>
    %mul3A_25 = arith.muli %iota3A, %mul3A_24 : vector<16xi32>
    %add3A_26 = vector.broadcast %add3A_22 : i32 to vector<16xi32>
    %add3A_27 = arith.addi %add3A_26, %mul3A_25 : vector<16xi32>
    %swap3A = arith.constant 0 : index
    %swap3A_28 = tpu.vector_load %arg12[%swap3A] {strides = array<i32>} : memref<128xi32, #tpu.memory_space<vmem>>, vector<16xi32>,
    %swap3A_29 = vector.shape_cast %swap3A_28 : vector<16xi32> to vector<16xi32>
    %swap3A_30 = vector.shape_cast %add3A_27 : vector<16xi32> to vector<16xi32>
    tpu.vector_store %arg12[%swap3A], %swap3A_30 {strides = array<i32>} : memref<128xi32, #tpu.memory_space<vmem>>, vector<16xi32>,
    %add3A_31 = arith.constant 16 : i32
    %add3A_32 = arith.addi %mul3A_2, %add3A_31 : i32
    %mul3A_33 = arith.constant 201 : i32
    %mul3A_34 = arith.muli %add3A_32, %mul3A_33 : i32
    %add3A_35 = arith.constant 200 : i32
    %add3A_36 = arith.addi %mul3A_34, %add3A_35 : i32
    %iota3A_37 = tpu.iota {dimensions = array<i32: 0>} : vector<16xi32>
    %mul3A_38 = arith.constant 201 : i32
    %mul3A_39 = vector.broadcast %mul3A_38 : i32 to vector<16xi32>
    %mul3A_40 = arith.muli %iota3A_37, %mul3A_39 : vector<16xi32>
    %add3A_41 = vector.broadcast %add3A_36 : i32 to vector<16xi32>
    %add3A_42 = arith.addi %add3A_41, %mul3A_40 : vector<16xi32>
    %swap3A_43 = arith.constant 16 : index
    %swap3A_44 = tpu.vector_load %arg12[%swap3A_43] {strides = array<i32>} : memref<128xi32, #tpu.memory_space<vmem>>, vector<16xi32>,
    %swap3A_45 = vector.shape_cast %swap3A_44 : vector<16xi32> to vector<16xi32>
    %swap3A_46 = vector.shape_cast %add3A_42 : vector<16xi32> to vector<16xi32>
    tpu.vector_store %arg12[%swap3A_43], %swap3A_46 {strides = array<i32>} : memref<128xi32, #tpu.memory_space<vmem>>, vector<16xi32>,
    %add3A_47 = arith.constant 32 : i32
    %add3A_48 = arith.addi %mul3A_2, %add3A_47 : i32
    %mul3A_49 = arith.constant 201 : i32
    %mul3A_50 = arith.muli %add3A_48, %mul3A_49 : i32
    %add3A_51 = arith.constant 200 : i32
    %add3A_52 = arith.addi %mul3A_50, %add3A_51 : i32
    %iota3A_53 = tpu.iota {dimensions = array<i32: 0>} : vector<16xi32>
    %mul3A_54 = arith.constant 201 : i32
    %mul3A_55 = vector.broadcast %mul3A_54 : i32 to vector<16xi32>
    %mul3A_56 = arith.muli %iota3A_53, %mul3A_55 : vector<16xi32>
    %add3A_57 = vector.broadcast %add3A_52 : i32 to vector<16xi32>
    %add3A_58 = arith.addi %add3A_57, %mul3A_56 : vector<16xi32>
    %swap3A_59 = arith.constant 32 : index
    %swap3A_60 = tpu.vector_load %arg12[%swap3A_59] {strides = array<i32>} : memref<128xi32, #tpu.memory_space<vmem>>, vector<16xi32>,
    %swap3A_61 = vector.shape_cast %swap3A_60 : vector<16xi32> to vector<16xi32>
    %swap3A_62 = vector.shape_cast %add3A_58 : vector<16xi32> to vector<16xi32>
    tpu.vector_store %arg12[%swap3A_59], %swap3A_62 {strides = array<i32>} : memref<128xi32, #tpu.memory_space<vmem>>, vector<16xi32>,
    %add3A_63 = arith.constant 48 : i32
    %add3A_64 = arith.addi %mul3A_2, %add3A_63 : i32
    %mul3A_65 = arith.constant 201 : i32
    %mul3A_66 = arith.muli %add3A_64, %mul3A_65 : i32
    %add3A_67 = arith.constant 200 : i32
    %add3A_68 = arith.addi %mul3A_66, %add3A_67 : i32
    %iota3A_69 = tpu.iota {dimensions = array<i32: 0>} : vector<16xi32>
    %mul3A_70 = arith.constant 201 : i32
    %mul3A_71 = vector.broadcast %mul3A_70 : i32 to vector<16xi32>
    %mul3A_72 = arith.muli %iota3A_69, %mul3A_71 : vector<16xi32>
    %add3A_73 = vector.broadcast %add3A_68 : i32 to vector<16xi32>
    %add3A_74 = arith.addi %add3A_73, %mul3A_72 : vector<16xi32>
    %swap3A_75 = arith.constant 48 : index
    %swap3A_76 = tpu.vector_load %arg12[%swap3A_75] {strides = array<i32>} : memref<128xi32, #tpu.memory_space<vmem>>, vector<16xi32>,
    %swap3A_77 = vector.shape_cast %swap3A_76 : vector<16xi32> to vector<16xi32>
    %swap3A_78 = vector.shape_cast %add3A_74 : vector<16xi32> to vector<16xi32>
    tpu.vector_store %arg12[%swap3A_75], %swap3A_78 {strides = array<i32>} : memref<128xi32, #tpu.memory_space<vmem>>, vector<16xi32>,
    %add3A_79 = arith.constant 64 : i32
    %add3A_80 = arith.addi %mul3A_2, %add3A_79 : i32
    %mul3A_81 = arith.constant 201 : i32
    %mul3A_82 = arith.muli %add3A_80, %mul3A_81 : i32
    %add3A_83 = arith.constant 200 : i32
    %add3A_84 = arith.addi %mul3A_82, %add3A_83 : i32
    %iota3A_85 = tpu.iota {dimensions = array<i32: 0>} : vector<16xi32>
    %mul3A_86 = arith.constant 201 : i32
    %mul3A_87 = vector.broadcast %mul3A_86 : i32 to vector<16xi32>
    %mul3A_88 = arith.muli %iota3A_85, %mul3A_87 : vector<16xi32>
    %add3A_89 = vector.broadcast %add3A_84 : i32 to vector<16xi32>
    %add3A_90 = arith.addi %add3A_89, %mul3A_88 : vector<16xi32>
    %swap3A_91 = arith.constant 64 : index
    %swap3A_92 = tpu.vector_load %arg12[%swap3A_91] {strides = array<i32>} : memref<128xi32, #tpu.memory_space<vmem>>, vector<16xi32>,
    %swap3A_93 = vector.shape_cast %swap3A_92 : vector<16xi32> to vector<16xi32>
    %swap3A_94 = vector.shape_cast %add3A_90 : vector<16xi32> to vector<16xi32>
    tpu.vector_store %arg12[%swap3A_91], %swap3A_94 {strides = array<i32>} : memref<128xi32, #tpu.memory_space<vmem>>, vector<16xi32>,
    %add3A_95 = arith.constant 80 : i32
    %add3A_96 = arith.addi %mul3A_2, %add3A_95 : i32
    %mul3A_97 = arith.constant 201 : i32
    %mul3A_98 = arith.muli %add3A_96, %mul3A_97 : i32
    %add3A_99 = arith.constant 200 : i32
    %add3A_100 = arith.addi %mul3A_98, %add3A_99 : i32
    %iota3A_101 = tpu.iota {dimensions = array<i32: 0>} : vector<16xi32>
    %mul3A_102 = arith.constant 201 : i32
    %mul3A_103 = vector.broadcast %mul3A_102 : i32 to vector<16xi32>
    %mul3A_104 = arith.muli %iota3A_101, %mul3A_103 : vector<16xi32>
    %add3A_105 = vector.broadcast %add3A_100 : i32 to vector<16xi32>
    %add3A_106 = arith.addi %add3A_105, %mul3A_104 : vector<16xi32>
    %swap3A_107 = arith.constant 80 : index
    %swap3A_108 = tpu.vector_load %arg12[%swap3A_107] {strides = array<i32>} : memref<128xi32, #tpu.memory_space<vmem>>, vector<16xi32>,
    %swap3A_109 = vector.shape_cast %swap3A_108 : vector<16xi32> to vector<16xi32>
    %swap3A_110 = vector.shape_cast %add3A_106 : vector<16xi32> to vector<16xi32>
    tpu.vector_store %arg12[%swap3A_107], %swap3A_110 {strides = array<i32>} : memref<128xi32, #tpu.memory_space<vmem>>, vector<16xi32>,
    %add3A_111 = arith.constant 96 : i32
    %add3A_112 = arith.addi %mul3A_2, %add3A_111 : i32
    %mul3A_113 = arith.constant 201 : i32
    %mul3A_114 = arith.muli %add3A_112, %mul3A_113 : i32
    %add3A_115 = arith.constant 200 : i32
    %add3A_116 = arith.addi %mul3A_114, %add3A_115 : i32
    %iota3A_117 = tpu.iota {dimensions = array<i32: 0>} : vector<16xi32>
    %mul3A_118 = arith.constant 201 : i32
    %mul3A_119 = vector.broadcast %mul3A_118 : i32 to vector<16xi32>
    %mul3A_120 = arith.muli %iota3A_117, %mul3A_119 : vector<16xi32>
    %add3A_121 = vector.broadcast %add3A_116 : i32 to vector<16xi32>
    %add3A_122 = arith.addi %add3A_121, %mul3A_120 : vector<16xi32>
    %swap3A_123 = arith.constant 96 : index
    %swap3A_124 = tpu.vector_load %arg12[%swap3A_123] {strides = array<i32>} : memref<128xi32, #tpu.memory_space<vmem>>, vector<16xi32>,
    %swap3A_125 = vector.shape_cast %swap3A_124 : vector<16xi32> to vector<16xi32>
    %swap3A_126 = vector.shape_cast %add3A_122 : vector<16xi32> to vector<16xi32>
    tpu.vector_store %arg12[%swap3A_123], %swap3A_126 {strides = array<i32>} : memref<128xi32, #tpu.memory_space<vmem>>, vector<16xi32>,
    %add3A_127 = arith.constant 112 : i32
    %add3A_128 = arith.addi %mul3A_2, %add3A_127 : i32
    %mul3A_129 = arith.constant 201 : i32
    %mul3A_130 = arith.muli %add3A_128, %mul3A_129 : i32
    %add3A_131 = arith.constant 200 : i32
    %add3A_132 = arith.addi %mul3A_130, %add3A_131 : i32
    %iota3A_133 = tpu.iota {dimensions = array<i32: 0>} : vector<16xi32>
    %mul3A_134 = arith.constant 201 : i32
    %mul3A_135 = vector.broadcast %mul3A_134 : i32 to vector<16xi32>
    %mul3A_136 = arith.muli %iota3A_133, %mul3A_135 : vector<16xi32>
    %add3A_137 = vector.broadcast %add3A_132 : i32 to vector<16xi32>
    %add3A_138 = arith.addi %add3A_137, %mul3A_136 : vector<16xi32>
    %swap3A_139 = arith.constant 112 : index
    %swap3A_140 = tpu.vector_load %arg12[%swap3A_139] {strides = array<i32>} : memref<128xi32, #tpu.memory_space<vmem>>, vector<16xi32>,
    %swap3A_141 = vector.shape_cast %swap3A_140 : vector<16xi32> to vector<16xi32>
    %swap3A_142 = vector.shape_cast %add3A_138 : vector<16xi32> to vector<16xi32>
    tpu.vector_store %arg12[%swap3A_139], %swap3A_142 {strides = array<i32>} : memref<128xi32, #tpu.memory_space<vmem>>, vector<16xi32>,
    %dma_start3A_143 = arith.constant 0 : i32
    %dma_start3A_144 = arith.constant 0 : i32
    %dma_start3A_145 = arith.constant 0 : i32
    %dma_start3A_146 = tpu.memref_slice %arg10[%dma_start3A_143, %dma_start3A_144, %dma_start3A_145] : memref<4x400x64xf32, #tpu.memory_space<vmem>> -> memref<1x128x64xf32, #tpu.memory_space<vmem>>
    %dma_start3A_147 = tpu.memref_squeeze %dma_start3A_146 : memref<1x128x64xf32, #tpu.memory_space<vmem>> -> memref<128x64xf32, #tpu.memory_space<vmem>>
    %dma_start3A_148 = arith.constant 0 : i32
    %dma_start3A_149 = arith.constant 0 : i32
    %dma_start3A_150 = tpu.memref_slice %arg7[%dma_start3A_148, %dma_start3A_149] : memref<823296x64xf32, #tpu.memory_space<hbm>> -> memref<823296x64xf32, #tpu.memory_space<hbm>>
    tpu.enqueue_indirect_dma source(%dma_start3A_147 : memref<128x64xf32, #tpu.memory_space<vmem>>) target(%dma_start3A_150 : memref<823296x64xf32, #tpu.memory_space<hbm>>) offsets(%arg12 : memref<128xi32, #tpu.memory_space<vmem>>) semaphore(%arg16 : memref<!tpu.dma_semaphore, #tpu.memory_space<semaphore_mem>>)
    %dma_wait3A_151 = arith.constant 0 : i32
    %dma_wait3A_152 = arith.constant 0 : i32
    %dma_wait3A_153 = arith.constant 0 : i32
    %dma_wait3A_154 = tpu.memref_slice %arg10[%dma_wait3A_151, %dma_wait3A_152, %dma_wait3A_153] : memref<4x400x64xf32, #tpu.memory_space<vmem>> -> memref<1x128x64xf32, #tpu.memory_space<vmem>>
    %dma_wait3A_155 = tpu.memref_squeeze %dma_wait3A_154 : memref<1x128x64xf32, #tpu.memory_space<vmem>> -> memref<128x64xf32, #tpu.memory_space<vmem>>
    %dma_wait3A_156 = arith.constant 0 : i32
    %dma_wait3A_157 = arith.constant 0 : i32
    %dma_wait3A_158 = tpu.memref_slice %arg7[%dma_wait3A_156, %dma_wait3A_157] : memref<823296x64xf32, #tpu.memory_space<hbm>> -> memref<823296x64xf32, #tpu.memory_space<hbm>>
    tpu.wait_indirect_dma semaphore(%arg16 : memref<!tpu.dma_semaphore, #tpu.memory_space<semaphore_mem>>) src(%dma_wait3A_155 : memref<128x64xf32, #tpu.memory_space<vmem>>) dst(%dma_wait3A_158 : memref<823296x64xf32, #tpu.memory_space<hbm>>)
    %add3A_159 = arith.constant 0 : i32
    %add3A_160 = arith.addi %mul3A_2, %add3A_159 : i32
    %mul3A_161 = arith.constant 200 : i32
    %mul3A_162 = arith.muli %add3A_160, %mul3A_161 : i32
    %dma_start3A_163 = arith.constant 0 : i32
    %dma_start3A_164 = arith.constant 0 : i32
    %dma_start3A_165 = arith.constant 0 : i32
    %dma_start3A_166 = tpu.memref_slice %arg8[%dma_start3A_163, %dma_start3A_165] : memref<4x400xi32, #tpu.memory_space<vmem>> -> memref<1x400xi32, #tpu.memory_space<vmem>>
    %dma_start3A_167 = tpu.memref_squeeze %dma_start3A_166 : memref<1x400xi32, #tpu.memory_space<vmem>> -> memref<400xi32, #tpu.memory_space<vmem>>
    %dma_start3A_168 = tpu.memref_slice %arg3[%mul3A_162] : memref<819200xi32, #tpu.memory_space<hbm>> -> memref<400xi32, #tpu.memory_space<hbm>>
    %dma_start3A_169 = tpu.memref_slice %arg13[%dma_start3A_164] : memref<4x!tpu.dma_semaphore, #tpu.memory_space<semaphore_mem>> -> memref<1x!tpu.dma_semaphore, #tpu.memory_space<semaphore_mem>>
    %dma_start3A_170 = tpu.memref_squeeze %dma_start3A_169 : memref<1x!tpu.dma_semaphore, #tpu.memory_space<semaphore_mem>> -> memref<!tpu.dma_semaphore, #tpu.memory_space<semaphore_mem>>
    %dma_start3A_171 = arith.constant 0 : i32
    %dma_start3A_172 = tpu.memref_slice %arg8[%dma_start3A_163, %dma_start3A_171] : memref<4x400xi32, #tpu.memory_space<vmem>> -> memref<1x400xi32, #tpu.memory_space<vmem>>
    %dma_start3A_173 = tpu.memref_squeeze %dma_start3A_172 : memref<1x400xi32, #tpu.memory_space<vmem>> -> memref<400xi32, #tpu.memory_space<vmem>>
    %dma_start3A_174 = tpu.memref_slice %arg3[%mul3A_162] : memref<819200xi32, #tpu.memory_space<hbm>> -> memref<400xi32, #tpu.memory_space<hbm>>
    tpu.enqueue_dma source(%dma_start3A_174 : memref<400xi32, #tpu.memory_space<hbm>>) target(%dma_start3A_173 : memref<400xi32, #tpu.memory_space<vmem>>) target_semaphore(%dma_start3A_170 : memref<!tpu.dma_semaphore, #tpu.memory_space<semaphore_mem>>)
    %dma_start3A_175 = arith.constant 0 : i32
    %dma_start3A_176 = arith.constant 0 : i32
    %dma_start3A_177 = arith.constant 0 : i32
    %dma_start3A_178 = tpu.memref_slice %arg9[%dma_start3A_175, %dma_start3A_177] : memref<4x400xf32, #tpu.memory_space<vmem>> -> memref<1x400xf32, #tpu.memory_space<vmem>>
    %dma_start3A_179 = tpu.memref_squeeze %dma_start3A_178 : memref<1x400xf32, #tpu.memory_space<vmem>> -> memref<400xf32, #tpu.memory_space<vmem>>
    %dma_start3A_180 = tpu.memref_slice %arg4[%mul3A_162] : memref<819200xf32, #tpu.memory_space<hbm>> -> memref<400xf32, #tpu.memory_space<hbm>>
    %dma_start3A_181 = tpu.memref_slice %arg13[%dma_start3A_176] : memref<4x!tpu.dma_semaphore, #tpu.memory_space<semaphore_mem>> -> memref<1x!tpu.dma_semaphore, #tpu.memory_space<semaphore_mem>>
    %dma_start3A_182 = tpu.memref_squeeze %dma_start3A_181 : memref<1x!tpu.dma_semaphore, #tpu.memory_space<semaphore_mem>> -> memref<!tpu.dma_semaphore, #tpu.memory_space<semaphore_mem>>
    %dma_start3A_183 = arith.constant 0 : i32
    %dma_start3A_184 = tpu.memref_slice %arg9[%dma_start3A_175, %dma_start3A_183] : memref<4x400xf32, #tpu.memory_space<vmem>> -> memref<1x400xf32, #tpu.memory_space<vmem>>
    %dma_start3A_185 = tpu.memref_squeeze %dma_start3A_184 : memref<1x400xf32, #tpu.memory_space<vmem>> -> memref<400xf32, #tpu.memory_space<vmem>>
    %dma_start3A_186 = tpu.memref_slice %arg4[%mul3A_162] : memref<819200xf32, #tpu.memory_space<hbm>> -> memref<400xf32, #tpu.memory_space<hbm>>
    tpu.enqueue_dma source(%dma_start3A_186 : memref<400xf32, #tpu.memory_space<hbm>>) target(%dma_start3A_185 : memref<400xf32, #tpu.memory_space<vmem>>) target_semaphore(%dma_start3A_182 : memref<!tpu.dma_semaphore, #tpu.memory_space<semaphore_mem>>)
    %add3A_187 = arith.constant 2 : i32
    %add3A_188 = arith.addi %mul3A_2, %add3A_187 : i32
    %mul3A_189 = arith.constant 200 : i32
    %mul3A_190 = arith.muli %add3A_188, %mul3A_189 : i32
    %dma_start3A_191 = arith.constant 1 : i32
    %dma_start3A_192 = arith.constant 1 : i32
    %dma_start3A_193 = arith.constant 0 : i32
    %dma_start3A_194 = tpu.memref_slice %arg8[%dma_start3A_191, %dma_start3A_193] : memref<4x400xi32, #tpu.memory_space<vmem>> -> memref<1x400xi32, #tpu.memory_space<vmem>>
    %dma_start3A_195 = tpu.memref_squeeze %dma_start3A_194 : memref<1x400xi32, #tpu.memory_space<vmem>> -> memref<400xi32, #tpu.memory_space<vmem>>
    %dma_start3A_196 = tpu.memref_slice %arg3[%mul3A_190] : memref<819200xi32, #tpu.memory_space<hbm>> -> memref<400xi32, #tpu.memory_space<hbm>>
    %dma_start3A_197 = tpu.memref_slice %arg13[%dma_start3A_192] : memref<4x!tpu.dma_semaphore, #tpu.memory_space<semaphore_mem>> -> memref<1x!tpu.dma_semaphore, #tpu.memory_space<semaphore_mem>>
    %dma_start3A_198 = tpu.memref_squeeze %dma_start3A_197 : memref<1x!tpu.dma_semaphore, #tpu.memory_space<semaphore_mem>> -> memref<!tpu.dma_semaphore, #tpu.memory_space<semaphore_mem>>
    %dma_start3A_199 = arith.constant 0 : i32
    %dma_start3A_200 = tpu.memref_slice %arg8[%dma_start3A_191, %dma_start3A_199] : memref<4x400xi32, #tpu.memory_space<vmem>> -> memref<1x400xi32, #tpu.memory_space<vmem>>
    %dma_start3A_201 = tpu.memref_squeeze %dma_start3A_200 : memref<1x400xi32, #tpu.memory_space<vmem>> -> memref<400xi32, #tpu.memory_space<vmem>>
    %dma_start3A_202 = tpu.memref_slice %arg3[%mul3A_190] : memref<819200xi32, #tpu.memory_space<hbm>> -> memref<400xi32, #tpu.memory_space<hbm>>
    tpu.enqueue_dma source(%dma_start3A_202 : memref<400xi32, #tpu.memory_space<hbm>>) target(%dma_start3A_201 : memref<400xi32, #tpu.memory_space<vmem>>) target_semaphore(%dma_start3A_198 : memref<!tpu.dma_semaphore, #tpu.memory_space<semaphore_mem>>)
    %dma_start3A_203 = arith.constant 1 : i32
    %dma_start3A_204 = arith.constant 1 : i32
    %dma_start3A_205 = arith.constant 0 : i32
    %dma_start3A_206 = tpu.memref_slice %arg9[%dma_start3A_203, %dma_start3A_205] : memref<4x400xf32, #tpu.memory_space<vmem>> -> memref<1x400xf32, #tpu.memory_space<vmem>>
    %dma_start3A_207 = tpu.memref_squeeze %dma_start3A_206 : memref<1x400xf32, #tpu.memory_space<vmem>> -> memref<400xf32, #tpu.memory_space<vmem>>
    %dma_start3A_208 = tpu.memref_slice %arg4[%mul3A_190] : memref<819200xf32, #tpu.memory_space<hbm>> -> memref<400xf32, #tpu.memory_space<hbm>>
    %dma_start3A_209 = tpu.memref_slice %arg13[%dma_start3A_204] : memref<4x!tpu.dma_semaphore, #tpu.memory_space<semaphore_mem>> -> memref<1x!tpu.dma_semaphore, #tpu.memory_space<semaphore_mem>>
    %dma_start3A_210 = tpu.memref_squeeze %dma_start3A_209 : memref<1x!tpu.dma_semaphore, #tpu.memory_space<semaphore_mem>> -> memref<!tpu.dma_semaphore, #tpu.memory_space<semaphore_mem>>
    %dma_start3A_211 = arith.constant 0 : i32
    %dma_start3A_212 = tpu.memref_slice %arg9[%dma_start3A_203, %dma_start3A_211] : memref<4x400xf32, #tpu.memory_space<vmem>> -> memref<1x400xf32, #tpu.memory_space<vmem>>
    %dma_start3A_213 = tpu.memref_squeeze %dma_start3A_212 : memref<1x400xf32, #tpu.memory_space<vmem>> -> memref<400xf32, #tpu.memory_space<vmem>>
    %dma_start3A_214 = tpu.memref_slice %arg4[%mul3A_190] : memref<819200xf32, #tpu.memory_space<hbm>> -> memref<400xf32, #tpu.memory_space<hbm>>
    tpu.enqueue_dma source(%dma_start3A_214 : memref<400xf32, #tpu.memory_space<hbm>>) target(%dma_start3A_213 : memref<400xf32, #tpu.memory_space<vmem>>) target_semaphore(%dma_start3A_210 : memref<!tpu.dma_semaphore, #tpu.memory_space<semaphore_mem>>)
    %dma_wait3A_215 = arith.constant 0 : i32
    %dma_wait3A_216 = arith.constant 0 : i32
    %dma_wait3A_217 = arith.constant 0 : i32
    %dma_wait3A_218 = tpu.memref_slice %arg8[%dma_wait3A_215, %dma_wait3A_217] : memref<4x400xi32, #tpu.memory_space<vmem>> -> memref<1x400xi32, #tpu.memory_space<vmem>>
    %dma_wait3A_219 = tpu.memref_squeeze %dma_wait3A_218 : memref<1x400xi32, #tpu.memory_space<vmem>> -> memref<400xi32, #tpu.memory_space<vmem>>
    %dma_wait3A_220 = arith.constant 0 : i32
    %dma_wait3A_221 = tpu.memref_slice %arg3[%dma_wait3A_220] : memref<819200xi32, #tpu.memory_space<hbm>> -> memref<400xi32, #tpu.memory_space<hbm>>
    %dma_wait3A_222 = tpu.memref_slice %arg13[%dma_wait3A_216] : memref<4x!tpu.dma_semaphore, #tpu.memory_space<semaphore_mem>> -> memref<1x!tpu.dma_semaphore, #tpu.memory_space<semaphore_mem>>
    %dma_wait3A_223 = tpu.memref_squeeze %dma_wait3A_222 : memref<1x!tpu.dma_semaphore, #tpu.memory_space<semaphore_mem>> -> memref<!tpu.dma_semaphore, #tpu.memory_space<semaphore_mem>>
    %dma_wait3A_224 = arith.constant 0 : i32
    %dma_wait3A_225 = tpu.memref_slice %arg8[%dma_wait3A_215, %dma_wait3A_224] : memref<4x400xi32, #tpu.memory_space<vmem>> -> memref<1x400xi32, #tpu.memory_space<vmem>>
    %dma_wait3A_226 = tpu.memref_squeeze %dma_wait3A_225 : memref<1x400xi32, #tpu.memory_space<vmem>> -> memref<400xi32, #tpu.memory_space<vmem>>
    %dma_wait3A_227 = arith.constant 0 : i32
    %dma_wait3A_228 = tpu.memref_slice %arg3[%dma_wait3A_227] : memref<819200xi32, #tpu.memory_space<hbm>> -> memref<400xi32, #tpu.memory_space<hbm>>
    tpu.wait_dma2 semaphore(%dma_wait3A_223 : memref<!tpu.dma_semaphore, #tpu.memory_space<semaphore_mem>>) src(%dma_wait3A_228 : memref<400xi32, #tpu.memory_space<hbm>>) dst(%dma_wait3A_226 : memref<400xi32, #tpu.memory_space<vmem>>)
    %dma_wait3A_229 = arith.constant 0 : i32
    %dma_wait3A_230 = arith.constant 0 : i32
    %dma_wait3A_231 = arith.constant 0 : i32
    %dma_wait3A_232 = tpu.memref_slice %arg9[%dma_wait3A_229, %dma_wait3A_231] : memref<4x400xf32, #tpu.memory_space<vmem>> -> memref<1x400xf32, #tpu.memory_space<vmem>>
    %dma_wait3A_233 = tpu.memref_squeeze %dma_wait3A_232 : memref<1x400xf32, #tpu.memory_space<vmem>> -> memref<400xf32, #tpu.memory_space<vmem>>
    %dma_wait3A_234 = arith.constant 0 : i32
    %dma_wait3A_235 = tpu.memref_slice %arg4[%dma_wait3A_234] : memref<819200xf32, #tpu.memory_space<hbm>> -> memref<400xf32, #tpu.memory_space<hbm>>
    %dma_wait3A_236 = tpu.memref_slice %arg13[%dma_wait3A_230] : memref<4x!tpu.dma_semaphore, #tpu.memory_space<semaphore_mem>> -> memref<1x!tpu.dma_semaphore, #tpu.memory_space<semaphore_mem>>
    %dma_wait3A_237 = tpu.memref_squeeze %dma_wait3A_236 : memref<1x!tpu.dma_semaphore, #tpu.memory_space<semaphore_mem>> -> memref<!tpu.dma_semaphore, #tpu.memory_space<semaphore_mem>>
    %dma_wait3A_238 = arith.constant 0 : i32
    %dma_wait3A_239 = tpu.memref_slice %arg9[%dma_wait3A_229, %dma_wait3A_238] : memref<4x400xf32, #tpu.memory_space<vmem>> -> memref<1x400xf32, #tpu.memory_space<vmem>>
    %dma_wait3A_240 = tpu.memref_squeeze %dma_wait3A_239 : memref<1x400xf32, #tpu.memory_space<vmem>> -> memref<400xf32, #tpu.memory_space<vmem>>
    %dma_wait3A_241 = arith.constant 0 : i32
    %dma_wait3A_242 = tpu.memref_slice %arg4[%dma_wait3A_241] : memref<819200xf32, #tpu.memory_space<hbm>> -> memref<400xf32, #tpu.memory_space<hbm>>
    tpu.wait_dma2 semaphore(%dma_wait3A_237 : memref<!tpu.dma_semaphore, #tpu.memory_space<semaphore_mem>>) src(%dma_wait3A_242 : memref<400xf32, #tpu.memory_space<hbm>>) dst(%dma_wait3A_240 : memref<400xf32, #tpu.memory_space<vmem>>)
    %dma_start3A_243 = arith.constant 0 : i32
    %dma_start3A_244 = arith.constant 0 : i32
    %dma_start3A_245 = arith.constant 0 : i32
    %dma_start3A_246 = arith.constant 0 : i32
    %dma_start3A_247 = arith.constant 0 : i32
    %dma_start3A_248 = tpu.memref_slice %arg10[%dma_start3A_244, %dma_start3A_246, %dma_start3A_247] : memref<4x400x64xf32, #tpu.memory_space<vmem>> -> memref<1x128x64xf32, #tpu.memory_space<vmem>>
    %dma_start3A_249 = tpu.memref_squeeze %dma_start3A_248 : memref<1x128x64xf32, #tpu.memory_space<vmem>> -> memref<128x64xf32, #tpu.memory_space<vmem>>
    %dma_start3A_250 = arith.constant 0 : i32
    %dma_start3A_251 = tpu.memref_slice %arg8[%dma_start3A_243, %dma_start3A_250] : memref<4x400xi32, #tpu.memory_space<vmem>> -> memref<1x128xi32, #tpu.memory_space<vmem>>
    %dma_start3A_252 = tpu.memref_squeeze %dma_start3A_251 : memref<1x128xi32, #tpu.memory_space<vmem>> -> memref<128xi32, #tpu.memory_space<vmem>>
    %dma_start3A_253 = arith.constant 0 : i32
    %dma_start3A_254 = arith.constant 0 : i32
    %dma_start3A_255 = tpu.memref_slice %arg2[%dma_start3A_253, %dma_start3A_254] : memref<1000000x64xf32, #tpu.memory_space<hbm>> -> memref<1000000x64xf32, #tpu.memory_space<hbm>>
    %dma_start3A_256 = tpu.memref_slice %arg14[%dma_start3A_245] : memref<4x!tpu.dma_semaphore, #tpu.memory_space<semaphore_mem>> -> memref<1x!tpu.dma_semaphore, #tpu.memory_space<semaphore_mem>>
    %dma_start3A_257 = tpu.memref_squeeze %dma_start3A_256 : memref<1x!tpu.dma_semaphore, #tpu.memory_space<semaphore_mem>> -> memref<!tpu.dma_semaphore, #tpu.memory_space<semaphore_mem>>
    tpu.enqueue_indirect_dma source(%dma_start3A_255 : memref<1000000x64xf32, #tpu.memory_space<hbm>>) target(%dma_start3A_249 : memref<128x64xf32, #tpu.memory_space<vmem>>) offsets(%dma_start3A_252 : memref<128xi32, #tpu.memory_space<vmem>>) semaphore(%dma_start3A_257 : memref<!tpu.dma_semaphore, #tpu.memory_space<semaphore_mem>>)
    %dma_start3A_258 = arith.constant 0 : i32
    %dma_start3A_259 = arith.constant 0 : i32
    %dma_start3A_260 = arith.constant 0 : i32
    %dma_start3A_261 = arith.constant 128 : i32
    %dma_start3A_262 = arith.constant 0 : i32
    %dma_start3A_263 = tpu.memref_slice %arg10[%dma_start3A_259, %dma_start3A_261, %dma_start3A_262] : memref<4x400x64xf32, #tpu.memory_space<vmem>> -> memref<1x128x64xf32, #tpu.memory_space<vmem>>
    %dma_start3A_264 = tpu.memref_squeeze %dma_start3A_263 : memref<1x128x64xf32, #tpu.memory_space<vmem>> -> memref<128x64xf32, #tpu.memory_space<vmem>>
    %dma_start3A_265 = arith.constant 128 : i32
    %dma_start3A_266 = tpu.memref_slice %arg8[%dma_start3A_258, %dma_start3A_265] : memref<4x400xi32, #tpu.memory_space<vmem>> -> memref<1x128xi32, #tpu.memory_space<vmem>>
    %dma_start3A_267 = tpu.memref_squeeze %dma_start3A_266 : memref<1x128xi32, #tpu.memory_space<vmem>> -> memref<128xi32, #tpu.memory_space<vmem>>
    %dma_start3A_268 = arith.constant 0 : i32
    %dma_start3A_269 = arith.constant 0 : i32
    %dma_start3A_270 = tpu.memref_slice %arg2[%dma_start3A_268, %dma_start3A_269] : memref<1000000x64xf32, #tpu.memory_space<hbm>> -> memref<1000000x64xf32, #tpu.memory_space<hbm>>
    %dma_start3A_271 = tpu.memref_slice %arg14[%dma_start3A_260] : memref<4x!tpu.dma_semaphore, #tpu.memory_space<semaphore_mem>> -> memref<1x!tpu.dma_semaphore, #tpu.memory_space<semaphore_mem>>
    %dma_start3A_272 = tpu.memref_squeeze %dma_start3A_271 : memref<1x!tpu.dma_semaphore, #tpu.memory_space<semaphore_mem>> -> memref<!tpu.dma_semaphore, #tpu.memory_space<semaphore_mem>>
    tpu.enqueue_indirect_dma source(%dma_start3A_270 : memref<1000000x64xf32, #tpu.memory_space<hbm>>) target(%dma_start3A_264 : memref<128x64xf32, #tpu.memory_space<vmem>>) offsets(%dma_start3A_267 : memref<128xi32, #tpu.memory_space<vmem>>) semaphore(%dma_start3A_272 : memref<!tpu.dma_semaphore, #tpu.memory_space<semaphore_mem>>)
    %dma_start3A_273 = arith.constant 0 : i32
    %dma_start3A_274 = arith.constant 0 : i32
    %dma_start3A_275 = arith.constant 0 : i32
    %dma_start3A_276 = arith.constant 256 : i32
    %dma_start3A_277 = arith.constant 0 : i32
    %dma_start3A_278 = tpu.memref_slice %arg10[%dma_start3A_274, %dma_start3A_276, %dma_start3A_277] : memref<4x400x64xf32, #tpu.memory_space<vmem>> -> memref<1x128x64xf32, #tpu.memory_space<vmem>>
    %dma_start3A_279 = tpu.memref_squeeze %dma_start3A_278 : memref<1x128x64xf32, #tpu.memory_space<vmem>> -> memref<128x64xf32, #tpu.memory_space<vmem>>
    %dma_start3A_280 = arith.constant 256 : i32
    %dma_start3A_281 = tpu.memref_slice %arg8[%dma_start3A_273, %dma_start3A_280] : memref<4x400xi32, #tpu.memory_space<vmem>> -> memref<1x128xi32, #tpu.memory_space<vmem>>
    %dma_start3A_282 = tpu.memref_squeeze %dma_start3A_281 : memref<1x128xi32, #tpu.memory_space<vmem>> -> memref<128xi32, #tpu.memory_space<vmem>>
    %dma_start3A_283 = arith.constant 0 : i32
    %dma_start3A_284 = arith.constant 0 : i32
    %dma_start3A_285 = tpu.memref_slice %arg2[%dma_start3A_283, %dma_start3A_284] : memref<1000000x64xf32, #tpu.memory_space<hbm>> -> memref<1000000x64xf32, #tpu.memory_space<hbm>>
    %dma_start3A_286 = tpu.memref_slice %arg14[%dma_start3A_275] : memref<4x!tpu.dma_semaphore, #tpu.memory_space<semaphore_mem>> -> memref<1x!tpu.dma_semaphore, #tpu.memory_space<semaphore_mem>>
    %dma_start3A_287 = tpu.memref_squeeze %dma_start3A_286 : memref<1x!tpu.dma_semaphore, #tpu.memory_space<semaphore_mem>> -> memref<!tpu.dma_semaphore, #tpu.memory_space<semaphore_mem>>
    tpu.enqueue_indirect_dma source(%dma_start3A_285 : memref<1000000x64xf32, #tpu.memory_space<hbm>>) target(%dma_start3A_279 : memref<128x64xf32, #tpu.memory_space<vmem>>) offsets(%dma_start3A_282 : memref<128xi32, #tpu.memory_space<vmem>>) semaphore(%dma_start3A_287 : memref<!tpu.dma_semaphore, #tpu.memory_space<semaphore_mem>>)
    %dma_start3A_288 = arith.constant 0 : i32
    %dma_start3A_289 = arith.constant 0 : i32
    %dma_start3A_290 = arith.constant 0 : i32
    %dma_start3A_291 = arith.constant 384 : i32
    %dma_start3A_292 = arith.constant 0 : i32
    %dma_start3A_293 = tpu.memref_slice %arg10[%dma_start3A_289, %dma_start3A_291, %dma_start3A_292] : memref<4x400x64xf32, #tpu.memory_space<vmem>> -> memref<1x16x64xf32, #tpu.memory_space<vmem>>
    %dma_start3A_294 = tpu.memref_squeeze %dma_start3A_293 : memref<1x16x64xf32, #tpu.memory_space<vmem>> -> memref<16x64xf32, #tpu.memory_space<vmem>>
    %dma_start3A_295 = arith.constant 384 : i32
    %dma_start3A_296 = tpu.memref_slice %arg8[%dma_start3A_288, %dma_start3A_295] : memref<4x400xi32, #tpu.memory_space<vmem>> -> memref<1x16xi32, #tpu.memory_space<vmem>>
    %dma_start3A_297 = tpu.memref_squeeze %dma_start3A_296 : memref<1x16xi32, #tpu.memory_space<vmem>> -> memref<16xi32, #tpu.memory_space<vmem>>
    %dma_start3A_298 = arith.constant 0 : i32
    %dma_start3A_299 = arith.constant 0 : i32
    %dma_start3A_300 = tpu.memref_slice %arg2[%dma_start3A_298, %dma_start3A_299] : memref<1000000x64xf32, #tpu.memory_space<hbm>> -> memref<1000000x64xf32, #tpu.memory_space<hbm>>
    %dma_start3A_301 = tpu.memref_slice %arg14[%dma_start3A_290] : memref<4x!tpu.dma_semaphore, #tpu.memory_space<semaphore_mem>> -> memref<1x!tpu.dma_semaphore, #tpu.memory_space<semaphore_mem>>
    %dma_start3A_302 = tpu.memref_squeeze %dma_start3A_301 : memref<1x!tpu.dma_semaphore, #tpu.memory_space<semaphore_mem>> -> memref<!tpu.dma_semaphore, #tpu.memory_space<semaphore_mem>>
    tpu.enqueue_indirect_dma source(%dma_start3A_300 : memref<1000000x64xf32, #tpu.memory_space<hbm>>) target(%dma_start3A_294 : memref<16x64xf32, #tpu.memory_space<vmem>>) offsets(%dma_start3A_297 : memref<16xi32, #tpu.memory_space<vmem>>) semaphore(%dma_start3A_302 : memref<!tpu.dma_semaphore, #tpu.memory_space<semaphore_mem>>)
    %scan3A = arith.constant 0 : i32
    %scan3A_303 = arith.constant 64 : i32
    %scan3A_304 = arith.addi %scan3A, %scan3A_303 : i32
    %scan3A_305 = arith.constant 1 : i32
    scf.for %scan3A_451 = %scan3A to %scan3A_304 step %scan3A_305  : i32 {
      %mul3A_452 = arith.constant 1 : i32
      %mul3A_453 = arith.muli %scan3A_451, %mul3A_452 : i32
      %add3A_454 = arith.constant 0 : i32
      %add3A_455 = arith.addi %add3A_454, %mul3A_453 : i32
      %add3A_456 = arith.constant 2 : i32
      %add3A_457 = arith.addi %add3A_455, %add3A_456 : i32
      %lt3A = arith.constant 64 : i32
      %lt3A_458 = arith.cmpi slt, %add3A_457, %lt3A : i32
      %convert_element_type3A = arith.extui %lt3A_458 : i1 to i32
      %cond3A = arith.constant 0 : i32
      %cond3A_459 = arith.cmpi ne, %convert_element_type3A, %cond3A : i32
      scf.if %cond3A_459 {
        %add3A_563 = arith.constant 2 : i32
        %add3A_564 = arith.addi %add3A_455, %add3A_563 : i32
        %add3A_565 = arith.constant 2 : i32
        %add3A_566 = arith.addi %add3A_455, %add3A_565 : i32
        %rem3A_567 = arith.constant 4 : i32
        %rem3A_568 = arith.remsi %add3A_566, %rem3A_567 : i32
        %mul3A_569 = arith.constant 2 : i32
        %mul3A_570 = arith.muli %add3A_564, %mul3A_569 : i32
        %add3A_571 = arith.addi %mul3A_2, %mul3A_570 : i32
        %mul3A_572 = arith.constant 200 : i32
        %mul3A_573 = arith.muli %add3A_571, %mul3A_572 : i32
        %dma_start3A_574 = arith.constant 0 : i32
        %dma_start3A_575 = tpu.memref_slice %arg8[%rem3A_568, %dma_start3A_574] : memref<4x400xi32, #tpu.memory_space<vmem>> -> memref<1x400xi32, #tpu.memory_space<vmem>>
        %dma_start3A_576 = tpu.memref_squeeze %dma_start3A_575 : memref<1x400xi32, #tpu.memory_space<vmem>> -> memref<400xi32, #tpu.memory_space<vmem>>
        %dma_start3A_577 = tpu.memref_slice %arg3[%mul3A_573] : memref<819200xi32, #tpu.memory_space<hbm>> -> memref<400xi32, #tpu.memory_space<hbm>>
        %dma_start3A_578 = tpu.memref_slice %arg13[%rem3A_568] : memref<4x!tpu.dma_semaphore, #tpu.memory_space<semaphore_mem>> -> memref<1x!tpu.dma_semaphore, #tpu.memory_space<semaphore_mem>>
        %dma_start3A_579 = tpu.memref_squeeze %dma_start3A_578 : memref<1x!tpu.dma_semaphore, #tpu.memory_space<semaphore_mem>> -> memref<!tpu.dma_semaphore, #tpu.memory_space<semaphore_mem>>
        %dma_start3A_580 = arith.constant 0 : i32
        %dma_start3A_581 = tpu.memref_slice %arg8[%rem3A_568, %dma_start3A_580] : memref<4x400xi32, #tpu.memory_space<vmem>> -> memref<1x400xi32, #tpu.memory_space<vmem>>
        %dma_start3A_582 = tpu.memref_squeeze %dma_start3A_581 : memref<1x400xi32, #tpu.memory_space<vmem>> -> memref<400xi32, #tpu.memory_space<vmem>>
        %dma_start3A_583 = tpu.memref_slice %arg3[%mul3A_573] : memref<819200xi32, #tpu.memory_space<hbm>> -> memref<400xi32, #tpu.memory_space<hbm>>
        tpu.enqueue_dma source(%dma_start3A_583 : memref<400xi32, #tpu.memory_space<hbm>>) target(%dma_start3A_582 : memref<400xi32, #tpu.memory_space<vmem>>) target_semaphore(%dma_start3A_579 : memref<!tpu.dma_semaphore, #tpu.memory_space<semaphore_mem>>)
        %dma_start3A_584 = arith.constant 0 : i32
        %dma_start3A_585 = tpu.memref_slice %arg9[%rem3A_568, %dma_start3A_584] : memref<4x400xf32, #tpu.memory_space<vmem>> -> memref<1x400xf32, #tpu.memory_space<vmem>>
        %dma_start3A_586 = tpu.memref_squeeze %dma_start3A_585 : memref<1x400xf32, #tpu.memory_space<vmem>> -> memref<400xf32, #tpu.memory_space<vmem>>
        %dma_start3A_587 = tpu.memref_slice %arg4[%mul3A_573] : memref<819200xf32, #tpu.memory_space<hbm>> -> memref<400xf32, #tpu.memory_space<hbm>>
        %dma_start3A_588 = tpu.memref_slice %arg13[%rem3A_568] : memref<4x!tpu.dma_semaphore, #tpu.memory_space<semaphore_mem>> -> memref<1x!tpu.dma_semaphore, #tpu.memory_space<semaphore_mem>>
        %dma_start3A_589 = tpu.memref_squeeze %dma_start3A_588 : memref<1x!tpu.dma_semaphore, #tpu.memory_space<semaphore_mem>> -> memref<!tpu.dma_semaphore, #tpu.memory_space<semaphore_mem>>
        %dma_start3A_590 = arith.constant 0 : i32
        %dma_start3A_591 = tpu.memref_slice %arg9[%rem3A_568, %dma_start3A_590] : memref<4x400xf32, #tpu.memory_space<vmem>> -> memref<1x400xf32, #tpu.memory_space<vmem>>
        %dma_start3A_592 = tpu.memref_squeeze %dma_start3A_591 : memref<1x400xf32, #tpu.memory_space<vmem>> -> memref<400xf32, #tpu.memory_space<vmem>>
        %dma_start3A_593 = tpu.memref_slice %arg4[%mul3A_573] : memref<819200xf32, #tpu.memory_space<hbm>> -> memref<400xf32, #tpu.memory_space<hbm>>
        tpu.enqueue_dma source(%dma_start3A_593 : memref<400xf32, #tpu.memory_space<hbm>>) target(%dma_start3A_592 : memref<400xf32, #tpu.memory_space<vmem>>) target_semaphore(%dma_start3A_589 : memref<!tpu.dma_semaphore, #tpu.memory_space<semaphore_mem>>)
      } else {
      }
      %add3A_460 = arith.constant 1 : i32
      %add3A_461 = arith.addi %add3A_455, %add3A_460 : i32
      %lt3A_462 = arith.constant 64 : i32
      %lt3A_463 = arith.cmpi slt, %add3A_461, %lt3A_462 : i32
      %convert_element_type3A_464 = arith.extui %lt3A_463 : i1 to i32
      %cond3A_465 = arith.constant 0 : i32
      %cond3A_466 = arith.cmpi ne, %convert_element_type3A_464, %cond3A_465 : i32
      scf.if %cond3A_466 {
        %add3A_563 = arith.constant 1 : i32
        %add3A_564 = arith.addi %add3A_455, %add3A_563 : i32
        %add3A_565 = arith.constant 1 : i32
        %add3A_566 = arith.addi %add3A_455, %add3A_565 : i32
        %rem3A_567 = arith.constant 4 : i32
        %rem3A_568 = arith.remsi %add3A_566, %rem3A_567 : i32
        %dma_wait3A_569 = arith.constant 0 : i32
        %dma_wait3A_570 = tpu.memref_slice %arg8[%rem3A_568, %dma_wait3A_569] : memref<4x400xi32, #tpu.memory_space<vmem>> -> memref<1x400xi32, #tpu.memory_space<vmem>>
        %dma_wait3A_571 = tpu.memref_squeeze %dma_wait3A_570 : memref<1x400xi32, #tpu.memory_space<vmem>> -> memref<400xi32, #tpu.memory_space<vmem>>
        %dma_wait3A_572 = arith.constant 0 : i32
        %dma_wait3A_573 = tpu.memref_slice %arg3[%dma_wait3A_572] : memref<819200xi32, #tpu.memory_space<hbm>> -> memref<400xi32, #tpu.memory_space<hbm>>
        %dma_wait3A_574 = tpu.memref_slice %arg13[%rem3A_568] : memref<4x!tpu.dma_semaphore, #tpu.memory_space<semaphore_mem>> -> memref<1x!tpu.dma_semaphore, #tpu.memory_space<semaphore_mem>>
        %dma_wait3A_575 = tpu.memref_squeeze %dma_wait3A_574 : memref<1x!tpu.dma_semaphore, #tpu.memory_space<semaphore_mem>> -> memref<!tpu.dma_semaphore, #tpu.memory_space<semaphore_mem>>
        %dma_wait3A_576 = arith.constant 0 : i32
        %dma_wait3A_577 = tpu.memref_slice %arg8[%rem3A_568, %dma_wait3A_576] : memref<4x400xi32, #tpu.memory_space<vmem>> -> memref<1x400xi32, #tpu.memory_space<vmem>>
        %dma_wait3A_578 = tpu.memref_squeeze %dma_wait3A_577 : memref<1x400xi32, #tpu.memory_space<vmem>> -> memref<400xi32, #tpu.memory_space<vmem>>
        %dma_wait3A_579 = arith.constant 0 : i32
        %dma_wait3A_580 = tpu.memref_slice %arg3[%dma_wait3A_579] : memref<819200xi32, #tpu.memory_space<hbm>> -> memref<400xi32, #tpu.memory_space<hbm>>
        tpu.wait_dma2 semaphore(%dma_wait3A_575 : memref<!tpu.dma_semaphore, #tpu.memory_space<semaphore_mem>>) src(%dma_wait3A_580 : memref<400xi32, #tpu.memory_space<hbm>>) dst(%dma_wait3A_578 : memref<400xi32, #tpu.memory_space<vmem>>)
        %dma_wait3A_581 = arith.constant 0 : i32
        %dma_wait3A_582 = tpu.memref_slice %arg9[%rem3A_568, %dma_wait3A_581] : memref<4x400xf32, #tpu.memory_space<vmem>> -> memref<1x400xf32, #tpu.memory_space<vmem>>
        %dma_wait3A_583 = tpu.memref_squeeze %dma_wait3A_582 : memref<1x400xf32, #tpu.memory_space<vmem>> -> memref<400xf32, #tpu.memory_space<vmem>>
        %dma_wait3A_584 = arith.constant 0 : i32
        %dma_wait3A_585 = tpu.memref_slice %arg4[%dma_wait3A_584] : memref<819200xf32, #tpu.memory_space<hbm>> -> memref<400xf32, #tpu.memory_space<hbm>>
        %dma_wait3A_586 = tpu.memref_slice %arg13[%rem3A_568] : memref<4x!tpu.dma_semaphore, #tpu.memory_space<semaphore_mem>> -> memref<1x!tpu.dma_semaphore, #tpu.memory_space<semaphore_mem>>
        %dma_wait3A_587 = tpu.memref_squeeze %dma_wait3A_586 : memref<1x!tpu.dma_semaphore, #tpu.memory_space<semaphore_mem>> -> memref<!tpu.dma_semaphore, #tpu.memory_space<semaphore_mem>>
        %dma_wait3A_588 = arith.constant 0 : i32
        %dma_wait3A_589 = tpu.memref_slice %arg9[%rem3A_568, %dma_wait3A_588] : memref<4x400xf32, #tpu.memory_space<vmem>> -> memref<1x400xf32, #tpu.memory_space<vmem>>
        %dma_wait3A_590 = tpu.memref_squeeze %dma_wait3A_589 : memref<1x400xf32, #tpu.memory_space<vmem>> -> memref<400xf32, #tpu.memory_space<vmem>>
        %dma_wait3A_591 = arith.constant 0 : i32
        %dma_wait3A_592 = tpu.memref_slice %arg4[%dma_wait3A_591] : memref<819200xf32, #tpu.memory_space<hbm>> -> memref<400xf32, #tpu.memory_space<hbm>>
        tpu.wait_dma2 semaphore(%dma_wait3A_587 : memref<!tpu.dma_semaphore, #tpu.memory_space<semaphore_mem>>) src(%dma_wait3A_592 : memref<400xf32, #tpu.memory_space<hbm>>) dst(%dma_wait3A_590 : memref<400xf32, #tpu.memory_space<vmem>>)
        %ge3A = arith.constant 4 : i32
        %ge3A_593 = arith.cmpi sge, %add3A_564, %ge3A : i32
        %convert_element_type3A_594 = arith.extui %ge3A_593 : i1 to i32
        %cond3A_595 = arith.constant 0 : i32
        %cond3A_596 = arith.cmpi ne, %convert_element_type3A_594, %cond3A_595 : i32
        scf.if %cond3A_596 {
          %dma_wait3A_645 = arith.constant 0 : i32
          %dma_wait3A_646 = arith.constant 0 : i32
          %dma_wait3A_647 = tpu.memref_slice %arg10[%rem3A_568, %dma_wait3A_645, %dma_wait3A_646] : memref<4x400x64xf32, #tpu.memory_space<vmem>> -> memref<1x200x64xf32, #tpu.memory_space<vmem>>
          %dma_wait3A_648 = tpu.memref_squeeze %dma_wait3A_647 : memref<1x200x64xf32, #tpu.memory_space<vmem>> -> memref<200x64xf32, #tpu.memory_space<vmem>>
          %dma_wait3A_649 = arith.constant 0 : i32
          %dma_wait3A_650 = arith.constant 0 : i32
          %dma_wait3A_651 = tpu.memref_slice %arg7[%dma_wait3A_649, %dma_wait3A_650] : memref<823296x64xf32, #tpu.memory_space<hbm>> -> memref<200x64xf32, #tpu.memory_space<hbm>>
          %dma_wait3A_652 = tpu.memref_slice %arg15[%rem3A_568] : memref<4x!tpu.dma_semaphore, #tpu.memory_space<semaphore_mem>> -> memref<1x!tpu.dma_semaphore, #tpu.memory_space<semaphore_mem>>
          %dma_wait3A_653 = tpu.memref_squeeze %dma_wait3A_652 : memref<1x!tpu.dma_semaphore, #tpu.memory_space<semaphore_mem>> -> memref<!tpu.dma_semaphore, #tpu.memory_space<semaphore_mem>>
          %dma_wait3A_654 = arith.constant 0 : i32
          %dma_wait3A_655 = arith.constant 0 : i32
          %dma_wait3A_656 = tpu.memref_slice %arg7[%dma_wait3A_654, %dma_wait3A_655] : memref<823296x64xf32, #tpu.memory_space<hbm>> -> memref<200x64xf32, #tpu.memory_space<hbm>>
          %dma_wait3A_657 = arith.constant 0 : i32
          %dma_wait3A_658 = arith.constant 0 : i32
          %dma_wait3A_659 = tpu.memref_slice %arg10[%rem3A_568, %dma_wait3A_657, %dma_wait3A_658] : memref<4x400x64xf32, #tpu.memory_space<vmem>> -> memref<1x200x64xf32, #tpu.memory_space<vmem>>
          %dma_wait3A_660 = tpu.memref_squeeze %dma_wait3A_659 : memref<1x200x64xf32, #tpu.memory_space<vmem>> -> memref<200x64xf32, #tpu.memory_space<vmem>>
          tpu.wait_dma2 semaphore(%dma_wait3A_653 : memref<!tpu.dma_semaphore, #tpu.memory_space<semaphore_mem>>) src(%dma_wait3A_660 : memref<200x64xf32, #tpu.memory_space<vmem>>) dst(%dma_wait3A_656 : memref<200x64xf32, #tpu.memory_space<hbm>>)
          %dma_wait3A_661 = arith.constant 200 : i32
          %dma_wait3A_662 = arith.constant 0 : i32
          %dma_wait3A_663 = tpu.memref_slice %arg10[%rem3A_568, %dma_wait3A_661, %dma_wait3A_662] : memref<4x400x64xf32, #tpu.memory_space<vmem>> -> memref<1x200x64xf32, #tpu.memory_space<vmem>>
          %dma_wait3A_664 = tpu.memref_squeeze %dma_wait3A_663 : memref<1x200x64xf32, #tpu.memory_space<vmem>> -> memref<200x64xf32, #tpu.memory_space<vmem>>
          %dma_wait3A_665 = arith.constant 0 : i32
          %dma_wait3A_666 = arith.constant 0 : i32
          %dma_wait3A_667 = tpu.memref_slice %arg7[%dma_wait3A_665, %dma_wait3A_666] : memref<823296x64xf32, #tpu.memory_space<hbm>> -> memref<200x64xf32, #tpu.memory_space<hbm>>
          %dma_wait3A_668 = tpu.memref_slice %arg15[%rem3A_568] : memref<4x!tpu.dma_semaphore, #tpu.memory_space<semaphore_mem>> -> memref<1x!tpu.dma_semaphore, #tpu.memory_space<semaphore_mem>>
          %dma_wait3A_669 = tpu.memref_squeeze %dma_wait3A_668 : memref<1x!tpu.dma_semaphore, #tpu.memory_space<semaphore_mem>> -> memref<!tpu.dma_semaphore, #tpu.memory_space<semaphore_mem>>
          %dma_wait3A_670 = arith.constant 0 : i32
          %dma_wait3A_671 = arith.constant 0 : i32
          %dma_wait3A_672 = tpu.memref_slice %arg7[%dma_wait3A_670, %dma_wait3A_671] : memref<823296x64xf32, #tpu.memory_space<hbm>> -> memref<200x64xf32, #tpu.memory_space<hbm>>
          %dma_wait3A_673 = arith.constant 200 : i32
          %dma_wait3A_674 = arith.constant 0 : i32
          %dma_wait3A_675 = tpu.memref_slice %arg10[%rem3A_568, %dma_wait3A_673, %dma_wait3A_674] : memref<4x400x64xf32, #tpu.memory_space<vmem>> -> memref<1x200x64xf32, #tpu.memory_space<vmem>>
          %dma_wait3A_676 = tpu.memref_squeeze %dma_wait3A_675 : memref<1x200x64xf32, #tpu.memory_space<vmem>> -> memref<200x64xf32, #tpu.memory_space<vmem>>
          tpu.wait_dma2 semaphore(%dma_wait3A_669 : memref<!tpu.dma_semaphore, #tpu.memory_space<semaphore_mem>>) src(%dma_wait3A_676 : memref<200x64xf32, #tpu.memory_space<vmem>>) dst(%dma_wait3A_672 : memref<200x64xf32, #tpu.memory_space<hbm>>)
        } else {
        }
        %dma_start3A_597 = arith.constant 0 : i32
        %dma_start3A_598 = arith.constant 0 : i32
        %dma_start3A_599 = tpu.memref_slice %arg10[%rem3A_568, %dma_start3A_597, %dma_start3A_598] : memref<4x400x64xf32, #tpu.memory_space<vmem>> -> memref<1x128x64xf32, #tpu.memory_space<vmem>>
        %dma_start3A_600 = tpu.memref_squeeze %dma_start3A_599 : memref<1x128x64xf32, #tpu.memory_space<vmem>> -> memref<128x64xf32, #tpu.memory_space<vmem>>
        %dma_start3A_601 = arith.constant 0 : i32
        %dma_start3A_602 = tpu.memref_slice %arg8[%rem3A_568, %dma_start3A_601] : memref<4x400xi32, #tpu.memory_space<vmem>> -> memref<1x128xi32, #tpu.memory_space<vmem>>
        %dma_start3A_603 = tpu.memref_squeeze %dma_start3A_602 : memref<1x128xi32, #tpu.memory_space<vmem>> -> memref<128xi32, #tpu.memory_space<vmem>>
        %dma_start3A_604 = arith.constant 0 : i32
        %dma_start3A_605 = arith.constant 0 : i32
        %dma_start3A_606 = tpu.memref_slice %arg2[%dma_start3A_604, %dma_start3A_605] : memref<1000000x64xf32, #tpu.memory_space<hbm>> -> memref<1000000x64xf32, #tpu.memory_space<hbm>>
        %dma_start3A_607 = tpu.memref_slice %arg14[%rem3A_568] : memref<4x!tpu.dma_semaphore, #tpu.memory_space<semaphore_mem>> -> memref<1x!tpu.dma_semaphore, #tpu.memory_space<semaphore_mem>>
        %dma_start3A_608 = tpu.memref_squeeze %dma_start3A_607 : memref<1x!tpu.dma_semaphore, #tpu.memory_space<semaphore_mem>> -> memref<!tpu.dma_semaphore, #tpu.memory_space<semaphore_mem>>
        tpu.enqueue_indirect_dma source(%dma_start3A_606 : memref<1000000x64xf32, #tpu.memory_space<hbm>>) target(%dma_start3A_600 : memref<128x64xf32, #tpu.memory_space<vmem>>) offsets(%dma_start3A_603 : memref<128xi32, #tpu.memory_space<vmem>>) semaphore(%dma_start3A_608 : memref<!tpu.dma_semaphore, #tpu.memory_space<semaphore_mem>>)
        %dma_start3A_609 = arith.constant 128 : i32
        %dma_start3A_610 = arith.constant 0 : i32
        %dma_start3A_611 = tpu.memref_slice %arg10[%rem3A_568, %dma_start3A_609, %dma_start3A_610] : memref<4x400x64xf32, #tpu.memory_space<vmem>> -> memref<1x128x64xf32, #tpu.memory_space<vmem>>
        %dma_start3A_612 = tpu.memref_squeeze %dma_start3A_611 : memref<1x128x64xf32, #tpu.memory_space<vmem>> -> memref<128x64xf32, #tpu.memory_space<vmem>>
        %dma_start3A_613 = arith.constant 128 : i32
        %dma_start3A_614 = tpu.memref_slice %arg8[%rem3A_568, %dma_start3A_613] : memref<4x400xi32, #tpu.memory_space<vmem>> -> memref<1x128xi32, #tpu.memory_space<vmem>>
        %dma_start3A_615 = tpu.memref_squeeze %dma_start3A_614 : memref<1x128xi32, #tpu.memory_space<vmem>> -> memref<128xi32, #tpu.memory_space<vmem>>
        %dma_start3A_616 = arith.constant 0 : i32
        %dma_start3A_617 = arith.constant 0 : i32
        %dma_start3A_618 = tpu.memref_slice %arg2[%dma_start3A_616, %dma_start3A_617] : memref<1000000x64xf32, #tpu.memory_space<hbm>> -> memref<1000000x64xf32, #tpu.memory_space<hbm>>
        %dma_start3A_619 = tpu.memref_slice %arg14[%rem3A_568] : memref<4x!tpu.dma_semaphore, #tpu.memory_space<semaphore_mem>> -> memref<1x!tpu.dma_semaphore, #tpu.memory_space<semaphore_mem>>
        %dma_start3A_620 = tpu.memref_squeeze %dma_start3A_619 : memref<1x!tpu.dma_semaphore, #tpu.memory_space<semaphore_mem>> -> memref<!tpu.dma_semaphore, #tpu.memory_space<semaphore_mem>>
        tpu.enqueue_indirect_dma source(%dma_start3A_618 : memref<1000000x64xf32, #tpu.memory_space<hbm>>) target(%dma_start3A_612 : memref<128x64xf32, #tpu.memory_space<vmem>>) offsets(%dma_start3A_615 : memref<128xi32, #tpu.memory_space<vmem>>) semaphore(%dma_start3A_620 : memref<!tpu.dma_semaphore, #tpu.memory_space<semaphore_mem>>)
        %dma_start3A_621 = arith.constant 256 : i32
        %dma_start3A_622 = arith.constant 0 : i32
        %dma_start3A_623 = tpu.memref_slice %arg10[%rem3A_568, %dma_start3A_621, %dma_start3A_622] : memref<4x400x64xf32, #tpu.memory_space<vmem>> -> memref<1x128x64xf32, #tpu.memory_space<vmem>>
        %dma_start3A_624 = tpu.memref_squeeze %dma_start3A_623 : memref<1x128x64xf32, #tpu.memory_space<vmem>> -> memref<128x64xf32, #tpu.memory_space<vmem>>
        %dma_start3A_625 = arith.constant 256 : i32
        %dma_start3A_626 = tpu.memref_slice %arg8[%rem3A_568, %dma_start3A_625] : memref<4x400xi32, #tpu.memory_space<vmem>> -> memref<1x128xi32, #tpu.memory_space<vmem>>
        %dma_start3A_627 = tpu.memref_squeeze %dma_start3A_626 : memref<1x128xi32, #tpu.memory_space<vmem>> -> memref<128xi32, #tpu.memory_space<vmem>>
        %dma_start3A_628 = arith.constant 0 : i32
        %dma_start3A_629 = arith.constant 0 : i32
        %dma_start3A_630 = tpu.memref_slice %arg2[%dma_start3A_628, %dma_start3A_629] : memref<1000000x64xf32, #tpu.memory_space<hbm>> -> memref<1000000x64xf32, #tpu.memory_space<hbm>>
        %dma_start3A_631 = tpu.memref_slice %arg14[%rem3A_568] : memref<4x!tpu.dma_semaphore, #tpu.memory_space<semaphore_mem>> -> memref<1x!tpu.dma_semaphore, #tpu.memory_space<semaphore_mem>>
        %dma_start3A_632 = tpu.memref_squeeze %dma_start3A_631 : memref<1x!tpu.dma_semaphore, #tpu.memory_space<semaphore_mem>> -> memref<!tpu.dma_semaphore, #tpu.memory_space<semaphore_mem>>
        tpu.enqueue_indirect_dma source(%dma_start3A_630 : memref<1000000x64xf32, #tpu.memory_space<hbm>>) target(%dma_start3A_624 : memref<128x64xf32, #tpu.memory_space<vmem>>) offsets(%dma_start3A_627 : memref<128xi32, #tpu.memory_space<vmem>>) semaphore(%dma_start3A_632 : memref<!tpu.dma_semaphore, #tpu.memory_space<semaphore_mem>>)
        %dma_start3A_633 = arith.constant 384 : i32
        %dma_start3A_634 = arith.constant 0 : i32
        %dma_start3A_635 = tpu.memref_slice %arg10[%rem3A_568, %dma_start3A_633, %dma_start3A_634] : memref<4x400x64xf32, #tpu.memory_space<vmem>> -> memref<1x16x64xf32, #tpu.memory_space<vmem>>
        %dma_start3A_636 = tpu.memref_squeeze %dma_start3A_635 : memref<1x16x64xf32, #tpu.memory_space<vmem>> -> memref<16x64xf32, #tpu.memory_space<vmem>>
        %dma_start3A_637 = arith.constant 384 : i32
        %dma_start3A_638 = tpu.memref_slice %arg8[%rem3A_568, %dma_start3A_637] : memref<4x400xi32, #tpu.memory_space<vmem>> -> memref<1x16xi32, #tpu.memory_space<vmem>>
        %dma_start3A_639 = tpu.memref_squeeze %dma_start3A_638 : memref<1x16xi32, #tpu.memory_space<vmem>> -> memref<16xi32, #tpu.memory_space<vmem>>
        %dma_start3A_640 = arith.constant 0 : i32
        %dma_start3A_641 = arith.constant 0 : i32
        %dma_start3A_642 = tpu.memref_slice %arg2[%dma_start3A_640, %dma_start3A_641] : memref<1000000x64xf32, #tpu.memory_space<hbm>> -> memref<1000000x64xf32, #tpu.memory_space<hbm>>
        %dma_start3A_643 = tpu.memref_slice %arg14[%rem3A_568] : memref<4x!tpu.dma_semaphore, #tpu.memory_space<semaphore_mem>> -> memref<1x!tpu.dma_semaphore, #tpu.memory_space<semaphore_mem>>
        %dma_start3A_644 = tpu.memref_squeeze %dma_start3A_643 : memref<1x!tpu.dma_semaphore, #tpu.memory_space<semaphore_mem>> -> memref<!tpu.dma_semaphore, #tpu.memory_space<semaphore_mem>>
        tpu.enqueue_indirect_dma source(%dma_start3A_642 : memref<1000000x64xf32, #tpu.memory_space<hbm>>) target(%dma_start3A_636 : memref<16x64xf32, #tpu.memory_space<vmem>>) offsets(%dma_start3A_639 : memref<16xi32, #tpu.memory_space<vmem>>) semaphore(%dma_start3A_644 : memref<!tpu.dma_semaphore, #tpu.memory_space<semaphore_mem>>)
      } else {
      }
      %rem3A = arith.constant 4 : i32
      %rem3A_467 = arith.remsi %add3A_455, %rem3A : i32
      %dma_wait3A_468 = arith.constant 0 : i32
      %dma_wait3A_469 = arith.constant 0 : i32
      %dma_wait3A_470 = tpu.memref_slice %arg10[%rem3A_467, %dma_wait3A_468, %dma_wait3A_469] : memref<4x400x64xf32, #tpu.memory_space<vmem>> -> memref<1x128x64xf32, #tpu.memory_space<vmem>>
      %dma_wait3A_471 = tpu.memref_squeeze %dma_wait3A_470 : memref<1x128x64xf32, #tpu.memory_space<vmem>> -> memref<128x64xf32, #tpu.memory_space<vmem>>
      %dma_wait3A_472 = arith.constant 0 : i32
      %dma_wait3A_473 = tpu.memref_slice %arg8[%rem3A_467, %dma_wait3A_472] : memref<4x400xi32, #tpu.memory_space<vmem>> -> memref<1x128xi32, #tpu.memory_space<vmem>>
      %dma_wait3A_474 = tpu.memref_squeeze %dma_wait3A_473 : memref<1x128xi32, #tpu.memory_space<vmem>> -> memref<128xi32, #tpu.memory_space<vmem>>
      %dma_wait3A_475 = arith.constant 0 : i32
      %dma_wait3A_476 = arith.constant 0 : i32
      %dma_wait3A_477 = tpu.memref_slice %arg2[%dma_wait3A_475, %dma_wait3A_476] : memref<1000000x64xf32, #tpu.memory_space<hbm>> -> memref<1000000x64xf32, #tpu.memory_space<hbm>>
      %dma_wait3A_478 = tpu.memref_slice %arg14[%rem3A_467] : memref<4x!tpu.dma_semaphore, #tpu.memory_space<semaphore_mem>> -> memref<1x!tpu.dma_semaphore, #tpu.memory_space<semaphore_mem>>
      %dma_wait3A_479 = tpu.memref_squeeze %dma_wait3A_478 : memref<1x!tpu.dma_semaphore, #tpu.memory_space<semaphore_mem>> -> memref<!tpu.dma_semaphore, #tpu.memory_space<semaphore_mem>>
      tpu.wait_indirect_dma semaphore(%dma_wait3A_479 : memref<!tpu.dma_semaphore, #tpu.memory_space<semaphore_mem>>) src(%dma_wait3A_477 : memref<1000000x64xf32, #tpu.memory_space<hbm>>) dst(%dma_wait3A_471 : memref<128x64xf32, #tpu.memory_space<vmem>>)
      %dma_wait3A_480 = arith.constant 128 : i32
      %dma_wait3A_481 = arith.constant 0 : i32
      %dma_wait3A_482 = tpu.memref_slice %arg10[%rem3A_467, %dma_wait3A_480, %dma_wait3A_481] : memref<4x400x64xf32, #tpu.memory_space<vmem>> -> memref<1x128x64xf32, #tpu.memory_space<vmem>>
      %dma_wait3A_483 = tpu.memref_squeeze %dma_wait3A_482 : memref<1x128x64xf32, #tpu.memory_space<vmem>> -> memref<128x64xf32, #tpu.memory_space<vmem>>
      %dma_wait3A_484 = arith.constant 128 : i32
      %dma_wait3A_485 = tpu.memref_slice %arg8[%rem3A_467, %dma_wait3A_484] : memref<4x400xi32, #tpu.memory_space<vmem>> -> memref<1x128xi32, #tpu.memory_space<vmem>>
      %dma_wait3A_486 = tpu.memref_squeeze %dma_wait3A_485 : memref<1x128xi32, #tpu.memory_space<vmem>> -> memref<128xi32, #tpu.memory_space<vmem>>
      %dma_wait3A_487 = arith.constant 0 : i32
      %dma_wait3A_488 = arith.constant 0 : i32
      %dma_wait3A_489 = tpu.memref_slice %arg2[%dma_wait3A_487, %dma_wait3A_488] : memref<1000000x64xf32, #tpu.memory_space<hbm>> -> memref<1000000x64xf32, #tpu.memory_space<hbm>>
      %dma_wait3A_490 = tpu.memref_slice %arg14[%rem3A_467] : memref<4x!tpu.dma_semaphore, #tpu.memory_space<semaphore_mem>> -> memref<1x!tpu.dma_semaphore, #tpu.memory_space<semaphore_mem>>
      %dma_wait3A_491 = tpu.memref_squeeze %dma_wait3A_490 : memref<1x!tpu.dma_semaphore, #tpu.memory_space<semaphore_mem>> -> memref<!tpu.dma_semaphore, #tpu.memory_space<semaphore_mem>>
      tpu.wait_indirect_dma semaphore(%dma_wait3A_491 : memref<!tpu.dma_semaphore, #tpu.memory_space<semaphore_mem>>) src(%dma_wait3A_489 : memref<1000000x64xf32, #tpu.memory_space<hbm>>) dst(%dma_wait3A_483 : memref<128x64xf32, #tpu.memory_space<vmem>>)
      %dma_wait3A_492 = arith.constant 256 : i32
      %dma_wait3A_493 = arith.constant 0 : i32
      %dma_wait3A_494 = tpu.memref_slice %arg10[%rem3A_467, %dma_wait3A_492, %dma_wait3A_493] : memref<4x400x64xf32, #tpu.memory_space<vmem>> -> memref<1x128x64xf32, #tpu.memory_space<vmem>>
      %dma_wait3A_495 = tpu.memref_squeeze %dma_wait3A_494 : memref<1x128x64xf32, #tpu.memory_space<vmem>> -> memref<128x64xf32, #tpu.memory_space<vmem>>
      %dma_wait3A_496 = arith.constant 256 : i32
      %dma_wait3A_497 = tpu.memref_slice %arg8[%rem3A_467, %dma_wait3A_496] : memref<4x400xi32, #tpu.memory_space<vmem>> -> memref<1x128xi32, #tpu.memory_space<vmem>>
      %dma_wait3A_498 = tpu.memref_squeeze %dma_wait3A_497 : memref<1x128xi32, #tpu.memory_space<vmem>> -> memref<128xi32, #tpu.memory_space<vmem>>
      %dma_wait3A_499 = arith.constant 0 : i32
      %dma_wait3A_500 = arith.constant 0 : i32
      %dma_wait3A_501 = tpu.memref_slice %arg2[%dma_wait3A_499, %dma_wait3A_500] : memref<1000000x64xf32, #tpu.memory_space<hbm>> -> memref<1000000x64xf32, #tpu.memory_space<hbm>>
      %dma_wait3A_502 = tpu.memref_slice %arg14[%rem3A_467] : memref<4x!tpu.dma_semaphore, #tpu.memory_space<semaphore_mem>> -> memref<1x!tpu.dma_semaphore, #tpu.memory_space<semaphore_mem>>
      %dma_wait3A_503 = tpu.memref_squeeze %dma_wait3A_502 : memref<1x!tpu.dma_semaphore, #tpu.memory_space<semaphore_mem>> -> memref<!tpu.dma_semaphore, #tpu.memory_space<semaphore_mem>>
      tpu.wait_indirect_dma semaphore(%dma_wait3A_503 : memref<!tpu.dma_semaphore, #tpu.memory_space<semaphore_mem>>) src(%dma_wait3A_501 : memref<1000000x64xf32, #tpu.memory_space<hbm>>) dst(%dma_wait3A_495 : memref<128x64xf32, #tpu.memory_space<vmem>>)
      %dma_wait3A_504 = arith.constant 384 : i32
      %dma_wait3A_505 = arith.constant 0 : i32
      %dma_wait3A_506 = tpu.memref_slice %arg10[%rem3A_467, %dma_wait3A_504, %dma_wait3A_505] : memref<4x400x64xf32, #tpu.memory_space<vmem>> -> memref<1x16x64xf32, #tpu.memory_space<vmem>>
      %dma_wait3A_507 = tpu.memref_squeeze %dma_wait3A_506 : memref<1x16x64xf32, #tpu.memory_space<vmem>> -> memref<16x64xf32, #tpu.memory_space<vmem>>
      %dma_wait3A_508 = arith.constant 384 : i32
      %dma_wait3A_509 = tpu.memref_slice %arg8[%rem3A_467, %dma_wait3A_508] : memref<4x400xi32, #tpu.memory_space<vmem>> -> memref<1x16xi32, #tpu.memory_space<vmem>>
      %dma_wait3A_510 = tpu.memref_squeeze %dma_wait3A_509 : memref<1x16xi32, #tpu.memory_space<vmem>> -> memref<16xi32, #tpu.memory_space<vmem>>
      %dma_wait3A_511 = arith.constant 0 : i32
      %dma_wait3A_512 = arith.constant 0 : i32
      %dma_wait3A_513 = tpu.memref_slice %arg2[%dma_wait3A_511, %dma_wait3A_512] : memref<1000000x64xf32, #tpu.memory_space<hbm>> -> memref<1000000x64xf32, #tpu.memory_space<hbm>>
      %dma_wait3A_514 = tpu.memref_slice %arg14[%rem3A_467] : memref<4x!tpu.dma_semaphore, #tpu.memory_space<semaphore_mem>> -> memref<1x!tpu.dma_semaphore, #tpu.memory_space<semaphore_mem>>
      %dma_wait3A_515 = tpu.memref_squeeze %dma_wait3A_514 : memref<1x!tpu.dma_semaphore, #tpu.memory_space<semaphore_mem>> -> memref<!tpu.dma_semaphore, #tpu.memory_space<semaphore_mem>>
      tpu.wait_indirect_dma semaphore(%dma_wait3A_515 : memref<!tpu.dma_semaphore, #tpu.memory_space<semaphore_mem>>) src(%dma_wait3A_513 : memref<1000000x64xf32, #tpu.memory_space<hbm>>) dst(%dma_wait3A_507 : memref<16x64xf32, #tpu.memory_space<vmem>>)
      %scan3A_516 = arith.constant 0 : i32
      %scan3A_517 = arith.constant 25 : i32
      %scan3A_518 = arith.addi %scan3A_516, %scan3A_517 : i32
      %scan3A_519 = arith.constant 1 : i32
      scf.for %scan3A_563 = %scan3A_516 to %scan3A_518 step %scan3A_519  : i32 {
        %mul3A_564 = arith.constant 1 : i32
        %mul3A_565 = arith.muli %scan3A_563, %mul3A_564 : i32
        %add3A_566 = arith.constant 0 : i32
        %add3A_567 = arith.addi %add3A_566, %mul3A_565 : i32
        %mul3A_568 = arith.constant 16 : i32
        %mul3A_569 = arith.muli %add3A_567, %mul3A_568 : i32
        %iota3A_570 = tpu.iota {dimensions = array<i32: 0>} : vector<16xi32>
        %add3A_571 = vector.broadcast %mul3A_569 : i32 to vector<16xi32>
        %add3A_572 = arith.addi %add3A_571, %iota3A_570 : vector<16xi32>
        %rem3A_573 = arith.constant 200 : i32
        %rem3A_574 = vector.broadcast %rem3A_573 : i32 to vector<16xi32>
        %rem3A_575 = arith.remsi %add3A_572, %rem3A_574 : vector<16xi32>
        %get3A = arith.index_cast %rem3A_467 : i32 to index
        %get3A_576 = arith.index_cast %mul3A_569 : i32 to index
        %get3A_577 = tpu.vector_load %arg9[%get3A, %get3A_576] {strides = array<i32>} : memref<4x400xf32, #tpu.memory_space<vmem>>, vector<1x16xf32>,
        %get3A_578 = vector.shape_cast %get3A_577 : vector<1x16xf32> to vector<16xf32>
        %slice3A = vector.extract_strided_slice %rem3A_575 {offsets = [0], sizes = [1], strides = [1]} : vector<16xi32> to vector<1xi32>
        %squeeze3A = vector.extract %slice3A[0] : i32 from vector<1xi32>
        %slice3A_579 = vector.extract_strided_slice %rem3A_575 {offsets = [1], sizes = [1], strides = [1]} : vector<16xi32> to vector<1xi32>
        %squeeze3A_580 = vector.extract %slice3A_579[0] : i32 from vector<1xi32>
        %slice3A_581 = vector.extract_strided_slice %rem3A_575 {offsets = [2], sizes = [1], strides = [1]} : vector<16xi32> to vector<1xi32>
        %squeeze3A_582 = vector.extract %slice3A_581[0] : i32 from vector<1xi32>
        %slice3A_583 = vector.extract_strided_slice %rem3A_575 {offsets = [3], sizes = [1], strides = [1]} : vector<16xi32> to vector<1xi32>
        %squeeze3A_584 = vector.extract %slice3A_583[0] : i32 from vector<1xi32>
        %slice3A_585 = vector.extract_strided_slice %rem3A_575 {offsets = [4], sizes = [1], strides = [1]} : vector<16xi32> to vector<1xi32>
        %squeeze3A_586 = vector.extract %slice3A_585[0] : i32 from vector<1xi32>
        %slice3A_587 = vector.extract_strided_slice %rem3A_575 {offsets = [5], sizes = [1], strides = [1]} : vector<16xi32> to vector<1xi32>
        %squeeze3A_588 = vector.extract %slice3A_587[0] : i32 from vector<1xi32>
        %slice3A_589 = vector.extract_strided_slice %rem3A_575 {offsets = [6], sizes = [1], strides = [1]} : vector<16xi32> to vector<1xi32>
        %squeeze3A_590 = vector.extract %slice3A_589[0] : i32 from vector<1xi32>
        %slice3A_591 = vector.extract_strided_slice %rem3A_575 {offsets = [7], sizes = [1], strides = [1]} : vector<16xi32> to vector<1xi32>
        %squeeze3A_592 = vector.extract %slice3A_591[0] : i32 from vector<1xi32>
        %slice3A_593 = vector.extract_strided_slice %rem3A_575 {offsets = [8], sizes = [1], strides = [1]} : vector<16xi32> to vector<1xi32>
        %squeeze3A_594 = vector.extract %slice3A_593[0] : i32 from vector<1xi32>
        %slice3A_595 = vector.extract_strided_slice %rem3A_575 {offsets = [9], sizes = [1], strides = [1]} : vector<16xi32> to vector<1xi32>
        %squeeze3A_596 = vector.extract %slice3A_595[0] : i32 from vector<1xi32>
        %slice3A_597 = vector.extract_strided_slice %rem3A_575 {offsets = [10], sizes = [1], strides = [1]} : vector<16xi32> to vector<1xi32>
        %squeeze3A_598 = vector.extract %slice3A_597[0] : i32 from vector<1xi32>
        %slice3A_599 = vector.extract_strided_slice %rem3A_575 {offsets = [11], sizes = [1], strides = [1]} : vector<16xi32> to vector<1xi32>
        %squeeze3A_600 = vector.extract %slice3A_599[0] : i32 from vector<1xi32>
        %slice3A_601 = vector.extract_strided_slice %rem3A_575 {offsets = [12], sizes = [1], strides = [1]} : vector<16xi32> to vector<1xi32>
        %squeeze3A_602 = vector.extract %slice3A_601[0] : i32 from vector<1xi32>
        %slice3A_603 = vector.extract_strided_slice %rem3A_575 {offsets = [13], sizes = [1], strides = [1]} : vector<16xi32> to vector<1xi32>
        %squeeze3A_604 = vector.extract %slice3A_603[0] : i32 from vector<1xi32>
        %slice3A_605 = vector.extract_strided_slice %rem3A_575 {offsets = [14], sizes = [1], strides = [1]} : vector<16xi32> to vector<1xi32>
        %squeeze3A_606 = vector.extract %slice3A_605[0] : i32 from vector<1xi32>
        %slice3A_607 = vector.extract_strided_slice %rem3A_575 {offsets = [15], sizes = [1], strides = [1]} : vector<16xi32> to vector<1xi32>
        %squeeze3A_608 = vector.extract %slice3A_607[0] : i32 from vector<1xi32>
        %add3A_609 = arith.constant 0 : i32
        %add3A_610 = arith.addi %mul3A_569, %add3A_609 : i32
        %get3A_611 = arith.index_cast %rem3A_467 : i32 to index
        %get3A_612 = arith.index_cast %add3A_610 : i32 to index
        %get3A_613 = arith.constant 0 : index
        %get3A_614 = tpu.vector_load %arg10[%get3A_611, %get3A_612, %get3A_613] {strides = array<i32>} : memref<4x400x64xf32, #tpu.memory_space<vmem>>, vector<1x1x16xf32>,
        %get3A_615 = vector.shape_cast %get3A_614 : vector<1x1x16xf32> to vector<16xf32>
        %get3A_616 = arith.index_cast %squeeze3A : i32 to index
        %get3A_617 = arith.constant 0 : index
        %get3A_618 = tpu.vector_load %arg11[%get3A_616, %get3A_617] {strides = array<i32>} : memref<200x64xf32, #tpu.memory_space<vmem>>, vector<1x16xf32>,
        %get3A_619 = vector.shape_cast %get3A_618 : vector<1x16xf32> to vector<16xf32>
        %add3A_620 = arith.addf %get3A_615, %get3A_619 : vector<16xf32>
        %get3A_621 = arith.index_cast %rem3A_467 : i32 to index
        %get3A_622 = arith.index_cast %add3A_610 : i32 to index
        %get3A_623 = arith.constant 16 : index
        %get3A_624 = tpu.vector_load %arg10[%get3A_621, %get3A_622, %get3A_623] {strides = array<i32>} : memref<4x400x64xf32, #tpu.memory_space<vmem>>, vector<1x1x16xf32>,
        %get3A_625 = vector.shape_cast %get3A_624 : vector<1x1x16xf32> to vector<16xf32>
        %get3A_626 = arith.index_cast %squeeze3A : i32 to index
        %get3A_627 = arith.constant 16 : index
        %get3A_628 = tpu.vector_load %arg11[%get3A_626, %get3A_627] {strides = array<i32>} : memref<200x64xf32, #tpu.memory_space<vmem>>, vector<1x16xf32>,
        %get3A_629 = vector.shape_cast %get3A_628 : vector<1x16xf32> to vector<16xf32>
        %add3A_630 = arith.addf %get3A_625, %get3A_629 : vector<16xf32>
        %get3A_631 = arith.index_cast %rem3A_467 : i32 to index
        %get3A_632 = arith.index_cast %add3A_610 : i32 to index
        %get3A_633 = arith.constant 32 : index
        %get3A_634 = tpu.vector_load %arg10[%get3A_631, %get3A_632, %get3A_633] {strides = array<i32>} : memref<4x400x64xf32, #tpu.memory_space<vmem>>, vector<1x1x16xf32>,
        %get3A_635 = vector.shape_cast %get3A_634 : vector<1x1x16xf32> to vector<16xf32>
        %get3A_636 = arith.index_cast %squeeze3A : i32 to index
        %get3A_637 = arith.constant 32 : index
        %get3A_638 = tpu.vector_load %arg11[%get3A_636, %get3A_637] {strides = array<i32>} : memref<200x64xf32, #tpu.memory_space<vmem>>, vector<1x16xf32>,
        %get3A_639 = vector.shape_cast %get3A_638 : vector<1x16xf32> to vector<16xf32>
        %add3A_640 = arith.addf %get3A_635, %get3A_639 : vector<16xf32>
        %get3A_641 = arith.index_cast %rem3A_467 : i32 to index
        %get3A_642 = arith.index_cast %add3A_610 : i32 to index
        %get3A_643 = arith.constant 48 : index
        %get3A_644 = tpu.vector_load %arg10[%get3A_641, %get3A_642, %get3A_643] {strides = array<i32>} : memref<4x400x64xf32, #tpu.memory_space<vmem>>, vector<1x1x16xf32>,
        %get3A_645 = vector.shape_cast %get3A_644 : vector<1x1x16xf32> to vector<16xf32>
        %get3A_646 = arith.index_cast %squeeze3A : i32 to index
        %get3A_647 = arith.constant 48 : index
        %get3A_648 = tpu.vector_load %arg11[%get3A_646, %get3A_647] {strides = array<i32>} : memref<200x64xf32, #tpu.memory_space<vmem>>, vector<1x16xf32>,
        %get3A_649 = vector.shape_cast %get3A_648 : vector<1x16xf32> to vector<16xf32>
        %add3A_650 = arith.addf %get3A_645, %get3A_649 : vector<16xf32>
        %add3A_651 = arith.constant 1 : i32
        %add3A_652 = arith.addi %mul3A_569, %add3A_651 : i32
        %get3A_653 = arith.index_cast %rem3A_467 : i32 to index
        %get3A_654 = arith.index_cast %add3A_652 : i32 to index
        %get3A_655 = arith.constant 0 : index
        %get3A_656 = tpu.vector_load %arg10[%get3A_653, %get3A_654, %get3A_655] {strides = array<i32>} : memref<4x400x64xf32, #tpu.memory_space<vmem>>, vector<1x1x16xf32>,
        %get3A_657 = vector.shape_cast %get3A_656 : vector<1x1x16xf32> to vector<16xf32>
        %get3A_658 = arith.index_cast %squeeze3A_580 : i32 to index
        %get3A_659 = arith.constant 0 : index
        %get3A_660 = tpu.vector_load %arg11[%get3A_658, %get3A_659] {strides = array<i32>} : memref<200x64xf32, #tpu.memory_space<vmem>>, vector<1x16xf32>,
        %get3A_661 = vector.shape_cast %get3A_660 : vector<1x16xf32> to vector<16xf32>
        %add3A_662 = arith.addf %get3A_657, %get3A_661 : vector<16xf32>
        %get3A_663 = arith.index_cast %rem3A_467 : i32 to index
        %get3A_664 = arith.index_cast %add3A_652 : i32 to index
        %get3A_665 = arith.constant 16 : index
        %get3A_666 = tpu.vector_load %arg10[%get3A_663, %get3A_664, %get3A_665] {strides = array<i32>} : memref<4x400x64xf32, #tpu.memory_space<vmem>>, vector<1x1x16xf32>,
        %get3A_667 = vector.shape_cast %get3A_666 : vector<1x1x16xf32> to vector<16xf32>
        %get3A_668 = arith.index_cast %squeeze3A_580 : i32 to index
        %get3A_669 = arith.constant 16 : index
        %get3A_670 = tpu.vector_load %arg11[%get3A_668, %get3A_669] {strides = array<i32>} : memref<200x64xf32, #tpu.memory_space<vmem>>, vector<1x16xf32>,
        %get3A_671 = vector.shape_cast %get3A_670 : vector<1x16xf32> to vector<16xf32>
        %add3A_672 = arith.addf %get3A_667, %get3A_671 : vector<16xf32>
        %get3A_673 = arith.index_cast %rem3A_467 : i32 to index
        %get3A_674 = arith.index_cast %add3A_652 : i32 to index
        %get3A_675 = arith.constant 32 : index
        %get3A_676 = tpu.vector_load %arg10[%get3A_673, %get3A_674, %get3A_675] {strides = array<i32>} : memref<4x400x64xf32, #tpu.memory_space<vmem>>, vector<1x1x16xf32>,
        %get3A_677 = vector.shape_cast %get3A_676 : vector<1x1x16xf32> to vector<16xf32>
        %get3A_678 = arith.index_cast %squeeze3A_580 : i32 to index
        %get3A_679 = arith.constant 32 : index
        %get3A_680 = tpu.vector_load %arg11[%get3A_678, %get3A_679] {strides = array<i32>} : memref<200x64xf32, #tpu.memory_space<vmem>>, vector<1x16xf32>,
        %get3A_681 = vector.shape_cast %get3A_680 : vector<1x16xf32> to vector<16xf32>
        %add3A_682 = arith.addf %get3A_677, %get3A_681 : vector<16xf32>
        %get3A_683 = arith.index_cast %rem3A_467 : i32 to index
        %get3A_684 = arith.index_cast %add3A_652 : i32 to index
        %get3A_685 = arith.constant 48 : index
        %get3A_686 = tpu.vector_load %arg10[%get3A_683, %get3A_684, %get3A_685] {strides = array<i32>} : memref<4x400x64xf32, #tpu.memory_space<vmem>>, vector<1x1x16xf32>,
        %get3A_687 = vector.shape_cast %get3A_686 : vector<1x1x16xf32> to vector<16xf32>
        %get3A_688 = arith.index_cast %squeeze3A_580 : i32 to index
        %get3A_689 = arith.constant 48 : index
        %get3A_690 = tpu.vector_load %arg11[%get3A_688, %get3A_689] {strides = array<i32>} : memref<200x64xf32, #tpu.memory_space<vmem>>, vector<1x16xf32>,
        %get3A_691 = vector.shape_cast %get3A_690 : vector<1x16xf32> to vector<16xf32>
        %add3A_692 = arith.addf %get3A_687, %get3A_691 : vector<16xf32>
        %add3A_693 = arith.constant 2 : i32
        %add3A_694 = arith.addi %mul3A_569, %add3A_693 : i32
        %get3A_695 = arith.index_cast %rem3A_467 : i32 to index
        %get3A_696 = arith.index_cast %add3A_694 : i32 to index
        %get3A_697 = arith.constant 0 : index
        %get3A_698 = tpu.vector_load %arg10[%get3A_695, %get3A_696, %get3A_697] {strides = array<i32>} : memref<4x400x64xf32, #tpu.memory_space<vmem>>, vector<1x1x16xf32>,
        %get3A_699 = vector.shape_cast %get3A_698 : vector<1x1x16xf32> to vector<16xf32>
        %get3A_700 = arith.index_cast %squeeze3A_582 : i32 to index
        %get3A_701 = arith.constant 0 : index
        %get3A_702 = tpu.vector_load %arg11[%get3A_700, %get3A_701] {strides = array<i32>} : memref<200x64xf32, #tpu.memory_space<vmem>>, vector<1x16xf32>,
        %get3A_703 = vector.shape_cast %get3A_702 : vector<1x16xf32> to vector<16xf32>
        %add3A_704 = arith.addf %get3A_699, %get3A_703 : vector<16xf32>
        %get3A_705 = arith.index_cast %rem3A_467 : i32 to index
        %get3A_706 = arith.index_cast %add3A_694 : i32 to index
        %get3A_707 = arith.constant 16 : index
        %get3A_708 = tpu.vector_load %arg10[%get3A_705, %get3A_706, %get3A_707] {strides = array<i32>} : memref<4x400x64xf32, #tpu.memory_space<vmem>>, vector<1x1x16xf32>,
        %get3A_709 = vector.shape_cast %get3A_708 : vector<1x1x16xf32> to vector<16xf32>
        %get3A_710 = arith.index_cast %squeeze3A_582 : i32 to index
        %get3A_711 = arith.constant 16 : index
        %get3A_712 = tpu.vector_load %arg11[%get3A_710, %get3A_711] {strides = array<i32>} : memref<200x64xf32, #tpu.memory_space<vmem>>, vector<1x16xf32>,
        %get3A_713 = vector.shape_cast %get3A_712 : vector<1x16xf32> to vector<16xf32>
        %add3A_714 = arith.addf %get3A_709, %get3A_713 : vector<16xf32>
        %get3A_715 = arith.index_cast %rem3A_467 : i32 to index
        %get3A_716 = arith.index_cast %add3A_694 : i32 to index
        %get3A_717 = arith.constant 32 : index
        %get3A_718 = tpu.vector_load %arg10[%get3A_715, %get3A_716, %get3A_717] {strides = array<i32>} : memref<4x400x64xf32, #tpu.memory_space<vmem>>, vector<1x1x16xf32>,
        %get3A_719 = vector.shape_cast %get3A_718 : vector<1x1x16xf32> to vector<16xf32>
        %get3A_720 = arith.index_cast %squeeze3A_582 : i32 to index
        %get3A_721 = arith.constant 32 : index
        %get3A_722 = tpu.vector_load %arg11[%get3A_720, %get3A_721] {strides = array<i32>} : memref<200x64xf32, #tpu.memory_space<vmem>>, vector<1x16xf32>,
        %get3A_723 = vector.shape_cast %get3A_722 : vector<1x16xf32> to vector<16xf32>
        %add3A_724 = arith.addf %get3A_719, %get3A_723 : vector<16xf32>
        %get3A_725 = arith.index_cast %rem3A_467 : i32 to index
        %get3A_726 = arith.index_cast %add3A_694 : i32 to index
        %get3A_727 = arith.constant 48 : index
        %get3A_728 = tpu.vector_load %arg10[%get3A_725, %get3A_726, %get3A_727] {strides = array<i32>} : memref<4x400x64xf32, #tpu.memory_space<vmem>>, vector<1x1x16xf32>,
        %get3A_729 = vector.shape_cast %get3A_728 : vector<1x1x16xf32> to vector<16xf32>
        %get3A_730 = arith.index_cast %squeeze3A_582 : i32 to index
        %get3A_731 = arith.constant 48 : index
        %get3A_732 = tpu.vector_load %arg11[%get3A_730, %get3A_731] {strides = array<i32>} : memref<200x64xf32, #tpu.memory_space<vmem>>, vector<1x16xf32>,
        %get3A_733 = vector.shape_cast %get3A_732 : vector<1x16xf32> to vector<16xf32>
        %add3A_734 = arith.addf %get3A_729, %get3A_733 : vector<16xf32>
        %add3A_735 = arith.constant 3 : i32
        %add3A_736 = arith.addi %mul3A_569, %add3A_735 : i32
        %get3A_737 = arith.index_cast %rem3A_467 : i32 to index
        %get3A_738 = arith.index_cast %add3A_736 : i32 to index
        %get3A_739 = arith.constant 0 : index
        %get3A_740 = tpu.vector_load %arg10[%get3A_737, %get3A_738, %get3A_739] {strides = array<i32>} : memref<4x400x64xf32, #tpu.memory_space<vmem>>, vector<1x1x16xf32>,
        %get3A_741 = vector.shape_cast %get3A_740 : vector<1x1x16xf32> to vector<16xf32>
        %get3A_742 = arith.index_cast %squeeze3A_584 : i32 to index
        %get3A_743 = arith.constant 0 : index
        %get3A_744 = tpu.vector_load %arg11[%get3A_742, %get3A_743] {strides = array<i32>} : memref<200x64xf32, #tpu.memory_space<vmem>>, vector<1x16xf32>,
        %get3A_745 = vector.shape_cast %get3A_744 : vector<1x16xf32> to vector<16xf32>
        %add3A_746 = arith.addf %get3A_741, %get3A_745 : vector<16xf32>
        %get3A_747 = arith.index_cast %rem3A_467 : i32 to index
        %get3A_748 = arith.index_cast %add3A_736 : i32 to index
        %get3A_749 = arith.constant 16 : index
        %get3A_750 = tpu.vector_load %arg10[%get3A_747, %get3A_748, %get3A_749] {strides = array<i32>} : memref<4x400x64xf32, #tpu.memory_space<vmem>>, vector<1x1x16xf32>,
        %get3A_751 = vector.shape_cast %get3A_750 : vector<1x1x16xf32> to vector<16xf32>
        %get3A_752 = arith.index_cast %squeeze3A_584 : i32 to index
        %get3A_753 = arith.constant 16 : index
        %get3A_754 = tpu.vector_load %arg11[%get3A_752, %get3A_753] {strides = array<i32>} : memref<200x64xf32, #tpu.memory_space<vmem>>, vector<1x16xf32>,
        %get3A_755 = vector.shape_cast %get3A_754 : vector<1x16xf32> to vector<16xf32>
        %add3A_756 = arith.addf %get3A_751, %get3A_755 : vector<16xf32>
        %get3A_757 = arith.index_cast %rem3A_467 : i32 to index
        %get3A_758 = arith.index_cast %add3A_736 : i32 to index
        %get3A_759 = arith.constant 32 : index
        %get3A_760 = tpu.vector_load %arg10[%get3A_757, %get3A_758, %get3A_759] {strides = array<i32>} : memref<4x400x64xf32, #tpu.memory_space<vmem>>, vector<1x1x16xf32>,
        %get3A_761 = vector.shape_cast %get3A_760 : vector<1x1x16xf32> to vector<16xf32>
        %get3A_762 = arith.index_cast %squeeze3A_584 : i32 to index
        %get3A_763 = arith.constant 32 : index
        %get3A_764 = tpu.vector_load %arg11[%get3A_762, %get3A_763] {strides = array<i32>} : memref<200x64xf32, #tpu.memory_space<vmem>>, vector<1x16xf32>,
        %get3A_765 = vector.shape_cast %get3A_764 : vector<1x16xf32> to vector<16xf32>
        %add3A_766 = arith.addf %get3A_761, %get3A_765 : vector<16xf32>
        %get3A_767 = arith.index_cast %rem3A_467 : i32 to index
        %get3A_768 = arith.index_cast %add3A_736 : i32 to index
        %get3A_769 = arith.constant 48 : index
        %get3A_770 = tpu.vector_load %arg10[%get3A_767, %get3A_768, %get3A_769] {strides = array<i32>} : memref<4x400x64xf32, #tpu.memory_space<vmem>>, vector<1x1x16xf32>,
        %get3A_771 = vector.shape_cast %get3A_770 : vector<1x1x16xf32> to vector<16xf32>
        %get3A_772 = arith.index_cast %squeeze3A_584 : i32 to index
        %get3A_773 = arith.constant 48 : index
        %get3A_774 = tpu.vector_load %arg11[%get3A_772, %get3A_773] {strides = array<i32>} : memref<200x64xf32, #tpu.memory_space<vmem>>, vector<1x16xf32>,
        %get3A_775 = vector.shape_cast %get3A_774 : vector<1x16xf32> to vector<16xf32>
        %add3A_776 = arith.addf %get3A_771, %get3A_775 : vector<16xf32>
        %slice3A_777 = vector.extract_strided_slice %get3A_578 {offsets = [0], sizes = [1], strides = [1]} : vector<16xf32> to vector<1xf32>
        %squeeze3A_778 = vector.extract %slice3A_777[0] : f32 from vector<1xf32>
        %mul3A_779 = vector.broadcast %squeeze3A_778 : f32 to vector<16xf32>
        %mul3A_780 = arith.mulf %add3A_620, %mul3A_779 : vector<16xf32>
        %swap3A_781 = arith.index_cast %rem3A_467 : i32 to index
        %swap3A_782 = arith.index_cast %add3A_610 : i32 to index
        %swap3A_783 = arith.constant 0 : index
        %swap3A_784 = tpu.vector_load %arg10[%swap3A_781, %swap3A_782, %swap3A_783] {strides = array<i32>} : memref<4x400x64xf32, #tpu.memory_space<vmem>>, vector<1x1x16xf32>,
        %swap3A_785 = vector.shape_cast %swap3A_784 : vector<1x1x16xf32> to vector<16xf32>
        %swap3A_786 = vector.shape_cast %mul3A_780 : vector<16xf32> to vector<1x1x16xf32>
        tpu.vector_store %arg10[%swap3A_781, %swap3A_782, %swap3A_783], %swap3A_786 {strides = array<i32>} : memref<4x400x64xf32, #tpu.memory_space<vmem>>, vector<1x1x16xf32>,
        %slice3A_787 = vector.extract_strided_slice %get3A_578 {offsets = [0], sizes = [1], strides = [1]} : vector<16xf32> to vector<1xf32>
        %squeeze3A_788 = vector.extract %slice3A_787[0] : f32 from vector<1xf32>
        %mul3A_789 = vector.broadcast %squeeze3A_788 : f32 to vector<16xf32>
        %mul3A_790 = arith.mulf %add3A_630, %mul3A_789 : vector<16xf32>
        %swap3A_791 = arith.index_cast %rem3A_467 : i32 to index
        %swap3A_792 = arith.index_cast %add3A_610 : i32 to index
        %swap3A_793 = arith.constant 16 : index
        %swap3A_794 = tpu.vector_load %arg10[%swap3A_791, %swap3A_792, %swap3A_793] {strides = array<i32>} : memref<4x400x64xf32, #tpu.memory_space<vmem>>, vector<1x1x16xf32>,
        %swap3A_795 = vector.shape_cast %swap3A_794 : vector<1x1x16xf32> to vector<16xf32>
        %swap3A_796 = vector.shape_cast %mul3A_790 : vector<16xf32> to vector<1x1x16xf32>
        tpu.vector_store %arg10[%swap3A_791, %swap3A_792, %swap3A_793], %swap3A_796 {strides = array<i32>} : memref<4x400x64xf32, #tpu.memory_space<vmem>>, vector<1x1x16xf32>,
        %slice3A_797 = vector.extract_strided_slice %get3A_578 {offsets = [0], sizes = [1], strides = [1]} : vector<16xf32> to vector<1xf32>
        %squeeze3A_798 = vector.extract %slice3A_797[0] : f32 from vector<1xf32>
        %mul3A_799 = vector.broadcast %squeeze3A_798 : f32 to vector<16xf32>
        %mul3A_800 = arith.mulf %add3A_640, %mul3A_799 : vector<16xf32>
        %swap3A_801 = arith.index_cast %rem3A_467 : i32 to index
        %swap3A_802 = arith.index_cast %add3A_610 : i32 to index
        %swap3A_803 = arith.constant 32 : index
        %swap3A_804 = tpu.vector_load %arg10[%swap3A_801, %swap3A_802, %swap3A_803] {strides = array<i32>} : memref<4x400x64xf32, #tpu.memory_space<vmem>>, vector<1x1x16xf32>,
        %swap3A_805 = vector.shape_cast %swap3A_804 : vector<1x1x16xf32> to vector<16xf32>
        %swap3A_806 = vector.shape_cast %mul3A_800 : vector<16xf32> to vector<1x1x16xf32>
        tpu.vector_store %arg10[%swap3A_801, %swap3A_802, %swap3A_803], %swap3A_806 {strides = array<i32>} : memref<4x400x64xf32, #tpu.memory_space<vmem>>, vector<1x1x16xf32>,
        %slice3A_807 = vector.extract_strided_slice %get3A_578 {offsets = [0], sizes = [1], strides = [1]} : vector<16xf32> to vector<1xf32>
        %squeeze3A_808 = vector.extract %slice3A_807[0] : f32 from vector<1xf32>
        %mul3A_809 = vector.broadcast %squeeze3A_808 : f32 to vector<16xf32>
        %mul3A_810 = arith.mulf %add3A_650, %mul3A_809 : vector<16xf32>
        %swap3A_811 = arith.index_cast %rem3A_467 : i32 to index
        %swap3A_812 = arith.index_cast %add3A_610 : i32 to index
        %swap3A_813 = arith.constant 48 : index
        %swap3A_814 = tpu.vector_load %arg10[%swap3A_811, %swap3A_812, %swap3A_813] {strides = array<i32>} : memref<4x400x64xf32, #tpu.memory_space<vmem>>, vector<1x1x16xf32>,
        %swap3A_815 = vector.shape_cast %swap3A_814 : vector<1x1x16xf32> to vector<16xf32>
        %swap3A_816 = vector.shape_cast %mul3A_810 : vector<16xf32> to vector<1x1x16xf32>
        tpu.vector_store %arg10[%swap3A_811, %swap3A_812, %swap3A_813], %swap3A_816 {strides = array<i32>} : memref<4x400x64xf32, #tpu.memory_space<vmem>>, vector<1x1x16xf32>,
        %slice3A_817 = vector.extract_strided_slice %get3A_578 {offsets = [1], sizes = [1], strides = [1]} : vector<16xf32> to vector<1xf32>
        %squeeze3A_818 = vector.extract %slice3A_817[0] : f32 from vector<1xf32>
        %mul3A_819 = vector.broadcast %squeeze3A_818 : f32 to vector<16xf32>
        %mul3A_820 = arith.mulf %add3A_662, %mul3A_819 : vector<16xf32>
        %swap3A_821 = arith.index_cast %rem3A_467 : i32 to index
        %swap3A_822 = arith.index_cast %add3A_652 : i32 to index
        %swap3A_823 = arith.constant 0 : index
        %swap3A_824 = tpu.vector_load %arg10[%swap3A_821, %swap3A_822, %swap3A_823] {strides = array<i32>} : memref<4x400x64xf32, #tpu.memory_space<vmem>>, vector<1x1x16xf32>,
        %swap3A_825 = vector.shape_cast %swap3A_824 : vector<1x1x16xf32> to vector<16xf32>
        %swap3A_826 = vector.shape_cast %mul3A_820 : vector<16xf32> to vector<1x1x16xf32>
        tpu.vector_store %arg10[%swap3A_821, %swap3A_822, %swap3A_823], %swap3A_826 {strides = array<i32>} : memref<4x400x64xf32, #tpu.memory_space<vmem>>, vector<1x1x16xf32>,
        %slice3A_827 = vector.extract_strided_slice %get3A_578 {offsets = [1], sizes = [1], strides = [1]} : vector<16xf32> to vector<1xf32>
        %squeeze3A_828 = vector.extract %slice3A_827[0] : f32 from vector<1xf32>
        %mul3A_829 = vector.broadcast %squeeze3A_828 : f32 to vector<16xf32>
        %mul3A_830 = arith.mulf %add3A_672, %mul3A_829 : vector<16xf32>
        %swap3A_831 = arith.index_cast %rem3A_467 : i32 to index
        %swap3A_832 = arith.index_cast %add3A_652 : i32 to index
        %swap3A_833 = arith.constant 16 : index
        %swap3A_834 = tpu.vector_load %arg10[%swap3A_831, %swap3A_832, %swap3A_833] {strides = array<i32>} : memref<4x400x64xf32, #tpu.memory_space<vmem>>, vector<1x1x16xf32>,
        %swap3A_835 = vector.shape_cast %swap3A_834 : vector<1x1x16xf32> to vector<16xf32>
        %swap3A_836 = vector.shape_cast %mul3A_830 : vector<16xf32> to vector<1x1x16xf32>
        tpu.vector_store %arg10[%swap3A_831, %swap3A_832, %swap3A_833], %swap3A_836 {strides = array<i32>} : memref<4x400x64xf32, #tpu.memory_space<vmem>>, vector<1x1x16xf32>,
        %slice3A_837 = vector.extract_strided_slice %get3A_578 {offsets = [1], sizes = [1], strides = [1]} : vector<16xf32> to vector<1xf32>
        %squeeze3A_838 = vector.extract %slice3A_837[0] : f32 from vector<1xf32>
        %mul3A_839 = vector.broadcast %squeeze3A_838 : f32 to vector<16xf32>
        %mul3A_840 = arith.mulf %add3A_682, %mul3A_839 : vector<16xf32>
        %swap3A_841 = arith.index_cast %rem3A_467 : i32 to index
        %swap3A_842 = arith.index_cast %add3A_652 : i32 to index
        %swap3A_843 = arith.constant 32 : index
        %swap3A_844 = tpu.vector_load %arg10[%swap3A_841, %swap3A_842, %swap3A_843] {strides = array<i32>} : memref<4x400x64xf32, #tpu.memory_space<vmem>>, vector<1x1x16xf32>,
        %swap3A_845 = vector.shape_cast %swap3A_844 : vector<1x1x16xf32> to vector<16xf32>
        %swap3A_846 = vector.shape_cast %mul3A_840 : vector<16xf32> to vector<1x1x16xf32>
        tpu.vector_store %arg10[%swap3A_841, %swap3A_842, %swap3A_843], %swap3A_846 {strides = array<i32>} : memref<4x400x64xf32, #tpu.memory_space<vmem>>, vector<1x1x16xf32>,
        %slice3A_847 = vector.extract_strided_slice %get3A_578 {offsets = [1], sizes = [1], strides = [1]} : vector<16xf32> to vector<1xf32>
        %squeeze3A_848 = vector.extract %slice3A_847[0] : f32 from vector<1xf32>
        %mul3A_849 = vector.broadcast %squeeze3A_848 : f32 to vector<16xf32>
        %mul3A_850 = arith.mulf %add3A_692, %mul3A_849 : vector<16xf32>
        %swap3A_851 = arith.index_cast %rem3A_467 : i32 to index
        %swap3A_852 = arith.index_cast %add3A_652 : i32 to index
        %swap3A_853 = arith.constant 48 : index
        %swap3A_854 = tpu.vector_load %arg10[%swap3A_851, %swap3A_852, %swap3A_853] {strides = array<i32>} : memref<4x400x64xf32, #tpu.memory_space<vmem>>, vector<1x1x16xf32>,
        %swap3A_855 = vector.shape_cast %swap3A_854 : vector<1x1x16xf32> to vector<16xf32>
        %swap3A_856 = vector.shape_cast %mul3A_850 : vector<16xf32> to vector<1x1x16xf32>
        tpu.vector_store %arg10[%swap3A_851, %swap3A_852, %swap3A_853], %swap3A_856 {strides = array<i32>} : memref<4x400x64xf32, #tpu.memory_space<vmem>>, vector<1x1x16xf32>,
        %slice3A_857 = vector.extract_strided_slice %get3A_578 {offsets = [2], sizes = [1], strides = [1]} : vector<16xf32> to vector<1xf32>
        %squeeze3A_858 = vector.extract %slice3A_857[0] : f32 from vector<1xf32>
        %mul3A_859 = vector.broadcast %squeeze3A_858 : f32 to vector<16xf32>
        %mul3A_860 = arith.mulf %add3A_704, %mul3A_859 : vector<16xf32>
        %swap3A_861 = arith.index_cast %rem3A_467 : i32 to index
        %swap3A_862 = arith.index_cast %add3A_694 : i32 to index
        %swap3A_863 = arith.constant 0 : index
        %swap3A_864 = tpu.vector_load %arg10[%swap3A_861, %swap3A_862, %swap3A_863] {strides = array<i32>} : memref<4x400x64xf32, #tpu.memory_space<vmem>>, vector<1x1x16xf32>,
        %swap3A_865 = vector.shape_cast %swap3A_864 : vector<1x1x16xf32> to vector<16xf32>
        %swap3A_866 = vector.shape_cast %mul3A_860 : vector<16xf32> to vector<1x1x16xf32>
        tpu.vector_store %arg10[%swap3A_861, %swap3A_862, %swap3A_863], %swap3A_866 {strides = array<i32>} : memref<4x400x64xf32, #tpu.memory_space<vmem>>, vector<1x1x16xf32>,
        %slice3A_867 = vector.extract_strided_slice %get3A_578 {offsets = [2], sizes = [1], strides = [1]} : vector<16xf32> to vector<1xf32>
        %squeeze3A_868 = vector.extract %slice3A_867[0] : f32 from vector<1xf32>
        %mul3A_869 = vector.broadcast %squeeze3A_868 : f32 to vector<16xf32>
        %mul3A_870 = arith.mulf %add3A_714, %mul3A_869 : vector<16xf32>
        %swap3A_871 = arith.index_cast %rem3A_467 : i32 to index
        %swap3A_872 = arith.index_cast %add3A_694 : i32 to index
        %swap3A_873 = arith.constant 16 : index
        %swap3A_874 = tpu.vector_load %arg10[%swap3A_871, %swap3A_872, %swap3A_873] {strides = array<i32>} : memref<4x400x64xf32, #tpu.memory_space<vmem>>, vector<1x1x16xf32>,
        %swap3A_875 = vector.shape_cast %swap3A_874 : vector<1x1x16xf32> to vector<16xf32>
        %swap3A_876 = vector.shape_cast %mul3A_870 : vector<16xf32> to vector<1x1x16xf32>
        tpu.vector_store %arg10[%swap3A_871, %swap3A_872, %swap3A_873], %swap3A_876 {strides = array<i32>} : memref<4x400x64xf32, #tpu.memory_space<vmem>>, vector<1x1x16xf32>,
        %slice3A_877 = vector.extract_strided_slice %get3A_578 {offsets = [2], sizes = [1], strides = [1]} : vector<16xf32> to vector<1xf32>
        %squeeze3A_878 = vector.extract %slice3A_877[0] : f32 from vector<1xf32>
        %mul3A_879 = vector.broadcast %squeeze3A_878 : f32 to vector<16xf32>
        %mul3A_880 = arith.mulf %add3A_724, %mul3A_879 : vector<16xf32>
        %swap3A_881 = arith.index_cast %rem3A_467 : i32 to index
        %swap3A_882 = arith.index_cast %add3A_694 : i32 to index
        %swap3A_883 = arith.constant 32 : index
        %swap3A_884 = tpu.vector_load %arg10[%swap3A_881, %swap3A_882, %swap3A_883] {strides = array<i32>} : memref<4x400x64xf32, #tpu.memory_space<vmem>>, vector<1x1x16xf32>,
        %swap3A_885 = vector.shape_cast %swap3A_884 : vector<1x1x16xf32> to vector<16xf32>
        %swap3A_886 = vector.shape_cast %mul3A_880 : vector<16xf32> to vector<1x1x16xf32>
        tpu.vector_store %arg10[%swap3A_881, %swap3A_882, %swap3A_883], %swap3A_886 {strides = array<i32>} : memref<4x400x64xf32, #tpu.memory_space<vmem>>, vector<1x1x16xf32>,
        %slice3A_887 = vector.extract_strided_slice %get3A_578 {offsets = [2], sizes = [1], strides = [1]} : vector<16xf32> to vector<1xf32>
        %squeeze3A_888 = vector.extract %slice3A_887[0] : f32 from vector<1xf32>
        %mul3A_889 = vector.broadcast %squeeze3A_888 : f32 to vector<16xf32>
        %mul3A_890 = arith.mulf %add3A_734, %mul3A_889 : vector<16xf32>
        %swap3A_891 = arith.index_cast %rem3A_467 : i32 to index
        %swap3A_892 = arith.index_cast %add3A_694 : i32 to index
        %swap3A_893 = arith.constant 48 : index
        %swap3A_894 = tpu.vector_load %arg10[%swap3A_891, %swap3A_892, %swap3A_893] {strides = array<i32>} : memref<4x400x64xf32, #tpu.memory_space<vmem>>, vector<1x1x16xf32>,
        %swap3A_895 = vector.shape_cast %swap3A_894 : vector<1x1x16xf32> to vector<16xf32>
        %swap3A_896 = vector.shape_cast %mul3A_890 : vector<16xf32> to vector<1x1x16xf32>
        tpu.vector_store %arg10[%swap3A_891, %swap3A_892, %swap3A_893], %swap3A_896 {strides = array<i32>} : memref<4x400x64xf32, #tpu.memory_space<vmem>>, vector<1x1x16xf32>,
        %slice3A_897 = vector.extract_strided_slice %get3A_578 {offsets = [3], sizes = [1], strides = [1]} : vector<16xf32> to vector<1xf32>
        %squeeze3A_898 = vector.extract %slice3A_897[0] : f32 from vector<1xf32>
        %mul3A_899 = vector.broadcast %squeeze3A_898 : f32 to vector<16xf32>
        %mul3A_900 = arith.mulf %add3A_746, %mul3A_899 : vector<16xf32>
        %swap3A_901 = arith.index_cast %rem3A_467 : i32 to index
        %swap3A_902 = arith.index_cast %add3A_736 : i32 to index
        %swap3A_903 = arith.constant 0 : index
        %swap3A_904 = tpu.vector_load %arg10[%swap3A_901, %swap3A_902, %swap3A_903] {strides = array<i32>} : memref<4x400x64xf32, #tpu.memory_space<vmem>>, vector<1x1x16xf32>,
        %swap3A_905 = vector.shape_cast %swap3A_904 : vector<1x1x16xf32> to vector<16xf32>
        %swap3A_906 = vector.shape_cast %mul3A_900 : vector<16xf32> to vector<1x1x16xf32>
        tpu.vector_store %arg10[%swap3A_901, %swap3A_902, %swap3A_903], %swap3A_906 {strides = array<i32>} : memref<4x400x64xf32, #tpu.memory_space<vmem>>, vector<1x1x16xf32>,
        %slice3A_907 = vector.extract_strided_slice %get3A_578 {offsets = [3], sizes = [1], strides = [1]} : vector<16xf32> to vector<1xf32>
        %squeeze3A_908 = vector.extract %slice3A_907[0] : f32 from vector<1xf32>
        %mul3A_909 = vector.broadcast %squeeze3A_908 : f32 to vector<16xf32>
        %mul3A_910 = arith.mulf %add3A_756, %mul3A_909 : vector<16xf32>
        %swap3A_911 = arith.index_cast %rem3A_467 : i32 to index
        %swap3A_912 = arith.index_cast %add3A_736 : i32 to index
        %swap3A_913 = arith.constant 16 : index
        %swap3A_914 = tpu.vector_load %arg10[%swap3A_911, %swap3A_912, %swap3A_913] {strides = array<i32>} : memref<4x400x64xf32, #tpu.memory_space<vmem>>, vector<1x1x16xf32>,
        %swap3A_915 = vector.shape_cast %swap3A_914 : vector<1x1x16xf32> to vector<16xf32>
        %swap3A_916 = vector.shape_cast %mul3A_910 : vector<16xf32> to vector<1x1x16xf32>
        tpu.vector_store %arg10[%swap3A_911, %swap3A_912, %swap3A_913], %swap3A_916 {strides = array<i32>} : memref<4x400x64xf32, #tpu.memory_space<vmem>>, vector<1x1x16xf32>,
        %slice3A_917 = vector.extract_strided_slice %get3A_578 {offsets = [3], sizes = [1], strides = [1]} : vector<16xf32> to vector<1xf32>
        %squeeze3A_918 = vector.extract %slice3A_917[0] : f32 from vector<1xf32>
        %mul3A_919 = vector.broadcast %squeeze3A_918 : f32 to vector<16xf32>
        %mul3A_920 = arith.mulf %add3A_766, %mul3A_919 : vector<16xf32>
        %swap3A_921 = arith.index_cast %rem3A_467 : i32 to index
        %swap3A_922 = arith.index_cast %add3A_736 : i32 to index
        %swap3A_923 = arith.constant 32 : index
        %swap3A_924 = tpu.vector_load %arg10[%swap3A_921, %swap3A_922, %swap3A_923] {strides = array<i32>} : memref<4x400x64xf32, #tpu.memory_space<vmem>>, vector<1x1x16xf32>,
        %swap3A_925 = vector.shape_cast %swap3A_924 : vector<1x1x16xf32> to vector<16xf32>
        %swap3A_926 = vector.shape_cast %mul3A_920 : vector<16xf32> to vector<1x1x16xf32>
        tpu.vector_store %arg10[%swap3A_921, %swap3A_922, %swap3A_923], %swap3A_926 {strides = array<i32>} : memref<4x400x64xf32, #tpu.memory_space<vmem>>, vector<1x1x16xf32>,
        %slice3A_927 = vector.extract_strided_slice %get3A_578 {offsets = [3], sizes = [1], strides = [1]} : vector<16xf32> to vector<1xf32>
        %squeeze3A_928 = vector.extract %slice3A_927[0] : f32 from vector<1xf32>
        %mul3A_929 = vector.broadcast %squeeze3A_928 : f32 to vector<16xf32>
        %mul3A_930 = arith.mulf %add3A_776, %mul3A_929 : vector<16xf32>
        %swap3A_931 = arith.index_cast %rem3A_467 : i32 to index
        %swap3A_932 = arith.index_cast %add3A_736 : i32 to index
        %swap3A_933 = arith.constant 48 : index
        %swap3A_934 = tpu.vector_load %arg10[%swap3A_931, %swap3A_932, %swap3A_933] {strides = array<i32>} : memref<4x400x64xf32, #tpu.memory_space<vmem>>, vector<1x1x16xf32>,
        %swap3A_935 = vector.shape_cast %swap3A_934 : vector<1x1x16xf32> to vector<16xf32>
        %swap3A_936 = vector.shape_cast %mul3A_930 : vector<16xf32> to vector<1x1x16xf32>
        tpu.vector_store %arg10[%swap3A_931, %swap3A_932, %swap3A_933], %swap3A_936 {strides = array<i32>} : memref<4x400x64xf32, #tpu.memory_space<vmem>>, vector<1x1x16xf32>,
        %add3A_937 = arith.constant 4 : i32
        %add3A_938 = arith.addi %mul3A_569, %add3A_937 : i32
        %get3A_939 = arith.index_cast %rem3A_467 : i32 to index
        %get3A_940 = arith.index_cast %add3A_938 : i32 to index
        %get3A_941 = arith.constant 0 : index
        %get3A_942 = tpu.vector_load %arg10[%get3A_939, %get3A_940, %get3A_941] {strides = array<i32>} : memref<4x400x64xf32, #tpu.memory_space<vmem>>, vector<1x1x16xf32>,
        %get3A_943 = vector.shape_cast %get3A_942 : vector<1x1x16xf32> to vector<16xf32>
        %get3A_944 = arith.index_cast %squeeze3A_586 : i32 to index
        %get3A_945 = arith.constant 0 : index
        %get3A_946 = tpu.vector_load %arg11[%get3A_944, %get3A_945] {strides = array<i32>} : memref<200x64xf32, #tpu.memory_space<vmem>>, vector<1x16xf32>,
        %get3A_947 = vector.shape_cast %get3A_946 : vector<1x16xf32> to vector<16xf32>
        %add3A_948 = arith.addf %get3A_943, %get3A_947 : vector<16xf32>
        %get3A_949 = arith.index_cast %rem3A_467 : i32 to index
        %get3A_950 = arith.index_cast %add3A_938 : i32 to index
        %get3A_951 = arith.constant 16 : index
        %get3A_952 = tpu.vector_load %arg10[%get3A_949, %get3A_950, %get3A_951] {strides = array<i32>} : memref<4x400x64xf32, #tpu.memory_space<vmem>>, vector<1x1x16xf32>,
        %get3A_953 = vector.shape_cast %get3A_952 : vector<1x1x16xf32> to vector<16xf32>
        %get3A_954 = arith.index_cast %squeeze3A_586 : i32 to index
        %get3A_955 = arith.constant 16 : index
        %get3A_956 = tpu.vector_load %arg11[%get3A_954, %get3A_955] {strides = array<i32>} : memref<200x64xf32, #tpu.memory_space<vmem>>, vector<1x16xf32>,
        %get3A_957 = vector.shape_cast %get3A_956 : vector<1x16xf32> to vector<16xf32>
        %add3A_958 = arith.addf %get3A_953, %get3A_957 : vector<16xf32>
        %get3A_959 = arith.index_cast %rem3A_467 : i32 to index
        %get3A_960 = arith.index_cast %add3A_938 : i32 to index
        %get3A_961 = arith.constant 32 : index
        %get3A_962 = tpu.vector_load %arg10[%get3A_959, %get3A_960, %get3A_961] {strides = array<i32>} : memref<4x400x64xf32, #tpu.memory_space<vmem>>, vector<1x1x16xf32>,
        %get3A_963 = vector.shape_cast %get3A_962 : vector<1x1x16xf32> to vector<16xf32>
        %get3A_964 = arith.index_cast %squeeze3A_586 : i32 to index
        %get3A_965 = arith.constant 32 : index
        %get3A_966 = tpu.vector_load %arg11[%get3A_964, %get3A_965] {strides = array<i32>} : memref<200x64xf32, #tpu.memory_space<vmem>>, vector<1x16xf32>,
        %get3A_967 = vector.shape_cast %get3A_966 : vector<1x16xf32> to vector<16xf32>
        %add3A_968 = arith.addf %get3A_963, %get3A_967 : vector<16xf32>
        %get3A_969 = arith.index_cast %rem3A_467 : i32 to index
        %get3A_970 = arith.index_cast %add3A_938 : i32 to index
        %get3A_971 = arith.constant 48 : index
        %get3A_972 = tpu.vector_load %arg10[%get3A_969, %get3A_970, %get3A_971] {strides = array<i32>} : memref<4x400x64xf32, #tpu.memory_space<vmem>>, vector<1x1x16xf32>,
        %get3A_973 = vector.shape_cast %get3A_972 : vector<1x1x16xf32> to vector<16xf32>
        %get3A_974 = arith.index_cast %squeeze3A_586 : i32 to index
        %get3A_975 = arith.constant 48 : index
        %get3A_976 = tpu.vector_load %arg11[%get3A_974, %get3A_975] {strides = array<i32>} : memref<200x64xf32, #tpu.memory_space<vmem>>, vector<1x16xf32>,
        %get3A_977 = vector.shape_cast %get3A_976 : vector<1x16xf32> to vector<16xf32>
        %add3A_978 = arith.addf %get3A_973, %get3A_977 : vector<16xf32>
        %add3A_979 = arith.constant 5 : i32
        %add3A_980 = arith.addi %mul3A_569, %add3A_979 : i32
        %get3A_981 = arith.index_cast %rem3A_467 : i32 to index
        %get3A_982 = arith.index_cast %add3A_980 : i32 to index
        %get3A_983 = arith.constant 0 : index
        %get3A_984 = tpu.vector_load %arg10[%get3A_981, %get3A_982, %get3A_983] {strides = array<i32>} : memref<4x400x64xf32, #tpu.memory_space<vmem>>, vector<1x1x16xf32>,
        %get3A_985 = vector.shape_cast %get3A_984 : vector<1x1x16xf32> to vector<16xf32>
        %get3A_986 = arith.index_cast %squeeze3A_588 : i32 to index
        %get3A_987 = arith.constant 0 : index
        %get3A_988 = tpu.vector_load %arg11[%get3A_986, %get3A_987] {strides = array<i32>} : memref<200x64xf32, #tpu.memory_space<vmem>>, vector<1x16xf32>,
        %get3A_989 = vector.shape_cast %get3A_988 : vector<1x16xf32> to vector<16xf32>
        %add3A_990 = arith.addf %get3A_985, %get3A_989 : vector<16xf32>
        %get3A_991 = arith.index_cast %rem3A_467 : i32 to index
        %get3A_992 = arith.index_cast %add3A_980 : i32 to index
        %get3A_993 = arith.constant 16 : index
        %get3A_994 = tpu.vector_load %arg10[%get3A_991, %get3A_992, %get3A_993] {strides = array<i32>} : memref<4x400x64xf32, #tpu.memory_space<vmem>>, vector<1x1x16xf32>,
        %get3A_995 = vector.shape_cast %get3A_994 : vector<1x1x16xf32> to vector<16xf32>
        %get3A_996 = arith.index_cast %squeeze3A_588 : i32 to index
        %get3A_997 = arith.constant 16 : index
        %get3A_998 = tpu.vector_load %arg11[%get3A_996, %get3A_997] {strides = array<i32>} : memref<200x64xf32, #tpu.memory_space<vmem>>, vector<1x16xf32>,
        %get3A_999 = vector.shape_cast %get3A_998 : vector<1x16xf32> to vector<16xf32>
        %add3A_1000 = arith.addf %get3A_995, %get3A_999 : vector<16xf32>
        %get3A_1001 = arith.index_cast %rem3A_467 : i32 to index
        %get3A_1002 = arith.index_cast %add3A_980 : i32 to index
        %get3A_1003 = arith.constant 32 : index
        %get3A_1004 = tpu.vector_load %arg10[%get3A_1001, %get3A_1002, %get3A_1003] {strides = array<i32>} : memref<4x400x64xf32, #tpu.memory_space<vmem>>, vector<1x1x16xf32>,
        %get3A_1005 = vector.shape_cast %get3A_1004 : vector<1x1x16xf32> to vector<16xf32>
        %get3A_1006 = arith.index_cast %squeeze3A_588 : i32 to index
        %get3A_1007 = arith.constant 32 : index
        %get3A_1008 = tpu.vector_load %arg11[%get3A_1006, %get3A_1007] {strides = array<i32>} : memref<200x64xf32, #tpu.memory_space<vmem>>, vector<1x16xf32>,
        %get3A_1009 = vector.shape_cast %get3A_1008 : vector<1x16xf32> to vector<16xf32>
        %add3A_1010 = arith.addf %get3A_1005, %get3A_1009 : vector<16xf32>
        %get3A_1011 = arith.index_cast %rem3A_467 : i32 to index
        %get3A_1012 = arith.index_cast %add3A_980 : i32 to index
        %get3A_1013 = arith.constant 48 : index
        %get3A_1014 = tpu.vector_load %arg10[%get3A_1011, %get3A_1012, %get3A_1013] {strides = array<i32>} : memref<4x400x64xf32, #tpu.memory_space<vmem>>, vector<1x1x16xf32>,
        %get3A_1015 = vector.shape_cast %get3A_1014 : vector<1x1x16xf32> to vector<16xf32>
        %get3A_1016 = arith.index_cast %squeeze3A_588 : i32 to index
        %get3A_1017 = arith.constant 48 : index
        %get3A_1018 = tpu.vector_load %arg11[%get3A_1016, %get3A_1017] {strides = array<i32>} : memref<200x64xf32, #tpu.memory_space<vmem>>, vector<1x16xf32>,
        %get3A_1019 = vector.shape_cast %get3A_1018 : vector<1x16xf32> to vector<16xf32>
        %add3A_1020 = arith.addf %get3A_1015, %get3A_1019 : vector<16xf32>
        %add3A_1021 = arith.constant 6 : i32
        %add3A_1022 = arith.addi %mul3A_569, %add3A_1021 : i32
        %get3A_1023 = arith.index_cast %rem3A_467 : i32 to index
        %get3A_1024 = arith.index_cast %add3A_1022 : i32 to index
        %get3A_1025 = arith.constant 0 : index
        %get3A_1026 = tpu.vector_load %arg10[%get3A_1023, %get3A_1024, %get3A_1025] {strides = array<i32>} : memref<4x400x64xf32, #tpu.memory_space<vmem>>, vector<1x1x16xf32>,
        %get3A_1027 = vector.shape_cast %get3A_1026 : vector<1x1x16xf32> to vector<16xf32>
        %get3A_1028 = arith.index_cast %squeeze3A_590 : i32 to index
        %get3A_1029 = arith.constant 0 : index
        %get3A_1030 = tpu.vector_load %arg11[%get3A_1028, %get3A_1029] {strides = array<i32>} : memref<200x64xf32, #tpu.memory_space<vmem>>, vector<1x16xf32>,
        %get3A_1031 = vector.shape_cast %get3A_1030 : vector<1x16xf32> to vector<16xf32>
        %add3A_1032 = arith.addf %get3A_1027, %get3A_1031 : vector<16xf32>
        %get3A_1033 = arith.index_cast %rem3A_467 : i32 to index
        %get3A_1034 = arith.index_cast %add3A_1022 : i32 to index
        %get3A_1035 = arith.constant 16 : index
        %get3A_1036 = tpu.vector_load %arg10[%get3A_1033, %get3A_1034, %get3A_1035] {strides = array<i32>} : memref<4x400x64xf32, #tpu.memory_space<vmem>>, vector<1x1x16xf32>,
        %get3A_1037 = vector.shape_cast %get3A_1036 : vector<1x1x16xf32> to vector<16xf32>
        %get3A_1038 = arith.index_cast %squeeze3A_590 : i32 to index
        %get3A_1039 = arith.constant 16 : index
        %get3A_1040 = tpu.vector_load %arg11[%get3A_1038, %get3A_1039] {strides = array<i32>} : memref<200x64xf32, #tpu.memory_space<vmem>>, vector<1x16xf32>,
        %get3A_1041 = vector.shape_cast %get3A_1040 : vector<1x16xf32> to vector<16xf32>
        %add3A_1042 = arith.addf %get3A_1037, %get3A_1041 : vector<16xf32>
        %get3A_1043 = arith.index_cast %rem3A_467 : i32 to index
        %get3A_1044 = arith.index_cast %add3A_1022 : i32 to index
        %get3A_1045 = arith.constant 32 : index
        %get3A_1046 = tpu.vector_load %arg10[%get3A_1043, %get3A_1044, %get3A_1045] {strides = array<i32>} : memref<4x400x64xf32, #tpu.memory_space<vmem>>, vector<1x1x16xf32>,
        %get3A_1047 = vector.shape_cast %get3A_1046 : vector<1x1x16xf32> to vector<16xf32>
        %get3A_1048 = arith.index_cast %squeeze3A_590 : i32 to index
        %get3A_1049 = arith.constant 32 : index
        %get3A_1050 = tpu.vector_load %arg11[%get3A_1048, %get3A_1049] {strides = array<i32>} : memref<200x64xf32, #tpu.memory_space<vmem>>, vector<1x16xf32>,
        %get3A_1051 = vector.shape_cast %get3A_1050 : vector<1x16xf32> to vector<16xf32>
        %add3A_1052 = arith.addf %get3A_1047, %get3A_1051 : vector<16xf32>
        %get3A_1053 = arith.index_cast %rem3A_467 : i32 to index
        %get3A_1054 = arith.index_cast %add3A_1022 : i32 to index
        %get3A_1055 = arith.constant 48 : index
        %get3A_1056 = tpu.vector_load %arg10[%get3A_1053, %get3A_1054, %get3A_1055] {strides = array<i32>} : memref<4x400x64xf32, #tpu.memory_space<vmem>>, vector<1x1x16xf32>,
        %get3A_1057 = vector.shape_cast %get3A_1056 : vector<1x1x16xf32> to vector<16xf32>
        %get3A_1058 = arith.index_cast %squeeze3A_590 : i32 to index
        %get3A_1059 = arith.constant 48 : index
        %get3A_1060 = tpu.vector_load %arg11[%get3A_1058, %get3A_1059] {strides = array<i32>} : memref<200x64xf32, #tpu.memory_space<vmem>>, vector<1x16xf32>,
        %get3A_1061 = vector.shape_cast %get3A_1060 : vector<1x16xf32> to vector<16xf32>
        %add3A_1062 = arith.addf %get3A_1057, %get3A_1061 : vector<16xf32>
        %add3A_1063 = arith.constant 7 : i32
        %add3A_1064 = arith.addi %mul3A_569, %add3A_1063 : i32
        %get3A_1065 = arith.index_cast %rem3A_467 : i32 to index
        %get3A_1066 = arith.index_cast %add3A_1064 : i32 to index
        %get3A_1067 = arith.constant 0 : index
        %get3A_1068 = tpu.vector_load %arg10[%get3A_1065, %get3A_1066, %get3A_1067] {strides = array<i32>} : memref<4x400x64xf32, #tpu.memory_space<vmem>>, vector<1x1x16xf32>,
        %get3A_1069 = vector.shape_cast %get3A_1068 : vector<1x1x16xf32> to vector<16xf32>
        %get3A_1070 = arith.index_cast %squeeze3A_592 : i32 to index
        %get3A_1071 = arith.constant 0 : index
        %get3A_1072 = tpu.vector_load %arg11[%get3A_1070, %get3A_1071] {strides = array<i32>} : memref<200x64xf32, #tpu.memory_space<vmem>>, vector<1x16xf32>,
        %get3A_1073 = vector.shape_cast %get3A_1072 : vector<1x16xf32> to vector<16xf32>
        %add3A_1074 = arith.addf %get3A_1069, %get3A_1073 : vector<16xf32>
        %get3A_1075 = arith.index_cast %rem3A_467 : i32 to index
        %get3A_1076 = arith.index_cast %add3A_1064 : i32 to index
        %get3A_1077 = arith.constant 16 : index
        %get3A_1078 = tpu.vector_load %arg10[%get3A_1075, %get3A_1076, %get3A_1077] {strides = array<i32>} : memref<4x400x64xf32, #tpu.memory_space<vmem>>, vector<1x1x16xf32>,
        %get3A_1079 = vector.shape_cast %get3A_1078 : vector<1x1x16xf32> to vector<16xf32>
        %get3A_1080 = arith.index_cast %squeeze3A_592 : i32 to index
        %get3A_1081 = arith.constant 16 : index
        %get3A_1082 = tpu.vector_load %arg11[%get3A_1080, %get3A_1081] {strides = array<i32>} : memref<200x64xf32, #tpu.memory_space<vmem>>, vector<1x16xf32>,
        %get3A_1083 = vector.shape_cast %get3A_1082 : vector<1x16xf32> to vector<16xf32>
        %add3A_1084 = arith.addf %get3A_1079, %get3A_1083 : vector<16xf32>
        %get3A_1085 = arith.index_cast %rem3A_467 : i32 to index
        %get3A_1086 = arith.index_cast %add3A_1064 : i32 to index
        %get3A_1087 = arith.constant 32 : index
        %get3A_1088 = tpu.vector_load %arg10[%get3A_1085, %get3A_1086, %get3A_1087] {strides = array<i32>} : memref<4x400x64xf32, #tpu.memory_space<vmem>>, vector<1x1x16xf32>,
        %get3A_1089 = vector.shape_cast %get3A_1088 : vector<1x1x16xf32> to vector<16xf32>
        %get3A_1090 = arith.index_cast %squeeze3A_592 : i32 to index
        %get3A_1091 = arith.constant 32 : index
        %get3A_1092 = tpu.vector_load %arg11[%get3A_1090, %get3A_1091] {strides = array<i32>} : memref<200x64xf32, #tpu.memory_space<vmem>>, vector<1x16xf32>,
        %get3A_1093 = vector.shape_cast %get3A_1092 : vector<1x16xf32> to vector<16xf32>
        %add3A_1094 = arith.addf %get3A_1089, %get3A_1093 : vector<16xf32>
        %get3A_1095 = arith.index_cast %rem3A_467 : i32 to index
        %get3A_1096 = arith.index_cast %add3A_1064 : i32 to index
        %get3A_1097 = arith.constant 48 : index
        %get3A_1098 = tpu.vector_load %arg10[%get3A_1095, %get3A_1096, %get3A_1097] {strides = array<i32>} : memref<4x400x64xf32, #tpu.memory_space<vmem>>, vector<1x1x16xf32>,
        %get3A_1099 = vector.shape_cast %get3A_1098 : vector<1x1x16xf32> to vector<16xf32>
        %get3A_1100 = arith.index_cast %squeeze3A_592 : i32 to index
        %get3A_1101 = arith.constant 48 : index
        %get3A_1102 = tpu.vector_load %arg11[%get3A_1100, %get3A_1101] {strides = array<i32>} : memref<200x64xf32, #tpu.memory_space<vmem>>, vector<1x16xf32>,
        %get3A_1103 = vector.shape_cast %get3A_1102 : vector<1x16xf32> to vector<16xf32>
        %add3A_1104 = arith.addf %get3A_1099, %get3A_1103 : vector<16xf32>
        %slice3A_1105 = vector.extract_strided_slice %get3A_578 {offsets = [4], sizes = [1], strides = [1]} : vector<16xf32> to vector<1xf32>
        %squeeze3A_1106 = vector.extract %slice3A_1105[0] : f32 from vector<1xf32>
        %mul3A_1107 = vector.broadcast %squeeze3A_1106 : f32 to vector<16xf32>
        %mul3A_1108 = arith.mulf %add3A_948, %mul3A_1107 : vector<16xf32>
        %swap3A_1109 = arith.index_cast %rem3A_467 : i32 to index
        %swap3A_1110 = arith.index_cast %add3A_938 : i32 to index
        %swap3A_1111 = arith.constant 0 : index
        %swap3A_1112 = tpu.vector_load %arg10[%swap3A_1109, %swap3A_1110, %swap3A_1111] {strides = array<i32>} : memref<4x400x64xf32, #tpu.memory_space<vmem>>, vector<1x1x16xf32>,
        %swap3A_1113 = vector.shape_cast %swap3A_1112 : vector<1x1x16xf32> to vector<16xf32>
        %swap3A_1114 = vector.shape_cast %mul3A_1108 : vector<16xf32> to vector<1x1x16xf32>
        tpu.vector_store %arg10[%swap3A_1109, %swap3A_1110, %swap3A_1111], %swap3A_1114 {strides = array<i32>} : memref<4x400x64xf32, #tpu.memory_space<vmem>>, vector<1x1x16xf32>,
        %slice3A_1115 = vector.extract_strided_slice %get3A_578 {offsets = [4], sizes = [1], strides = [1]} : vector<16xf32> to vector<1xf32>
        %squeeze3A_1116 = vector.extract %slice3A_1115[0] : f32 from vector<1xf32>
        %mul3A_1117 = vector.broadcast %squeeze3A_1116 : f32 to vector<16xf32>
        %mul3A_1118 = arith.mulf %add3A_958, %mul3A_1117 : vector<16xf32>
        %swap3A_1119 = arith.index_cast %rem3A_467 : i32 to index
        %swap3A_1120 = arith.index_cast %add3A_938 : i32 to index
        %swap3A_1121 = arith.constant 16 : index
        %swap3A_1122 = tpu.vector_load %arg10[%swap3A_1119, %swap3A_1120, %swap3A_1121] {strides = array<i32>} : memref<4x400x64xf32, #tpu.memory_space<vmem>>, vector<1x1x16xf32>,
        %swap3A_1123 = vector.shape_cast %swap3A_1122 : vector<1x1x16xf32> to vector<16xf32>
        %swap3A_1124 = vector.shape_cast %mul3A_1118 : vector<16xf32> to vector<1x1x16xf32>
        tpu.vector_store %arg10[%swap3A_1119, %swap3A_1120, %swap3A_1121], %swap3A_1124 {strides = array<i32>} : memref<4x400x64xf32, #tpu.memory_space<vmem>>, vector<1x1x16xf32>,
        %slice3A_1125 = vector.extract_strided_slice %get3A_578 {offsets = [4], sizes = [1], strides = [1]} : vector<16xf32> to vector<1xf32>
        %squeeze3A_1126 = vector.extract %slice3A_1125[0] : f32 from vector<1xf32>
        %mul3A_1127 = vector.broadcast %squeeze3A_1126 : f32 to vector<16xf32>
        %mul3A_1128 = arith.mulf %add3A_968, %mul3A_1127 : vector<16xf32>
        %swap3A_1129 = arith.index_cast %rem3A_467 : i32 to index
        %swap3A_1130 = arith.index_cast %add3A_938 : i32 to index
        %swap3A_1131 = arith.constant 32 : index
        %swap3A_1132 = tpu.vector_load %arg10[%swap3A_1129, %swap3A_1130, %swap3A_1131] {strides = array<i32>} : memref<4x400x64xf32, #tpu.memory_space<vmem>>, vector<1x1x16xf32>,
        %swap3A_1133 = vector.shape_cast %swap3A_1132 : vector<1x1x16xf32> to vector<16xf32>
        %swap3A_1134 = vector.shape_cast %mul3A_1128 : vector<16xf32> to vector<1x1x16xf32>
        tpu.vector_store %arg10[%swap3A_1129, %swap3A_1130, %swap3A_1131], %swap3A_1134 {strides = array<i32>} : memref<4x400x64xf32, #tpu.memory_space<vmem>>, vector<1x1x16xf32>,
        %slice3A_1135 = vector.extract_strided_slice %get3A_578 {offsets = [4], sizes = [1], strides = [1]} : vector<16xf32> to vector<1xf32>
        %squeeze3A_1136 = vector.extract %slice3A_1135[0] : f32 from vector<1xf32>
        %mul3A_1137 = vector.broadcast %squeeze3A_1136 : f32 to vector<16xf32>
        %mul3A_1138 = arith.mulf %add3A_978, %mul3A_1137 : vector<16xf32>
        %swap3A_1139 = arith.index_cast %rem3A_467 : i32 to index
        %swap3A_1140 = arith.index_cast %add3A_938 : i32 to index
        %swap3A_1141 = arith.constant 48 : index
        %swap3A_1142 = tpu.vector_load %arg10[%swap3A_1139, %swap3A_1140, %swap3A_1141] {strides = array<i32>} : memref<4x400x64xf32, #tpu.memory_space<vmem>>, vector<1x1x16xf32>,
        %swap3A_1143 = vector.shape_cast %swap3A_1142 : vector<1x1x16xf32> to vector<16xf32>
        %swap3A_1144 = vector.shape_cast %mul3A_1138 : vector<16xf32> to vector<1x1x16xf32>
        tpu.vector_store %arg10[%swap3A_1139, %swap3A_1140, %swap3A_1141], %swap3A_1144 {strides = array<i32>} : memref<4x400x64xf32, #tpu.memory_space<vmem>>, vector<1x1x16xf32>,
        %slice3A_1145 = vector.extract_strided_slice %get3A_578 {offsets = [5], sizes = [1], strides = [1]} : vector<16xf32> to vector<1xf32>
        %squeeze3A_1146 = vector.extract %slice3A_1145[0] : f32 from vector<1xf32>
        %mul3A_1147 = vector.broadcast %squeeze3A_1146 : f32 to vector<16xf32>
        %mul3A_1148 = arith.mulf %add3A_990, %mul3A_1147 : vector<16xf32>
        %swap3A_1149 = arith.index_cast %rem3A_467 : i32 to index
        %swap3A_1150 = arith.index_cast %add3A_980 : i32 to index
        %swap3A_1151 = arith.constant 0 : index
        %swap3A_1152 = tpu.vector_load %arg10[%swap3A_1149, %swap3A_1150, %swap3A_1151] {strides = array<i32>} : memref<4x400x64xf32, #tpu.memory_space<vmem>>, vector<1x1x16xf32>,
        %swap3A_1153 = vector.shape_cast %swap3A_1152 : vector<1x1x16xf32> to vector<16xf32>
        %swap3A_1154 = vector.shape_cast %mul3A_1148 : vector<16xf32> to vector<1x1x16xf32>
        tpu.vector_store %arg10[%swap3A_1149, %swap3A_1150, %swap3A_1151], %swap3A_1154 {strides = array<i32>} : memref<4x400x64xf32, #tpu.memory_space<vmem>>, vector<1x1x16xf32>,
        %slice3A_1155 = vector.extract_strided_slice %get3A_578 {offsets = [5], sizes = [1], strides = [1]} : vector<16xf32> to vector<1xf32>
        %squeeze3A_1156 = vector.extract %slice3A_1155[0] : f32 from vector<1xf32>
        %mul3A_1157 = vector.broadcast %squeeze3A_1156 : f32 to vector<16xf32>
        %mul3A_1158 = arith.mulf %add3A_1000, %mul3A_1157 : vector<16xf32>
        %swap3A_1159 = arith.index_cast %rem3A_467 : i32 to index
        %swap3A_1160 = arith.index_cast %add3A_980 : i32 to index
        %swap3A_1161 = arith.constant 16 : index
        %swap3A_1162 = tpu.vector_load %arg10[%swap3A_1159, %swap3A_1160, %swap3A_1161] {strides = array<i32>} : memref<4x400x64xf32, #tpu.memory_space<vmem>>, vector<1x1x16xf32>,
        %swap3A_1163 = vector.shape_cast %swap3A_1162 : vector<1x1x16xf32> to vector<16xf32>
        %swap3A_1164 = vector.shape_cast %mul3A_1158 : vector<16xf32> to vector<1x1x16xf32>
        tpu.vector_store %arg10[%swap3A_1159, %swap3A_1160, %swap3A_1161], %swap3A_1164 {strides = array<i32>} : memref<4x400x64xf32, #tpu.memory_space<vmem>>, vector<1x1x16xf32>,
        %slice3A_1165 = vector.extract_strided_slice %get3A_578 {offsets = [5], sizes = [1], strides = [1]} : vector<16xf32> to vector<1xf32>
        %squeeze3A_1166 = vector.extract %slice3A_1165[0] : f32 from vector<1xf32>
        %mul3A_1167 = vector.broadcast %squeeze3A_1166 : f32 to vector<16xf32>
        %mul3A_1168 = arith.mulf %add3A_1010, %mul3A_1167 : vector<16xf32>
        %swap3A_1169 = arith.index_cast %rem3A_467 : i32 to index
        %swap3A_1170 = arith.index_cast %add3A_980 : i32 to index
        %swap3A_1171 = arith.constant 32 : index
        %swap3A_1172 = tpu.vector_load %arg10[%swap3A_1169, %swap3A_1170, %swap3A_1171] {strides = array<i32>} : memref<4x400x64xf32, #tpu.memory_space<vmem>>, vector<1x1x16xf32>,
        %swap3A_1173 = vector.shape_cast %swap3A_1172 : vector<1x1x16xf32> to vector<16xf32>
        %swap3A_1174 = vector.shape_cast %mul3A_1168 : vector<16xf32> to vector<1x1x16xf32>
        tpu.vector_store %arg10[%swap3A_1169, %swap3A_1170, %swap3A_1171], %swap3A_1174 {strides = array<i32>} : memref<4x400x64xf32, #tpu.memory_space<vmem>>, vector<1x1x16xf32>,
        %slice3A_1175 = vector.extract_strided_slice %get3A_578 {offsets = [5], sizes = [1], strides = [1]} : vector<16xf32> to vector<1xf32>
        %squeeze3A_1176 = vector.extract %slice3A_1175[0] : f32 from vector<1xf32>
        %mul3A_1177 = vector.broadcast %squeeze3A_1176 : f32 to vector<16xf32>
        %mul3A_1178 = arith.mulf %add3A_1020, %mul3A_1177 : vector<16xf32>
        %swap3A_1179 = arith.index_cast %rem3A_467 : i32 to index
        %swap3A_1180 = arith.index_cast %add3A_980 : i32 to index
        %swap3A_1181 = arith.constant 48 : index
        %swap3A_1182 = tpu.vector_load %arg10[%swap3A_1179, %swap3A_1180, %swap3A_1181] {strides = array<i32>} : memref<4x400x64xf32, #tpu.memory_space<vmem>>, vector<1x1x16xf32>,
        %swap3A_1183 = vector.shape_cast %swap3A_1182 : vector<1x1x16xf32> to vector<16xf32>
        %swap3A_1184 = vector.shape_cast %mul3A_1178 : vector<16xf32> to vector<1x1x16xf32>
        tpu.vector_store %arg10[%swap3A_1179, %swap3A_1180, %swap3A_1181], %swap3A_1184 {strides = array<i32>} : memref<4x400x64xf32, #tpu.memory_space<vmem>>, vector<1x1x16xf32>,
        %slice3A_1185 = vector.extract_strided_slice %get3A_578 {offsets = [6], sizes = [1], strides = [1]} : vector<16xf32> to vector<1xf32>
        %squeeze3A_1186 = vector.extract %slice3A_1185[0] : f32 from vector<1xf32>
        %mul3A_1187 = vector.broadcast %squeeze3A_1186 : f32 to vector<16xf32>
        %mul3A_1188 = arith.mulf %add3A_1032, %mul3A_1187 : vector<16xf32>
        %swap3A_1189 = arith.index_cast %rem3A_467 : i32 to index
        %swap3A_1190 = arith.index_cast %add3A_1022 : i32 to index
        %swap3A_1191 = arith.constant 0 : index
        %swap3A_1192 = tpu.vector_load %arg10[%swap3A_1189, %swap3A_1190, %swap3A_1191] {strides = array<i32>} : memref<4x400x64xf32, #tpu.memory_space<vmem>>, vector<1x1x16xf32>,
        %swap3A_1193 = vector.shape_cast %swap3A_1192 : vector<1x1x16xf32> to vector<16xf32>
        %swap3A_1194 = vector.shape_cast %mul3A_1188 : vector<16xf32> to vector<1x1x16xf32>
        tpu.vector_store %arg10[%swap3A_1189, %swap3A_1190, %swap3A_1191], %swap3A_1194 {strides = array<i32>} : memref<4x400x64xf32, #tpu.memory_space<vmem>>, vector<1x1x16xf32>,
        %slice3A_1195 = vector.extract_strided_slice %get3A_578 {offsets = [6], sizes = [1], strides = [1]} : vector<16xf32> to vector<1xf32>
        %squeeze3A_1196 = vector.extract %slice3A_1195[0] : f32 from vector<1xf32>
        %mul3A_1197 = vector.broadcast %squeeze3A_1196 : f32 to vector<16xf32>
        %mul3A_1198 = arith.mulf %add3A_1042, %mul3A_1197 : vector<16xf32>
        %swap3A_1199 = arith.index_cast %rem3A_467 : i32 to index
        %swap3A_1200 = arith.index_cast %add3A_1022 : i32 to index
        %swap3A_1201 = arith.constant 16 : index
        %swap3A_1202 = tpu.vector_load %arg10[%swap3A_1199, %swap3A_1200, %swap3A_1201] {strides = array<i32>} : memref<4x400x64xf32, #tpu.memory_space<vmem>>, vector<1x1x16xf32>,
        %swap3A_1203 = vector.shape_cast %swap3A_1202 : vector<1x1x16xf32> to vector<16xf32>
        %swap3A_1204 = vector.shape_cast %mul3A_1198 : vector<16xf32> to vector<1x1x16xf32>
        tpu.vector_store %arg10[%swap3A_1199, %swap3A_1200, %swap3A_1201], %swap3A_1204 {strides = array<i32>} : memref<4x400x64xf32, #tpu.memory_space<vmem>>, vector<1x1x16xf32>,
        %slice3A_1205 = vector.extract_strided_slice %get3A_578 {offsets = [6], sizes = [1], strides = [1]} : vector<16xf32> to vector<1xf32>
        %squeeze3A_1206 = vector.extract %slice3A_1205[0] : f32 from vector<1xf32>
        %mul3A_1207 = vector.broadcast %squeeze3A_1206 : f32 to vector<16xf32>
        %mul3A_1208 = arith.mulf %add3A_1052, %mul3A_1207 : vector<16xf32>
        %swap3A_1209 = arith.index_cast %rem3A_467 : i32 to index
        %swap3A_1210 = arith.index_cast %add3A_1022 : i32 to index
        %swap3A_1211 = arith.constant 32 : index
        %swap3A_1212 = tpu.vector_load %arg10[%swap3A_1209, %swap3A_1210, %swap3A_1211] {strides = array<i32>} : memref<4x400x64xf32, #tpu.memory_space<vmem>>, vector<1x1x16xf32>,
        %swap3A_1213 = vector.shape_cast %swap3A_1212 : vector<1x1x16xf32> to vector<16xf32>
        %swap3A_1214 = vector.shape_cast %mul3A_1208 : vector<16xf32> to vector<1x1x16xf32>
        tpu.vector_store %arg10[%swap3A_1209, %swap3A_1210, %swap3A_1211], %swap3A_1214 {strides = array<i32>} : memref<4x400x64xf32, #tpu.memory_space<vmem>>, vector<1x1x16xf32>,
        %slice3A_1215 = vector.extract_strided_slice %get3A_578 {offsets = [6], sizes = [1], strides = [1]} : vector<16xf32> to vector<1xf32>
        %squeeze3A_1216 = vector.extract %slice3A_1215[0] : f32 from vector<1xf32>
        %mul3A_1217 = vector.broadcast %squeeze3A_1216 : f32 to vector<16xf32>
        %mul3A_1218 = arith.mulf %add3A_1062, %mul3A_1217 : vector<16xf32>
        %swap3A_1219 = arith.index_cast %rem3A_467 : i32 to index
        %swap3A_1220 = arith.index_cast %add3A_1022 : i32 to index
        %swap3A_1221 = arith.constant 48 : index
        %swap3A_1222 = tpu.vector_load %arg10[%swap3A_1219, %swap3A_1220, %swap3A_1221] {strides = array<i32>} : memref<4x400x64xf32, #tpu.memory_space<vmem>>, vector<1x1x16xf32>,
        %swap3A_1223 = vector.shape_cast %swap3A_1222 : vector<1x1x16xf32> to vector<16xf32>
        %swap3A_1224 = vector.shape_cast %mul3A_1218 : vector<16xf32> to vector<1x1x16xf32>
        tpu.vector_store %arg10[%swap3A_1219, %swap3A_1220, %swap3A_1221], %swap3A_1224 {strides = array<i32>} : memref<4x400x64xf32, #tpu.memory_space<vmem>>, vector<1x1x16xf32>,
        %slice3A_1225 = vector.extract_strided_slice %get3A_578 {offsets = [7], sizes = [1], strides = [1]} : vector<16xf32> to vector<1xf32>
        %squeeze3A_1226 = vector.extract %slice3A_1225[0] : f32 from vector<1xf32>
        %mul3A_1227 = vector.broadcast %squeeze3A_1226 : f32 to vector<16xf32>
        %mul3A_1228 = arith.mulf %add3A_1074, %mul3A_1227 : vector<16xf32>
        %swap3A_1229 = arith.index_cast %rem3A_467 : i32 to index
        %swap3A_1230 = arith.index_cast %add3A_1064 : i32 to index
        %swap3A_1231 = arith.constant 0 : index
        %swap3A_1232 = tpu.vector_load %arg10[%swap3A_1229, %swap3A_1230, %swap3A_1231] {strides = array<i32>} : memref<4x400x64xf32, #tpu.memory_space<vmem>>, vector<1x1x16xf32>,
        %swap3A_1233 = vector.shape_cast %swap3A_1232 : vector<1x1x16xf32> to vector<16xf32>
        %swap3A_1234 = vector.shape_cast %mul3A_1228 : vector<16xf32> to vector<1x1x16xf32>
        tpu.vector_store %arg10[%swap3A_1229, %swap3A_1230, %swap3A_1231], %swap3A_1234 {strides = array<i32>} : memref<4x400x64xf32, #tpu.memory_space<vmem>>, vector<1x1x16xf32>,
        %slice3A_1235 = vector.extract_strided_slice %get3A_578 {offsets = [7], sizes = [1], strides = [1]} : vector<16xf32> to vector<1xf32>
        %squeeze3A_1236 = vector.extract %slice3A_1235[0] : f32 from vector<1xf32>
        %mul3A_1237 = vector.broadcast %squeeze3A_1236 : f32 to vector<16xf32>
        %mul3A_1238 = arith.mulf %add3A_1084, %mul3A_1237 : vector<16xf32>
        %swap3A_1239 = arith.index_cast %rem3A_467 : i32 to index
        %swap3A_1240 = arith.index_cast %add3A_1064 : i32 to index
        %swap3A_1241 = arith.constant 16 : index
        %swap3A_1242 = tpu.vector_load %arg10[%swap3A_1239, %swap3A_1240, %swap3A_1241] {strides = array<i32>} : memref<4x400x64xf32, #tpu.memory_space<vmem>>, vector<1x1x16xf32>,
        %swap3A_1243 = vector.shape_cast %swap3A_1242 : vector<1x1x16xf32> to vector<16xf32>
        %swap3A_1244 = vector.shape_cast %mul3A_1238 : vector<16xf32> to vector<1x1x16xf32>
        tpu.vector_store %arg10[%swap3A_1239, %swap3A_1240, %swap3A_1241], %swap3A_1244 {strides = array<i32>} : memref<4x400x64xf32, #tpu.memory_space<vmem>>, vector<1x1x16xf32>,
        %slice3A_1245 = vector.extract_strided_slice %get3A_578 {offsets = [7], sizes = [1], strides = [1]} : vector<16xf32> to vector<1xf32>
        %squeeze3A_1246 = vector.extract %slice3A_1245[0] : f32 from vector<1xf32>
        %mul3A_1247 = vector.broadcast %squeeze3A_1246 : f32 to vector<16xf32>
        %mul3A_1248 = arith.mulf %add3A_1094, %mul3A_1247 : vector<16xf32>
        %swap3A_1249 = arith.index_cast %rem3A_467 : i32 to index
        %swap3A_1250 = arith.index_cast %add3A_1064 : i32 to index
        %swap3A_1251 = arith.constant 32 : index
        %swap3A_1252 = tpu.vector_load %arg10[%swap3A_1249, %swap3A_1250, %swap3A_1251] {strides = array<i32>} : memref<4x400x64xf32, #tpu.memory_space<vmem>>, vector<1x1x16xf32>,
        %swap3A_1253 = vector.shape_cast %swap3A_1252 : vector<1x1x16xf32> to vector<16xf32>
        %swap3A_1254 = vector.shape_cast %mul3A_1248 : vector<16xf32> to vector<1x1x16xf32>
        tpu.vector_store %arg10[%swap3A_1249, %swap3A_1250, %swap3A_1251], %swap3A_1254 {strides = array<i32>} : memref<4x400x64xf32, #tpu.memory_space<vmem>>, vector<1x1x16xf32>,
        %slice3A_1255 = vector.extract_strided_slice %get3A_578 {offsets = [7], sizes = [1], strides = [1]} : vector<16xf32> to vector<1xf32>
        %squeeze3A_1256 = vector.extract %slice3A_1255[0] : f32 from vector<1xf32>
        %mul3A_1257 = vector.broadcast %squeeze3A_1256 : f32 to vector<16xf32>
        %mul3A_1258 = arith.mulf %add3A_1104, %mul3A_1257 : vector<16xf32>
        %swap3A_1259 = arith.index_cast %rem3A_467 : i32 to index
        %swap3A_1260 = arith.index_cast %add3A_1064 : i32 to index
        %swap3A_1261 = arith.constant 48 : index
        %swap3A_1262 = tpu.vector_load %arg10[%swap3A_1259, %swap3A_1260, %swap3A_1261] {strides = array<i32>} : memref<4x400x64xf32, #tpu.memory_space<vmem>>, vector<1x1x16xf32>,
        %swap3A_1263 = vector.shape_cast %swap3A_1262 : vector<1x1x16xf32> to vector<16xf32>
        %swap3A_1264 = vector.shape_cast %mul3A_1258 : vector<16xf32> to vector<1x1x16xf32>
        tpu.vector_store %arg10[%swap3A_1259, %swap3A_1260, %swap3A_1261], %swap3A_1264 {strides = array<i32>} : memref<4x400x64xf32, #tpu.memory_space<vmem>>, vector<1x1x16xf32>,
        %add3A_1265 = arith.constant 8 : i32
        %add3A_1266 = arith.addi %mul3A_569, %add3A_1265 : i32
        %get3A_1267 = arith.index_cast %rem3A_467 : i32 to index
        %get3A_1268 = arith.index_cast %add3A_1266 : i32 to index
        %get3A_1269 = arith.constant 0 : index
        %get3A_1270 = tpu.vector_load %arg10[%get3A_1267, %get3A_1268, %get3A_1269] {strides = array<i32>} : memref<4x400x64xf32, #tpu.memory_space<vmem>>, vector<1x1x16xf32>,
        %get3A_1271 = vector.shape_cast %get3A_1270 : vector<1x1x16xf32> to vector<16xf32>
        %get3A_1272 = arith.index_cast %squeeze3A_594 : i32 to index
        %get3A_1273 = arith.constant 0 : index
        %get3A_1274 = tpu.vector_load %arg11[%get3A_1272, %get3A_1273] {strides = array<i32>} : memref<200x64xf32, #tpu.memory_space<vmem>>, vector<1x16xf32>,
        %get3A_1275 = vector.shape_cast %get3A_1274 : vector<1x16xf32> to vector<16xf32>
        %add3A_1276 = arith.addf %get3A_1271, %get3A_1275 : vector<16xf32>
        %get3A_1277 = arith.index_cast %rem3A_467 : i32 to index
        %get3A_1278 = arith.index_cast %add3A_1266 : i32 to index
        %get3A_1279 = arith.constant 16 : index
        %get3A_1280 = tpu.vector_load %arg10[%get3A_1277, %get3A_1278, %get3A_1279] {strides = array<i32>} : memref<4x400x64xf32, #tpu.memory_space<vmem>>, vector<1x1x16xf32>,
        %get3A_1281 = vector.shape_cast %get3A_1280 : vector<1x1x16xf32> to vector<16xf32>
        %get3A_1282 = arith.index_cast %squeeze3A_594 : i32 to index
        %get3A_1283 = arith.constant 16 : index
        %get3A_1284 = tpu.vector_load %arg11[%get3A_1282, %get3A_1283] {strides = array<i32>} : memref<200x64xf32, #tpu.memory_space<vmem>>, vector<1x16xf32>,
        %get3A_1285 = vector.shape_cast %get3A_1284 : vector<1x16xf32> to vector<16xf32>
        %add3A_1286 = arith.addf %get3A_1281, %get3A_1285 : vector<16xf32>
        %get3A_1287 = arith.index_cast %rem3A_467 : i32 to index
        %get3A_1288 = arith.index_cast %add3A_1266 : i32 to index
        %get3A_1289 = arith.constant 32 : index
        %get3A_1290 = tpu.vector_load %arg10[%get3A_1287, %get3A_1288, %get3A_1289] {strides = array<i32>} : memref<4x400x64xf32, #tpu.memory_space<vmem>>, vector<1x1x16xf32>,
        %get3A_1291 = vector.shape_cast %get3A_1290 : vector<1x1x16xf32> to vector<16xf32>
        %get3A_1292 = arith.index_cast %squeeze3A_594 : i32 to index
        %get3A_1293 = arith.constant 32 : index
        %get3A_1294 = tpu.vector_load %arg11[%get3A_1292, %get3A_1293] {strides = array<i32>} : memref<200x64xf32, #tpu.memory_space<vmem>>, vector<1x16xf32>,
        %get3A_1295 = vector.shape_cast %get3A_1294 : vector<1x16xf32> to vector<16xf32>
        %add3A_1296 = arith.addf %get3A_1291, %get3A_1295 : vector<16xf32>
        %get3A_1297 = arith.index_cast %rem3A_467 : i32 to index
        %get3A_1298 = arith.index_cast %add3A_1266 : i32 to index
        %get3A_1299 = arith.constant 48 : index
        %get3A_1300 = tpu.vector_load %arg10[%get3A_1297, %get3A_1298, %get3A_1299] {strides = array<i32>} : memref<4x400x64xf32, #tpu.memory_space<vmem>>, vector<1x1x16xf32>,
        %get3A_1301 = vector.shape_cast %get3A_1300 : vector<1x1x16xf32> to vector<16xf32>
        %get3A_1302 = arith.index_cast %squeeze3A_594 : i32 to index
        %get3A_1303 = arith.constant 48 : index
        %get3A_1304 = tpu.vector_load %arg11[%get3A_1302, %get3A_1303] {strides = array<i32>} : memref<200x64xf32, #tpu.memory_space<vmem>>, vector<1x16xf32>,
        %get3A_1305 = vector.shape_cast %get3A_1304 : vector<1x16xf32> to vector<16xf32>
        %add3A_1306 = arith.addf %get3A_1301, %get3A_1305 : vector<16xf32>
        %add3A_1307 = arith.constant 9 : i32
        %add3A_1308 = arith.addi %mul3A_569, %add3A_1307 : i32
        %get3A_1309 = arith.index_cast %rem3A_467 : i32 to index
        %get3A_1310 = arith.index_cast %add3A_1308 : i32 to index
        %get3A_1311 = arith.constant 0 : index
        %get3A_1312 = tpu.vector_load %arg10[%get3A_1309, %get3A_1310, %get3A_1311] {strides = array<i32>} : memref<4x400x64xf32, #tpu.memory_space<vmem>>, vector<1x1x16xf32>,
        %get3A_1313 = vector.shape_cast %get3A_1312 : vector<1x1x16xf32> to vector<16xf32>
        %get3A_1314 = arith.index_cast %squeeze3A_596 : i32 to index
        %get3A_1315 = arith.constant 0 : index
        %get3A_1316 = tpu.vector_load %arg11[%get3A_1314, %get3A_1315] {strides = array<i32>} : memref<200x64xf32, #tpu.memory_space<vmem>>, vector<1x16xf32>,
        %get3A_1317 = vector.shape_cast %get3A_1316 : vector<1x16xf32> to vector<16xf32>
        %add3A_1318 = arith.addf %get3A_1313, %get3A_1317 : vector<16xf32>
        %get3A_1319 = arith.index_cast %rem3A_467 : i32 to index
        %get3A_1320 = arith.index_cast %add3A_1308 : i32 to index
        %get3A_1321 = arith.constant 16 : index
        %get3A_1322 = tpu.vector_load %arg10[%get3A_1319, %get3A_1320, %get3A_1321] {strides = array<i32>} : memref<4x400x64xf32, #tpu.memory_space<vmem>>, vector<1x1x16xf32>,
        %get3A_1323 = vector.shape_cast %get3A_1322 : vector<1x1x16xf32> to vector<16xf32>
        %get3A_1324 = arith.index_cast %squeeze3A_596 : i32 to index
        %get3A_1325 = arith.constant 16 : index
        %get3A_1326 = tpu.vector_load %arg11[%get3A_1324, %get3A_1325] {strides = array<i32>} : memref<200x64xf32, #tpu.memory_space<vmem>>, vector<1x16xf32>,
        %get3A_1327 = vector.shape_cast %get3A_1326 : vector<1x16xf32> to vector<16xf32>
        %add3A_1328 = arith.addf %get3A_1323, %get3A_1327 : vector<16xf32>
        %get3A_1329 = arith.index_cast %rem3A_467 : i32 to index
        %get3A_1330 = arith.index_cast %add3A_1308 : i32 to index
        %get3A_1331 = arith.constant 32 : index
        %get3A_1332 = tpu.vector_load %arg10[%get3A_1329, %get3A_1330, %get3A_1331] {strides = array<i32>} : memref<4x400x64xf32, #tpu.memory_space<vmem>>, vector<1x1x16xf32>,
        %get3A_1333 = vector.shape_cast %get3A_1332 : vector<1x1x16xf32> to vector<16xf32>
        %get3A_1334 = arith.index_cast %squeeze3A_596 : i32 to index
        %get3A_1335 = arith.constant 32 : index
        %get3A_1336 = tpu.vector_load %arg11[%get3A_1334, %get3A_1335] {strides = array<i32>} : memref<200x64xf32, #tpu.memory_space<vmem>>, vector<1x16xf32>,
        %get3A_1337 = vector.shape_cast %get3A_1336 : vector<1x16xf32> to vector<16xf32>
        %add3A_1338 = arith.addf %get3A_1333, %get3A_1337 : vector<16xf32>
        %get3A_1339 = arith.index_cast %rem3A_467 : i32 to index
        %get3A_1340 = arith.index_cast %add3A_1308 : i32 to index
        %get3A_1341 = arith.constant 48 : index
        %get3A_1342 = tpu.vector_load %arg10[%get3A_1339, %get3A_1340, %get3A_1341] {strides = array<i32>} : memref<4x400x64xf32, #tpu.memory_space<vmem>>, vector<1x1x16xf32>,
        %get3A_1343 = vector.shape_cast %get3A_1342 : vector<1x1x16xf32> to vector<16xf32>
        %get3A_1344 = arith.index_cast %squeeze3A_596 : i32 to index
        %get3A_1345 = arith.constant 48 : index
        %get3A_1346 = tpu.vector_load %arg11[%get3A_1344, %get3A_1345] {strides = array<i32>} : memref<200x64xf32, #tpu.memory_space<vmem>>, vector<1x16xf32>,
        %get3A_1347 = vector.shape_cast %get3A_1346 : vector<1x16xf32> to vector<16xf32>
        %add3A_1348 = arith.addf %get3A_1343, %get3A_1347 : vector<16xf32>
        %add3A_1349 = arith.constant 10 : i32
        %add3A_1350 = arith.addi %mul3A_569, %add3A_1349 : i32
        %get3A_1351 = arith.index_cast %rem3A_467 : i32 to index
        %get3A_1352 = arith.index_cast %add3A_1350 : i32 to index
        %get3A_1353 = arith.constant 0 : index
        %get3A_1354 = tpu.vector_load %arg10[%get3A_1351, %get3A_1352, %get3A_1353] {strides = array<i32>} : memref<4x400x64xf32, #tpu.memory_space<vmem>>, vector<1x1x16xf32>,
        %get3A_1355 = vector.shape_cast %get3A_1354 : vector<1x1x16xf32> to vector<16xf32>
        %get3A_1356 = arith.index_cast %squeeze3A_598 : i32 to index
        %get3A_1357 = arith.constant 0 : index
        %get3A_1358 = tpu.vector_load %arg11[%get3A_1356, %get3A_1357] {strides = array<i32>} : memref<200x64xf32, #tpu.memory_space<vmem>>, vector<1x16xf32>,
        %get3A_1359 = vector.shape_cast %get3A_1358 : vector<1x16xf32> to vector<16xf32>
        %add3A_1360 = arith.addf %get3A_1355, %get3A_1359 : vector<16xf32>
        %get3A_1361 = arith.index_cast %rem3A_467 : i32 to index
        %get3A_1362 = arith.index_cast %add3A_1350 : i32 to index
        %get3A_1363 = arith.constant 16 : index
        %get3A_1364 = tpu.vector_load %arg10[%get3A_1361, %get3A_1362, %get3A_1363] {strides = array<i32>} : memref<4x400x64xf32, #tpu.memory_space<vmem>>, vector<1x1x16xf32>,
        %get3A_1365 = vector.shape_cast %get3A_1364 : vector<1x1x16xf32> to vector<16xf32>
        %get3A_1366 = arith.index_cast %squeeze3A_598 : i32 to index
        %get3A_1367 = arith.constant 16 : index
        %get3A_1368 = tpu.vector_load %arg11[%get3A_1366, %get3A_1367] {strides = array<i32>} : memref<200x64xf32, #tpu.memory_space<vmem>>, vector<1x16xf32>,
        %get3A_1369 = vector.shape_cast %get3A_1368 : vector<1x16xf32> to vector<16xf32>
        %add3A_1370 = arith.addf %get3A_1365, %get3A_1369 : vector<16xf32>
        %get3A_1371 = arith.index_cast %rem3A_467 : i32 to index
        %get3A_1372 = arith.index_cast %add3A_1350 : i32 to index
        %get3A_1373 = arith.constant 32 : index
        %get3A_1374 = tpu.vector_load %arg10[%get3A_1371, %get3A_1372, %get3A_1373] {strides = array<i32>} : memref<4x400x64xf32, #tpu.memory_space<vmem>>, vector<1x1x16xf32>,
        %get3A_1375 = vector.shape_cast %get3A_1374 : vector<1x1x16xf32> to vector<16xf32>
        %get3A_1376 = arith.index_cast %squeeze3A_598 : i32 to index
        %get3A_1377 = arith.constant 32 : index
        %get3A_1378 = tpu.vector_load %arg11[%get3A_1376, %get3A_1377] {strides = array<i32>} : memref<200x64xf32, #tpu.memory_space<vmem>>, vector<1x16xf32>,
        %get3A_1379 = vector.shape_cast %get3A_1378 : vector<1x16xf32> to vector<16xf32>
        %add3A_1380 = arith.addf %get3A_1375, %get3A_1379 : vector<16xf32>
        %get3A_1381 = arith.index_cast %rem3A_467 : i32 to index
        %get3A_1382 = arith.index_cast %add3A_1350 : i32 to index
        %get3A_1383 = arith.constant 48 : index
        %get3A_1384 = tpu.vector_load %arg10[%get3A_1381, %get3A_1382, %get3A_1383] {strides = array<i32>} : memref<4x400x64xf32, #tpu.memory_space<vmem>>, vector<1x1x16xf32>,
        %get3A_1385 = vector.shape_cast %get3A_1384 : vector<1x1x16xf32> to vector<16xf32>
        %get3A_1386 = arith.index_cast %squeeze3A_598 : i32 to index
        %get3A_1387 = arith.constant 48 : index
        %get3A_1388 = tpu.vector_load %arg11[%get3A_1386, %get3A_1387] {strides = array<i32>} : memref<200x64xf32, #tpu.memory_space<vmem>>, vector<1x16xf32>,
        %get3A_1389 = vector.shape_cast %get3A_1388 : vector<1x16xf32> to vector<16xf32>
        %add3A_1390 = arith.addf %get3A_1385, %get3A_1389 : vector<16xf32>
        %add3A_1391 = arith.constant 11 : i32
        %add3A_1392 = arith.addi %mul3A_569, %add3A_1391 : i32
        %get3A_1393 = arith.index_cast %rem3A_467 : i32 to index
        %get3A_1394 = arith.index_cast %add3A_1392 : i32 to index
        %get3A_1395 = arith.constant 0 : index
        %get3A_1396 = tpu.vector_load %arg10[%get3A_1393, %get3A_1394, %get3A_1395] {strides = array<i32>} : memref<4x400x64xf32, #tpu.memory_space<vmem>>, vector<1x1x16xf32>,
        %get3A_1397 = vector.shape_cast %get3A_1396 : vector<1x1x16xf32> to vector<16xf32>
        %get3A_1398 = arith.index_cast %squeeze3A_600 : i32 to index
        %get3A_1399 = arith.constant 0 : index
        %get3A_1400 = tpu.vector_load %arg11[%get3A_1398, %get3A_1399] {strides = array<i32>} : memref<200x64xf32, #tpu.memory_space<vmem>>, vector<1x16xf32>,
        %get3A_1401 = vector.shape_cast %get3A_1400 : vector<1x16xf32> to vector<16xf32>
        %add3A_1402 = arith.addf %get3A_1397, %get3A_1401 : vector<16xf32>
        %get3A_1403 = arith.index_cast %rem3A_467 : i32 to index
        %get3A_1404 = arith.index_cast %add3A_1392 : i32 to index
        %get3A_1405 = arith.constant 16 : index
        %get3A_1406 = tpu.vector_load %arg10[%get3A_1403, %get3A_1404, %get3A_1405] {strides = array<i32>} : memref<4x400x64xf32, #tpu.memory_space<vmem>>, vector<1x1x16xf32>,
        %get3A_1407 = vector.shape_cast %get3A_1406 : vector<1x1x16xf32> to vector<16xf32>
        %get3A_1408 = arith.index_cast %squeeze3A_600 : i32 to index
        %get3A_1409 = arith.constant 16 : index
        %get3A_1410 = tpu.vector_load %arg11[%get3A_1408, %get3A_1409] {strides = array<i32>} : memref<200x64xf32, #tpu.memory_space<vmem>>, vector<1x16xf32>,
        %get3A_1411 = vector.shape_cast %get3A_1410 : vector<1x16xf32> to vector<16xf32>
        %add3A_1412 = arith.addf %get3A_1407, %get3A_1411 : vector<16xf32>
        %get3A_1413 = arith.index_cast %rem3A_467 : i32 to index
        %get3A_1414 = arith.index_cast %add3A_1392 : i32 to index
        %get3A_1415 = arith.constant 32 : index
        %get3A_1416 = tpu.vector_load %arg10[%get3A_1413, %get3A_1414, %get3A_1415] {strides = array<i32>} : memref<4x400x64xf32, #tpu.memory_space<vmem>>, vector<1x1x16xf32>,
        %get3A_1417 = vector.shape_cast %get3A_1416 : vector<1x1x16xf32> to vector<16xf32>
        %get3A_1418 = arith.index_cast %squeeze3A_600 : i32 to index
        %get3A_1419 = arith.constant 32 : index
        %get3A_1420 = tpu.vector_load %arg11[%get3A_1418, %get3A_1419] {strides = array<i32>} : memref<200x64xf32, #tpu.memory_space<vmem>>, vector<1x16xf32>,
        %get3A_1421 = vector.shape_cast %get3A_1420 : vector<1x16xf32> to vector<16xf32>
        %add3A_1422 = arith.addf %get3A_1417, %get3A_1421 : vector<16xf32>
        %get3A_1423 = arith.index_cast %rem3A_467 : i32 to index
        %get3A_1424 = arith.index_cast %add3A_1392 : i32 to index
        %get3A_1425 = arith.constant 48 : index
        %get3A_1426 = tpu.vector_load %arg10[%get3A_1423, %get3A_1424, %get3A_1425] {strides = array<i32>} : memref<4x400x64xf32, #tpu.memory_space<vmem>>, vector<1x1x16xf32>,
        %get3A_1427 = vector.shape_cast %get3A_1426 : vector<1x1x16xf32> to vector<16xf32>
        %get3A_1428 = arith.index_cast %squeeze3A_600 : i32 to index
        %get3A_1429 = arith.constant 48 : index
        %get3A_1430 = tpu.vector_load %arg11[%get3A_1428, %get3A_1429] {strides = array<i32>} : memref<200x64xf32, #tpu.memory_space<vmem>>, vector<1x16xf32>,
        %get3A_1431 = vector.shape_cast %get3A_1430 : vector<1x16xf32> to vector<16xf32>
        %add3A_1432 = arith.addf %get3A_1427, %get3A_1431 : vector<16xf32>
        %slice3A_1433 = vector.extract_strided_slice %get3A_578 {offsets = [8], sizes = [1], strides = [1]} : vector<16xf32> to vector<1xf32>
        %squeeze3A_1434 = vector.extract %slice3A_1433[0] : f32 from vector<1xf32>
        %mul3A_1435 = vector.broadcast %squeeze3A_1434 : f32 to vector<16xf32>
        %mul3A_1436 = arith.mulf %add3A_1276, %mul3A_1435 : vector<16xf32>
        %swap3A_1437 = arith.index_cast %rem3A_467 : i32 to index
        %swap3A_1438 = arith.index_cast %add3A_1266 : i32 to index
        %swap3A_1439 = arith.constant 0 : index
        %swap3A_1440 = tpu.vector_load %arg10[%swap3A_1437, %swap3A_1438, %swap3A_1439] {strides = array<i32>} : memref<4x400x64xf32, #tpu.memory_space<vmem>>, vector<1x1x16xf32>,
        %swap3A_1441 = vector.shape_cast %swap3A_1440 : vector<1x1x16xf32> to vector<16xf32>
        %swap3A_1442 = vector.shape_cast %mul3A_1436 : vector<16xf32> to vector<1x1x16xf32>
        tpu.vector_store %arg10[%swap3A_1437, %swap3A_1438, %swap3A_1439], %swap3A_1442 {strides = array<i32>} : memref<4x400x64xf32, #tpu.memory_space<vmem>>, vector<1x1x16xf32>,
        %slice3A_1443 = vector.extract_strided_slice %get3A_578 {offsets = [8], sizes = [1], strides = [1]} : vector<16xf32> to vector<1xf32>
        %squeeze3A_1444 = vector.extract %slice3A_1443[0] : f32 from vector<1xf32>
        %mul3A_1445 = vector.broadcast %squeeze3A_1444 : f32 to vector<16xf32>
        %mul3A_1446 = arith.mulf %add3A_1286, %mul3A_1445 : vector<16xf32>
        %swap3A_1447 = arith.index_cast %rem3A_467 : i32 to index
        %swap3A_1448 = arith.index_cast %add3A_1266 : i32 to index
        %swap3A_1449 = arith.constant 16 : index
        %swap3A_1450 = tpu.vector_load %arg10[%swap3A_1447, %swap3A_1448, %swap3A_1449] {strides = array<i32>} : memref<4x400x64xf32, #tpu.memory_space<vmem>>, vector<1x1x16xf32>,
        %swap3A_1451 = vector.shape_cast %swap3A_1450 : vector<1x1x16xf32> to vector<16xf32>
        %swap3A_1452 = vector.shape_cast %mul3A_1446 : vector<16xf32> to vector<1x1x16xf32>
        tpu.vector_store %arg10[%swap3A_1447, %swap3A_1448, %swap3A_1449], %swap3A_1452 {strides = array<i32>} : memref<4x400x64xf32, #tpu.memory_space<vmem>>, vector<1x1x16xf32>,
        %slice3A_1453 = vector.extract_strided_slice %get3A_578 {offsets = [8], sizes = [1], strides = [1]} : vector<16xf32> to vector<1xf32>
        %squeeze3A_1454 = vector.extract %slice3A_1453[0] : f32 from vector<1xf32>
        %mul3A_1455 = vector.broadcast %squeeze3A_1454 : f32 to vector<16xf32>
        %mul3A_1456 = arith.mulf %add3A_1296, %mul3A_1455 : vector<16xf32>
        %swap3A_1457 = arith.index_cast %rem3A_467 : i32 to index
        %swap3A_1458 = arith.index_cast %add3A_1266 : i32 to index
        %swap3A_1459 = arith.constant 32 : index
        %swap3A_1460 = tpu.vector_load %arg10[%swap3A_1457, %swap3A_1458, %swap3A_1459] {strides = array<i32>} : memref<4x400x64xf32, #tpu.memory_space<vmem>>, vector<1x1x16xf32>,
        %swap3A_1461 = vector.shape_cast %swap3A_1460 : vector<1x1x16xf32> to vector<16xf32>
        %swap3A_1462 = vector.shape_cast %mul3A_1456 : vector<16xf32> to vector<1x1x16xf32>
        tpu.vector_store %arg10[%swap3A_1457, %swap3A_1458, %swap3A_1459], %swap3A_1462 {strides = array<i32>} : memref<4x400x64xf32, #tpu.memory_space<vmem>>, vector<1x1x16xf32>,
        %slice3A_1463 = vector.extract_strided_slice %get3A_578 {offsets = [8], sizes = [1], strides = [1]} : vector<16xf32> to vector<1xf32>
        %squeeze3A_1464 = vector.extract %slice3A_1463[0] : f32 from vector<1xf32>
        %mul3A_1465 = vector.broadcast %squeeze3A_1464 : f32 to vector<16xf32>
        %mul3A_1466 = arith.mulf %add3A_1306, %mul3A_1465 : vector<16xf32>
        %swap3A_1467 = arith.index_cast %rem3A_467 : i32 to index
        %swap3A_1468 = arith.index_cast %add3A_1266 : i32 to index
        %swap3A_1469 = arith.constant 48 : index
        %swap3A_1470 = tpu.vector_load %arg10[%swap3A_1467, %swap3A_1468, %swap3A_1469] {strides = array<i32>} : memref<4x400x64xf32, #tpu.memory_space<vmem>>, vector<1x1x16xf32>,
        %swap3A_1471 = vector.shape_cast %swap3A_1470 : vector<1x1x16xf32> to vector<16xf32>
        %swap3A_1472 = vector.shape_cast %mul3A_1466 : vector<16xf32> to vector<1x1x16xf32>
        tpu.vector_store %arg10[%swap3A_1467, %swap3A_1468, %swap3A_1469], %swap3A_1472 {strides = array<i32>} : memref<4x400x64xf32, #tpu.memory_space<vmem>>, vector<1x1x16xf32>,
        %slice3A_1473 = vector.extract_strided_slice %get3A_578 {offsets = [9], sizes = [1], strides = [1]} : vector<16xf32> to vector<1xf32>
        %squeeze3A_1474 = vector.extract %slice3A_1473[0] : f32 from vector<1xf32>
        %mul3A_1475 = vector.broadcast %squeeze3A_1474 : f32 to vector<16xf32>
        %mul3A_1476 = arith.mulf %add3A_1318, %mul3A_1475 : vector<16xf32>
        %swap3A_1477 = arith.index_cast %rem3A_467 : i32 to index
        %swap3A_1478 = arith.index_cast %add3A_1308 : i32 to index
        %swap3A_1479 = arith.constant 0 : index
        %swap3A_1480 = tpu.vector_load %arg10[%swap3A_1477, %swap3A_1478, %swap3A_1479] {strides = array<i32>} : memref<4x400x64xf32, #tpu.memory_space<vmem>>, vector<1x1x16xf32>,
        %swap3A_1481 = vector.shape_cast %swap3A_1480 : vector<1x1x16xf32> to vector<16xf32>
        %swap3A_1482 = vector.shape_cast %mul3A_1476 : vector<16xf32> to vector<1x1x16xf32>
        tpu.vector_store %arg10[%swap3A_1477, %swap3A_1478, %swap3A_1479], %swap3A_1482 {strides = array<i32>} : memref<4x400x64xf32, #tpu.memory_space<vmem>>, vector<1x1x16xf32>,
        %slice3A_1483 = vector.extract_strided_slice %get3A_578 {offsets = [9], sizes = [1], strides = [1]} : vector<16xf32> to vector<1xf32>
        %squeeze3A_1484 = vector.extract %slice3A_1483[0] : f32 from vector<1xf32>
        %mul3A_1485 = vector.broadcast %squeeze3A_1484 : f32 to vector<16xf32>
        %mul3A_1486 = arith.mulf %add3A_1328, %mul3A_1485 : vector<16xf32>
        %swap3A_1487 = arith.index_cast %rem3A_467 : i32 to index
        %swap3A_1488 = arith.index_cast %add3A_1308 : i32 to index
        %swap3A_1489 = arith.constant 16 : index
        %swap3A_1490 = tpu.vector_load %arg10[%swap3A_1487, %swap3A_1488, %swap3A_1489] {strides = array<i32>} : memref<4x400x64xf32, #tpu.memory_space<vmem>>, vector<1x1x16xf32>,
        %swap3A_1491 = vector.shape_cast %swap3A_1490 : vector<1x1x16xf32> to vector<16xf32>
        %swap3A_1492 = vector.shape_cast %mul3A_1486 : vector<16xf32> to vector<1x1x16xf32>
        tpu.vector_store %arg10[%swap3A_1487, %swap3A_1488, %swap3A_1489], %swap3A_1492 {strides = array<i32>} : memref<4x400x64xf32, #tpu.memory_space<vmem>>, vector<1x1x16xf32>,
        %slice3A_1493 = vector.extract_strided_slice %get3A_578 {offsets = [9], sizes = [1], strides = [1]} : vector<16xf32> to vector<1xf32>
        %squeeze3A_1494 = vector.extract %slice3A_1493[0] : f32 from vector<1xf32>
        %mul3A_1495 = vector.broadcast %squeeze3A_1494 : f32 to vector<16xf32>
        %mul3A_1496 = arith.mulf %add3A_1338, %mul3A_1495 : vector<16xf32>
        %swap3A_1497 = arith.index_cast %rem3A_467 : i32 to index
        %swap3A_1498 = arith.index_cast %add3A_1308 : i32 to index
        %swap3A_1499 = arith.constant 32 : index
        %swap3A_1500 = tpu.vector_load %arg10[%swap3A_1497, %swap3A_1498, %swap3A_1499] {strides = array<i32>} : memref<4x400x64xf32, #tpu.memory_space<vmem>>, vector<1x1x16xf32>,
        %swap3A_1501 = vector.shape_cast %swap3A_1500 : vector<1x1x16xf32> to vector<16xf32>
        %swap3A_1502 = vector.shape_cast %mul3A_1496 : vector<16xf32> to vector<1x1x16xf32>
        tpu.vector_store %arg10[%swap3A_1497, %swap3A_1498, %swap3A_1499], %swap3A_1502 {strides = array<i32>} : memref<4x400x64xf32, #tpu.memory_space<vmem>>, vector<1x1x16xf32>,
        %slice3A_1503 = vector.extract_strided_slice %get3A_578 {offsets = [9], sizes = [1], strides = [1]} : vector<16xf32> to vector<1xf32>
        %squeeze3A_1504 = vector.extract %slice3A_1503[0] : f32 from vector<1xf32>
        %mul3A_1505 = vector.broadcast %squeeze3A_1504 : f32 to vector<16xf32>
        %mul3A_1506 = arith.mulf %add3A_1348, %mul3A_1505 : vector<16xf32>
        %swap3A_1507 = arith.index_cast %rem3A_467 : i32 to index
        %swap3A_1508 = arith.index_cast %add3A_1308 : i32 to index
        %swap3A_1509 = arith.constant 48 : index
        %swap3A_1510 = tpu.vector_load %arg10[%swap3A_1507, %swap3A_1508, %swap3A_1509] {strides = array<i32>} : memref<4x400x64xf32, #tpu.memory_space<vmem>>, vector<1x1x16xf32>,
        %swap3A_1511 = vector.shape_cast %swap3A_1510 : vector<1x1x16xf32> to vector<16xf32>
        %swap3A_1512 = vector.shape_cast %mul3A_1506 : vector<16xf32> to vector<1x1x16xf32>
        tpu.vector_store %arg10[%swap3A_1507, %swap3A_1508, %swap3A_1509], %swap3A_1512 {strides = array<i32>} : memref<4x400x64xf32, #tpu.memory_space<vmem>>, vector<1x1x16xf32>,
        %slice3A_1513 = vector.extract_strided_slice %get3A_578 {offsets = [10], sizes = [1], strides = [1]} : vector<16xf32> to vector<1xf32>
        %squeeze3A_1514 = vector.extract %slice3A_1513[0] : f32 from vector<1xf32>
        %mul3A_1515 = vector.broadcast %squeeze3A_1514 : f32 to vector<16xf32>
        %mul3A_1516 = arith.mulf %add3A_1360, %mul3A_1515 : vector<16xf32>
        %swap3A_1517 = arith.index_cast %rem3A_467 : i32 to index
        %swap3A_1518 = arith.index_cast %add3A_1350 : i32 to index
        %swap3A_1519 = arith.constant 0 : index
        %swap3A_1520 = tpu.vector_load %arg10[%swap3A_1517, %swap3A_1518, %swap3A_1519] {strides = array<i32>} : memref<4x400x64xf32, #tpu.memory_space<vmem>>, vector<1x1x16xf32>,
        %swap3A_1521 = vector.shape_cast %swap3A_1520 : vector<1x1x16xf32> to vector<16xf32>
        %swap3A_1522 = vector.shape_cast %mul3A_1516 : vector<16xf32> to vector<1x1x16xf32>
        tpu.vector_store %arg10[%swap3A_1517, %swap3A_1518, %swap3A_1519], %swap3A_1522 {strides = array<i32>} : memref<4x400x64xf32, #tpu.memory_space<vmem>>, vector<1x1x16xf32>,
        %slice3A_1523 = vector.extract_strided_slice %get3A_578 {offsets = [10], sizes = [1], strides = [1]} : vector<16xf32> to vector<1xf32>
        %squeeze3A_1524 = vector.extract %slice3A_1523[0] : f32 from vector<1xf32>
        %mul3A_1525 = vector.broadcast %squeeze3A_1524 : f32 to vector<16xf32>
        %mul3A_1526 = arith.mulf %add3A_1370, %mul3A_1525 : vector<16xf32>
        %swap3A_1527 = arith.index_cast %rem3A_467 : i32 to index
        %swap3A_1528 = arith.index_cast %add3A_1350 : i32 to index
        %swap3A_1529 = arith.constant 16 : index
        %swap3A_1530 = tpu.vector_load %arg10[%swap3A_1527, %swap3A_1528, %swap3A_1529] {strides = array<i32>} : memref<4x400x64xf32, #tpu.memory_space<vmem>>, vector<1x1x16xf32>,
        %swap3A_1531 = vector.shape_cast %swap3A_1530 : vector<1x1x16xf32> to vector<16xf32>
        %swap3A_1532 = vector.shape_cast %mul3A_1526 : vector<16xf32> to vector<1x1x16xf32>
        tpu.vector_store %arg10[%swap3A_1527, %swap3A_1528, %swap3A_1529], %swap3A_1532 {strides = array<i32>} : memref<4x400x64xf32, #tpu.memory_space<vmem>>, vector<1x1x16xf32>,
        %slice3A_1533 = vector.extract_strided_slice %get3A_578 {offsets = [10], sizes = [1], strides = [1]} : vector<16xf32> to vector<1xf32>
        %squeeze3A_1534 = vector.extract %slice3A_1533[0] : f32 from vector<1xf32>
        %mul3A_1535 = vector.broadcast %squeeze3A_1534 : f32 to vector<16xf32>
        %mul3A_1536 = arith.mulf %add3A_1380, %mul3A_1535 : vector<16xf32>
        %swap3A_1537 = arith.index_cast %rem3A_467 : i32 to index
        %swap3A_1538 = arith.index_cast %add3A_1350 : i32 to index
        %swap3A_1539 = arith.constant 32 : index
        %swap3A_1540 = tpu.vector_load %arg10[%swap3A_1537, %swap3A_1538, %swap3A_1539] {strides = array<i32>} : memref<4x400x64xf32, #tpu.memory_space<vmem>>, vector<1x1x16xf32>,
        %swap3A_1541 = vector.shape_cast %swap3A_1540 : vector<1x1x16xf32> to vector<16xf32>
        %swap3A_1542 = vector.shape_cast %mul3A_1536 : vector<16xf32> to vector<1x1x16xf32>
        tpu.vector_store %arg10[%swap3A_1537, %swap3A_1538, %swap3A_1539], %swap3A_1542 {strides = array<i32>} : memref<4x400x64xf32, #tpu.memory_space<vmem>>, vector<1x1x16xf32>,
        %slice3A_1543 = vector.extract_strided_slice %get3A_578 {offsets = [10], sizes = [1], strides = [1]} : vector<16xf32> to vector<1xf32>
        %squeeze3A_1544 = vector.extract %slice3A_1543[0] : f32 from vector<1xf32>
        %mul3A_1545 = vector.broadcast %squeeze3A_1544 : f32 to vector<16xf32>
        %mul3A_1546 = arith.mulf %add3A_1390, %mul3A_1545 : vector<16xf32>
        %swap3A_1547 = arith.index_cast %rem3A_467 : i32 to index
        %swap3A_1548 = arith.index_cast %add3A_1350 : i32 to index
        %swap3A_1549 = arith.constant 48 : index
        %swap3A_1550 = tpu.vector_load %arg10[%swap3A_1547, %swap3A_1548, %swap3A_1549] {strides = array<i32>} : memref<4x400x64xf32, #tpu.memory_space<vmem>>, vector<1x1x16xf32>,
        %swap3A_1551 = vector.shape_cast %swap3A_1550 : vector<1x1x16xf32> to vector<16xf32>
        %swap3A_1552 = vector.shape_cast %mul3A_1546 : vector<16xf32> to vector<1x1x16xf32>
        tpu.vector_store %arg10[%swap3A_1547, %swap3A_1548, %swap3A_1549], %swap3A_1552 {strides = array<i32>} : memref<4x400x64xf32, #tpu.memory_space<vmem>>, vector<1x1x16xf32>,
        %slice3A_1553 = vector.extract_strided_slice %get3A_578 {offsets = [11], sizes = [1], strides = [1]} : vector<16xf32> to vector<1xf32>
        %squeeze3A_1554 = vector.extract %slice3A_1553[0] : f32 from vector<1xf32>
        %mul3A_1555 = vector.broadcast %squeeze3A_1554 : f32 to vector<16xf32>
        %mul3A_1556 = arith.mulf %add3A_1402, %mul3A_1555 : vector<16xf32>
        %swap3A_1557 = arith.index_cast %rem3A_467 : i32 to index
        %swap3A_1558 = arith.index_cast %add3A_1392 : i32 to index
        %swap3A_1559 = arith.constant 0 : index
        %swap3A_1560 = tpu.vector_load %arg10[%swap3A_1557, %swap3A_1558, %swap3A_1559] {strides = array<i32>} : memref<4x400x64xf32, #tpu.memory_space<vmem>>, vector<1x1x16xf32>,
        %swap3A_1561 = vector.shape_cast %swap3A_1560 : vector<1x1x16xf32> to vector<16xf32>
        %swap3A_1562 = vector.shape_cast %mul3A_1556 : vector<16xf32> to vector<1x1x16xf32>
        tpu.vector_store %arg10[%swap3A_1557, %swap3A_1558, %swap3A_1559], %swap3A_1562 {strides = array<i32>} : memref<4x400x64xf32, #tpu.memory_space<vmem>>, vector<1x1x16xf32>,
        %slice3A_1563 = vector.extract_strided_slice %get3A_578 {offsets = [11], sizes = [1], strides = [1]} : vector<16xf32> to vector<1xf32>
        %squeeze3A_1564 = vector.extract %slice3A_1563[0] : f32 from vector<1xf32>
        %mul3A_1565 = vector.broadcast %squeeze3A_1564 : f32 to vector<16xf32>
        %mul3A_1566 = arith.mulf %add3A_1412, %mul3A_1565 : vector<16xf32>
        %swap3A_1567 = arith.index_cast %rem3A_467 : i32 to index
        %swap3A_1568 = arith.index_cast %add3A_1392 : i32 to index
        %swap3A_1569 = arith.constant 16 : index
        %swap3A_1570 = tpu.vector_load %arg10[%swap3A_1567, %swap3A_1568, %swap3A_1569] {strides = array<i32>} : memref<4x400x64xf32, #tpu.memory_space<vmem>>, vector<1x1x16xf32>,
        %swap3A_1571 = vector.shape_cast %swap3A_1570 : vector<1x1x16xf32> to vector<16xf32>
        %swap3A_1572 = vector.shape_cast %mul3A_1566 : vector<16xf32> to vector<1x1x16xf32>
        tpu.vector_store %arg10[%swap3A_1567, %swap3A_1568, %swap3A_1569], %swap3A_1572 {strides = array<i32>} : memref<4x400x64xf32, #tpu.memory_space<vmem>>, vector<1x1x16xf32>,
        %slice3A_1573 = vector.extract_strided_slice %get3A_578 {offsets = [11], sizes = [1], strides = [1]} : vector<16xf32> to vector<1xf32>
        %squeeze3A_1574 = vector.extract %slice3A_1573[0] : f32 from vector<1xf32>
        %mul3A_1575 = vector.broadcast %squeeze3A_1574 : f32 to vector<16xf32>
        %mul3A_1576 = arith.mulf %add3A_1422, %mul3A_1575 : vector<16xf32>
        %swap3A_1577 = arith.index_cast %rem3A_467 : i32 to index
        %swap3A_1578 = arith.index_cast %add3A_1392 : i32 to index
        %swap3A_1579 = arith.constant 32 : index
        %swap3A_1580 = tpu.vector_load %arg10[%swap3A_1577, %swap3A_1578, %swap3A_1579] {strides = array<i32>} : memref<4x400x64xf32, #tpu.memory_space<vmem>>, vector<1x1x16xf32>,
        %swap3A_1581 = vector.shape_cast %swap3A_1580 : vector<1x1x16xf32> to vector<16xf32>
        %swap3A_1582 = vector.shape_cast %mul3A_1576 : vector<16xf32> to vector<1x1x16xf32>
        tpu.vector_store %arg10[%swap3A_1577, %swap3A_1578, %swap3A_1579], %swap3A_1582 {strides = array<i32>} : memref<4x400x64xf32, #tpu.memory_space<vmem>>, vector<1x1x16xf32>,
        %slice3A_1583 = vector.extract_strided_slice %get3A_578 {offsets = [11], sizes = [1], strides = [1]} : vector<16xf32> to vector<1xf32>
        %squeeze3A_1584 = vector.extract %slice3A_1583[0] : f32 from vector<1xf32>
        %mul3A_1585 = vector.broadcast %squeeze3A_1584 : f32 to vector<16xf32>
        %mul3A_1586 = arith.mulf %add3A_1432, %mul3A_1585 : vector<16xf32>
        %swap3A_1587 = arith.index_cast %rem3A_467 : i32 to index
        %swap3A_1588 = arith.index_cast %add3A_1392 : i32 to index
        %swap3A_1589 = arith.constant 48 : index
        %swap3A_1590 = tpu.vector_load %arg10[%swap3A_1587, %swap3A_1588, %swap3A_1589] {strides = array<i32>} : memref<4x400x64xf32, #tpu.memory_space<vmem>>, vector<1x1x16xf32>,
        %swap3A_1591 = vector.shape_cast %swap3A_1590 : vector<1x1x16xf32> to vector<16xf32>
        %swap3A_1592 = vector.shape_cast %mul3A_1586 : vector<16xf32> to vector<1x1x16xf32>
        tpu.vector_store %arg10[%swap3A_1587, %swap3A_1588, %swap3A_1589], %swap3A_1592 {strides = array<i32>} : memref<4x400x64xf32, #tpu.memory_space<vmem>>, vector<1x1x16xf32>,
        %add3A_1593 = arith.constant 12 : i32
        %add3A_1594 = arith.addi %mul3A_569, %add3A_1593 : i32
        %get3A_1595 = arith.index_cast %rem3A_467 : i32 to index
        %get3A_1596 = arith.index_cast %add3A_1594 : i32 to index
        %get3A_1597 = arith.constant 0 : index
        %get3A_1598 = tpu.vector_load %arg10[%get3A_1595, %get3A_1596, %get3A_1597] {strides = array<i32>} : memref<4x400x64xf32, #tpu.memory_space<vmem>>, vector<1x1x16xf32>,
        %get3A_1599 = vector.shape_cast %get3A_1598 : vector<1x1x16xf32> to vector<16xf32>
        %get3A_1600 = arith.index_cast %squeeze3A_602 : i32 to index
        %get3A_1601 = arith.constant 0 : index
        %get3A_1602 = tpu.vector_load %arg11[%get3A_1600, %get3A_1601] {strides = array<i32>} : memref<200x64xf32, #tpu.memory_space<vmem>>, vector<1x16xf32>,
        %get3A_1603 = vector.shape_cast %get3A_1602 : vector<1x16xf32> to vector<16xf32>
        %add3A_1604 = arith.addf %get3A_1599, %get3A_1603 : vector<16xf32>
        %get3A_1605 = arith.index_cast %rem3A_467 : i32 to index
        %get3A_1606 = arith.index_cast %add3A_1594 : i32 to index
        %get3A_1607 = arith.constant 16 : index
        %get3A_1608 = tpu.vector_load %arg10[%get3A_1605, %get3A_1606, %get3A_1607] {strides = array<i32>} : memref<4x400x64xf32, #tpu.memory_space<vmem>>, vector<1x1x16xf32>,
        %get3A_1609 = vector.shape_cast %get3A_1608 : vector<1x1x16xf32> to vector<16xf32>
        %get3A_1610 = arith.index_cast %squeeze3A_602 : i32 to index
        %get3A_1611 = arith.constant 16 : index
        %get3A_1612 = tpu.vector_load %arg11[%get3A_1610, %get3A_1611] {strides = array<i32>} : memref<200x64xf32, #tpu.memory_space<vmem>>, vector<1x16xf32>,
        %get3A_1613 = vector.shape_cast %get3A_1612 : vector<1x16xf32> to vector<16xf32>
        %add3A_1614 = arith.addf %get3A_1609, %get3A_1613 : vector<16xf32>
        %get3A_1615 = arith.index_cast %rem3A_467 : i32 to index
        %get3A_1616 = arith.index_cast %add3A_1594 : i32 to index
        %get3A_1617 = arith.constant 32 : index
        %get3A_1618 = tpu.vector_load %arg10[%get3A_1615, %get3A_1616, %get3A_1617] {strides = array<i32>} : memref<4x400x64xf32, #tpu.memory_space<vmem>>, vector<1x1x16xf32>,
        %get3A_1619 = vector.shape_cast %get3A_1618 : vector<1x1x16xf32> to vector<16xf32>
        %get3A_1620 = arith.index_cast %squeeze3A_602 : i32 to index
        %get3A_1621 = arith.constant 32 : index
        %get3A_1622 = tpu.vector_load %arg11[%get3A_1620, %get3A_1621] {strides = array<i32>} : memref<200x64xf32, #tpu.memory_space<vmem>>, vector<1x16xf32>,
        %get3A_1623 = vector.shape_cast %get3A_1622 : vector<1x16xf32> to vector<16xf32>
        %add3A_1624 = arith.addf %get3A_1619, %get3A_1623 : vector<16xf32>
        %get3A_1625 = arith.index_cast %rem3A_467 : i32 to index
        %get3A_1626 = arith.index_cast %add3A_1594 : i32 to index
        %get3A_1627 = arith.constant 48 : index
        %get3A_1628 = tpu.vector_load %arg10[%get3A_1625, %get3A_1626, %get3A_1627] {strides = array<i32>} : memref<4x400x64xf32, #tpu.memory_space<vmem>>, vector<1x1x16xf32>,
        %get3A_1629 = vector.shape_cast %get3A_1628 : vector<1x1x16xf32> to vector<16xf32>
        %get3A_1630 = arith.index_cast %squeeze3A_602 : i32 to index
        %get3A_1631 = arith.constant 48 : index
        %get3A_1632 = tpu.vector_load %arg11[%get3A_1630, %get3A_1631] {strides = array<i32>} : memref<200x64xf32, #tpu.memory_space<vmem>>, vector<1x16xf32>,
        %get3A_1633 = vector.shape_cast %get3A_1632 : vector<1x16xf32> to vector<16xf32>
        %add3A_1634 = arith.addf %get3A_1629, %get3A_1633 : vector<16xf32>
        %add3A_1635 = arith.constant 13 : i32
        %add3A_1636 = arith.addi %mul3A_569, %add3A_1635 : i32
        %get3A_1637 = arith.index_cast %rem3A_467 : i32 to index
        %get3A_1638 = arith.index_cast %add3A_1636 : i32 to index
        %get3A_1639 = arith.constant 0 : index
        %get3A_1640 = tpu.vector_load %arg10[%get3A_1637, %get3A_1638, %get3A_1639] {strides = array<i32>} : memref<4x400x64xf32, #tpu.memory_space<vmem>>, vector<1x1x16xf32>,
        %get3A_1641 = vector.shape_cast %get3A_1640 : vector<1x1x16xf32> to vector<16xf32>
        %get3A_1642 = arith.index_cast %squeeze3A_604 : i32 to index
        %get3A_1643 = arith.constant 0 : index
        %get3A_1644 = tpu.vector_load %arg11[%get3A_1642, %get3A_1643] {strides = array<i32>} : memref<200x64xf32, #tpu.memory_space<vmem>>, vector<1x16xf32>,
        %get3A_1645 = vector.shape_cast %get3A_1644 : vector<1x16xf32> to vector<16xf32>
        %add3A_1646 = arith.addf %get3A_1641, %get3A_1645 : vector<16xf32>
        %get3A_1647 = arith.index_cast %rem3A_467 : i32 to index
        %get3A_1648 = arith.index_cast %add3A_1636 : i32 to index
        %get3A_1649 = arith.constant 16 : index
        %get3A_1650 = tpu.vector_load %arg10[%get3A_1647, %get3A_1648, %get3A_1649] {strides = array<i32>} : memref<4x400x64xf32, #tpu.memory_space<vmem>>, vector<1x1x16xf32>,
        %get3A_1651 = vector.shape_cast %get3A_1650 : vector<1x1x16xf32> to vector<16xf32>
        %get3A_1652 = arith.index_cast %squeeze3A_604 : i32 to index
        %get3A_1653 = arith.constant 16 : index
        %get3A_1654 = tpu.vector_load %arg11[%get3A_1652, %get3A_1653] {strides = array<i32>} : memref<200x64xf32, #tpu.memory_space<vmem>>, vector<1x16xf32>,
        %get3A_1655 = vector.shape_cast %get3A_1654 : vector<1x16xf32> to vector<16xf32>
        %add3A_1656 = arith.addf %get3A_1651, %get3A_1655 : vector<16xf32>
        %get3A_1657 = arith.index_cast %rem3A_467 : i32 to index
        %get3A_1658 = arith.index_cast %add3A_1636 : i32 to index
        %get3A_1659 = arith.constant 32 : index
        %get3A_1660 = tpu.vector_load %arg10[%get3A_1657, %get3A_1658, %get3A_1659] {strides = array<i32>} : memref<4x400x64xf32, #tpu.memory_space<vmem>>, vector<1x1x16xf32>,
        %get3A_1661 = vector.shape_cast %get3A_1660 : vector<1x1x16xf32> to vector<16xf32>
        %get3A_1662 = arith.index_cast %squeeze3A_604 : i32 to index
        %get3A_1663 = arith.constant 32 : index
        %get3A_1664 = tpu.vector_load %arg11[%get3A_1662, %get3A_1663] {strides = array<i32>} : memref<200x64xf32, #tpu.memory_space<vmem>>, vector<1x16xf32>,
        %get3A_1665 = vector.shape_cast %get3A_1664 : vector<1x16xf32> to vector<16xf32>
        %add3A_1666 = arith.addf %get3A_1661, %get3A_1665 : vector<16xf32>
        %get3A_1667 = arith.index_cast %rem3A_467 : i32 to index
        %get3A_1668 = arith.index_cast %add3A_1636 : i32 to index
        %get3A_1669 = arith.constant 48 : index
        %get3A_1670 = tpu.vector_load %arg10[%get3A_1667, %get3A_1668, %get3A_1669] {strides = array<i32>} : memref<4x400x64xf32, #tpu.memory_space<vmem>>, vector<1x1x16xf32>,
        %get3A_1671 = vector.shape_cast %get3A_1670 : vector<1x1x16xf32> to vector<16xf32>
        %get3A_1672 = arith.index_cast %squeeze3A_604 : i32 to index
        %get3A_1673 = arith.constant 48 : index
        %get3A_1674 = tpu.vector_load %arg11[%get3A_1672, %get3A_1673] {strides = array<i32>} : memref<200x64xf32, #tpu.memory_space<vmem>>, vector<1x16xf32>,
        %get3A_1675 = vector.shape_cast %get3A_1674 : vector<1x16xf32> to vector<16xf32>
        %add3A_1676 = arith.addf %get3A_1671, %get3A_1675 : vector<16xf32>
        %add3A_1677 = arith.constant 14 : i32
        %add3A_1678 = arith.addi %mul3A_569, %add3A_1677 : i32
        %get3A_1679 = arith.index_cast %rem3A_467 : i32 to index
        %get3A_1680 = arith.index_cast %add3A_1678 : i32 to index
        %get3A_1681 = arith.constant 0 : index
        %get3A_1682 = tpu.vector_load %arg10[%get3A_1679, %get3A_1680, %get3A_1681] {strides = array<i32>} : memref<4x400x64xf32, #tpu.memory_space<vmem>>, vector<1x1x16xf32>,
        %get3A_1683 = vector.shape_cast %get3A_1682 : vector<1x1x16xf32> to vector<16xf32>
        %get3A_1684 = arith.index_cast %squeeze3A_606 : i32 to index
        %get3A_1685 = arith.constant 0 : index
        %get3A_1686 = tpu.vector_load %arg11[%get3A_1684, %get3A_1685] {strides = array<i32>} : memref<200x64xf32, #tpu.memory_space<vmem>>, vector<1x16xf32>,
        %get3A_1687 = vector.shape_cast %get3A_1686 : vector<1x16xf32> to vector<16xf32>
        %add3A_1688 = arith.addf %get3A_1683, %get3A_1687 : vector<16xf32>
        %get3A_1689 = arith.index_cast %rem3A_467 : i32 to index
        %get3A_1690 = arith.index_cast %add3A_1678 : i32 to index
        %get3A_1691 = arith.constant 16 : index
        %get3A_1692 = tpu.vector_load %arg10[%get3A_1689, %get3A_1690, %get3A_1691] {strides = array<i32>} : memref<4x400x64xf32, #tpu.memory_space<vmem>>, vector<1x1x16xf32>,
        %get3A_1693 = vector.shape_cast %get3A_1692 : vector<1x1x16xf32> to vector<16xf32>
        %get3A_1694 = arith.index_cast %squeeze3A_606 : i32 to index
        %get3A_1695 = arith.constant 16 : index
        %get3A_1696 = tpu.vector_load %arg11[%get3A_1694, %get3A_1695] {strides = array<i32>} : memref<200x64xf32, #tpu.memory_space<vmem>>, vector<1x16xf32>,
        %get3A_1697 = vector.shape_cast %get3A_1696 : vector<1x16xf32> to vector<16xf32>
        %add3A_1698 = arith.addf %get3A_1693, %get3A_1697 : vector<16xf32>
        %get3A_1699 = arith.index_cast %rem3A_467 : i32 to index
        %get3A_1700 = arith.index_cast %add3A_1678 : i32 to index
        %get3A_1701 = arith.constant 32 : index
        %get3A_1702 = tpu.vector_load %arg10[%get3A_1699, %get3A_1700, %get3A_1701] {strides = array<i32>} : memref<4x400x64xf32, #tpu.memory_space<vmem>>, vector<1x1x16xf32>,
        %get3A_1703 = vector.shape_cast %get3A_1702 : vector<1x1x16xf32> to vector<16xf32>
        %get3A_1704 = arith.index_cast %squeeze3A_606 : i32 to index
        %get3A_1705 = arith.constant 32 : index
        %get3A_1706 = tpu.vector_load %arg11[%get3A_1704, %get3A_1705] {strides = array<i32>} : memref<200x64xf32, #tpu.memory_space<vmem>>, vector<1x16xf32>,
        %get3A_1707 = vector.shape_cast %get3A_1706 : vector<1x16xf32> to vector<16xf32>
        %add3A_1708 = arith.addf %get3A_1703, %get3A_1707 : vector<16xf32>
        %get3A_1709 = arith.index_cast %rem3A_467 : i32 to index
        %get3A_1710 = arith.index_cast %add3A_1678 : i32 to index
        %get3A_1711 = arith.constant 48 : index
        %get3A_1712 = tpu.vector_load %arg10[%get3A_1709, %get3A_1710, %get3A_1711] {strides = array<i32>} : memref<4x400x64xf32, #tpu.memory_space<vmem>>, vector<1x1x16xf32>,
        %get3A_1713 = vector.shape_cast %get3A_1712 : vector<1x1x16xf32> to vector<16xf32>
        %get3A_1714 = arith.index_cast %squeeze3A_606 : i32 to index
        %get3A_1715 = arith.constant 48 : index
        %get3A_1716 = tpu.vector_load %arg11[%get3A_1714, %get3A_1715] {strides = array<i32>} : memref<200x64xf32, #tpu.memory_space<vmem>>, vector<1x16xf32>,
        %get3A_1717 = vector.shape_cast %get3A_1716 : vector<1x16xf32> to vector<16xf32>
        %add3A_1718 = arith.addf %get3A_1713, %get3A_1717 : vector<16xf32>
        %add3A_1719 = arith.constant 15 : i32
        %add3A_1720 = arith.addi %mul3A_569, %add3A_1719 : i32
        %get3A_1721 = arith.index_cast %rem3A_467 : i32 to index
        %get3A_1722 = arith.index_cast %add3A_1720 : i32 to index
        %get3A_1723 = arith.constant 0 : index
        %get3A_1724 = tpu.vector_load %arg10[%get3A_1721, %get3A_1722, %get3A_1723] {strides = array<i32>} : memref<4x400x64xf32, #tpu.memory_space<vmem>>, vector<1x1x16xf32>,
        %get3A_1725 = vector.shape_cast %get3A_1724 : vector<1x1x16xf32> to vector<16xf32>
        %get3A_1726 = arith.index_cast %squeeze3A_608 : i32 to index
        %get3A_1727 = arith.constant 0 : index
        %get3A_1728 = tpu.vector_load %arg11[%get3A_1726, %get3A_1727] {strides = array<i32>} : memref<200x64xf32, #tpu.memory_space<vmem>>, vector<1x16xf32>,
        %get3A_1729 = vector.shape_cast %get3A_1728 : vector<1x16xf32> to vector<16xf32>
        %add3A_1730 = arith.addf %get3A_1725, %get3A_1729 : vector<16xf32>
        %get3A_1731 = arith.index_cast %rem3A_467 : i32 to index
        %get3A_1732 = arith.index_cast %add3A_1720 : i32 to index
        %get3A_1733 = arith.constant 16 : index
        %get3A_1734 = tpu.vector_load %arg10[%get3A_1731, %get3A_1732, %get3A_1733] {strides = array<i32>} : memref<4x400x64xf32, #tpu.memory_space<vmem>>, vector<1x1x16xf32>,
        %get3A_1735 = vector.shape_cast %get3A_1734 : vector<1x1x16xf32> to vector<16xf32>
        %get3A_1736 = arith.index_cast %squeeze3A_608 : i32 to index
        %get3A_1737 = arith.constant 16 : index
        %get3A_1738 = tpu.vector_load %arg11[%get3A_1736, %get3A_1737] {strides = array<i32>} : memref<200x64xf32, #tpu.memory_space<vmem>>, vector<1x16xf32>,
        %get3A_1739 = vector.shape_cast %get3A_1738 : vector<1x16xf32> to vector<16xf32>
        %add3A_1740 = arith.addf %get3A_1735, %get3A_1739 : vector<16xf32>
        %get3A_1741 = arith.index_cast %rem3A_467 : i32 to index
        %get3A_1742 = arith.index_cast %add3A_1720 : i32 to index
        %get3A_1743 = arith.constant 32 : index
        %get3A_1744 = tpu.vector_load %arg10[%get3A_1741, %get3A_1742, %get3A_1743] {strides = array<i32>} : memref<4x400x64xf32, #tpu.memory_space<vmem>>, vector<1x1x16xf32>,
        %get3A_1745 = vector.shape_cast %get3A_1744 : vector<1x1x16xf32> to vector<16xf32>
        %get3A_1746 = arith.index_cast %squeeze3A_608 : i32 to index
        %get3A_1747 = arith.constant 32 : index
        %get3A_1748 = tpu.vector_load %arg11[%get3A_1746, %get3A_1747] {strides = array<i32>} : memref<200x64xf32, #tpu.memory_space<vmem>>, vector<1x16xf32>,
        %get3A_1749 = vector.shape_cast %get3A_1748 : vector<1x16xf32> to vector<16xf32>
        %add3A_1750 = arith.addf %get3A_1745, %get3A_1749 : vector<16xf32>
        %get3A_1751 = arith.index_cast %rem3A_467 : i32 to index
        %get3A_1752 = arith.index_cast %add3A_1720 : i32 to index
        %get3A_1753 = arith.constant 48 : index
        %get3A_1754 = tpu.vector_load %arg10[%get3A_1751, %get3A_1752, %get3A_1753] {strides = array<i32>} : memref<4x400x64xf32, #tpu.memory_space<vmem>>, vector<1x1x16xf32>,
        %get3A_1755 = vector.shape_cast %get3A_1754 : vector<1x1x16xf32> to vector<16xf32>
        %get3A_1756 = arith.index_cast %squeeze3A_608 : i32 to index
        %get3A_1757 = arith.constant 48 : index
        %get3A_1758 = tpu.vector_load %arg11[%get3A_1756, %get3A_1757] {strides = array<i32>} : memref<200x64xf32, #tpu.memory_space<vmem>>, vector<1x16xf32>,
        %get3A_1759 = vector.shape_cast %get3A_1758 : vector<1x16xf32> to vector<16xf32>
        %add3A_1760 = arith.addf %get3A_1755, %get3A_1759 : vector<16xf32>
        %slice3A_1761 = vector.extract_strided_slice %get3A_578 {offsets = [12], sizes = [1], strides = [1]} : vector<16xf32> to vector<1xf32>
        %squeeze3A_1762 = vector.extract %slice3A_1761[0] : f32 from vector<1xf32>
        %mul3A_1763 = vector.broadcast %squeeze3A_1762 : f32 to vector<16xf32>
        %mul3A_1764 = arith.mulf %add3A_1604, %mul3A_1763 : vector<16xf32>
        %swap3A_1765 = arith.index_cast %rem3A_467 : i32 to index
        %swap3A_1766 = arith.index_cast %add3A_1594 : i32 to index
        %swap3A_1767 = arith.constant 0 : index
        %swap3A_1768 = tpu.vector_load %arg10[%swap3A_1765, %swap3A_1766, %swap3A_1767] {strides = array<i32>} : memref<4x400x64xf32, #tpu.memory_space<vmem>>, vector<1x1x16xf32>,
        %swap3A_1769 = vector.shape_cast %swap3A_1768 : vector<1x1x16xf32> to vector<16xf32>
        %swap3A_1770 = vector.shape_cast %mul3A_1764 : vector<16xf32> to vector<1x1x16xf32>
        tpu.vector_store %arg10[%swap3A_1765, %swap3A_1766, %swap3A_1767], %swap3A_1770 {strides = array<i32>} : memref<4x400x64xf32, #tpu.memory_space<vmem>>, vector<1x1x16xf32>,
        %slice3A_1771 = vector.extract_strided_slice %get3A_578 {offsets = [12], sizes = [1], strides = [1]} : vector<16xf32> to vector<1xf32>
        %squeeze3A_1772 = vector.extract %slice3A_1771[0] : f32 from vector<1xf32>
        %mul3A_1773 = vector.broadcast %squeeze3A_1772 : f32 to vector<16xf32>
        %mul3A_1774 = arith.mulf %add3A_1614, %mul3A_1773 : vector<16xf32>
        %swap3A_1775 = arith.index_cast %rem3A_467 : i32 to index
        %swap3A_1776 = arith.index_cast %add3A_1594 : i32 to index
        %swap3A_1777 = arith.constant 16 : index
        %swap3A_1778 = tpu.vector_load %arg10[%swap3A_1775, %swap3A_1776, %swap3A_1777] {strides = array<i32>} : memref<4x400x64xf32, #tpu.memory_space<vmem>>, vector<1x1x16xf32>,
        %swap3A_1779 = vector.shape_cast %swap3A_1778 : vector<1x1x16xf32> to vector<16xf32>
        %swap3A_1780 = vector.shape_cast %mul3A_1774 : vector<16xf32> to vector<1x1x16xf32>
        tpu.vector_store %arg10[%swap3A_1775, %swap3A_1776, %swap3A_1777], %swap3A_1780 {strides = array<i32>} : memref<4x400x64xf32, #tpu.memory_space<vmem>>, vector<1x1x16xf32>,
        %slice3A_1781 = vector.extract_strided_slice %get3A_578 {offsets = [12], sizes = [1], strides = [1]} : vector<16xf32> to vector<1xf32>
        %squeeze3A_1782 = vector.extract %slice3A_1781[0] : f32 from vector<1xf32>
        %mul3A_1783 = vector.broadcast %squeeze3A_1782 : f32 to vector<16xf32>
        %mul3A_1784 = arith.mulf %add3A_1624, %mul3A_1783 : vector<16xf32>
        %swap3A_1785 = arith.index_cast %rem3A_467 : i32 to index
        %swap3A_1786 = arith.index_cast %add3A_1594 : i32 to index
        %swap3A_1787 = arith.constant 32 : index
        %swap3A_1788 = tpu.vector_load %arg10[%swap3A_1785, %swap3A_1786, %swap3A_1787] {strides = array<i32>} : memref<4x400x64xf32, #tpu.memory_space<vmem>>, vector<1x1x16xf32>,
        %swap3A_1789 = vector.shape_cast %swap3A_1788 : vector<1x1x16xf32> to vector<16xf32>
        %swap3A_1790 = vector.shape_cast %mul3A_1784 : vector<16xf32> to vector<1x1x16xf32>
        tpu.vector_store %arg10[%swap3A_1785, %swap3A_1786, %swap3A_1787], %swap3A_1790 {strides = array<i32>} : memref<4x400x64xf32, #tpu.memory_space<vmem>>, vector<1x1x16xf32>,
        %slice3A_1791 = vector.extract_strided_slice %get3A_578 {offsets = [12], sizes = [1], strides = [1]} : vector<16xf32> to vector<1xf32>
        %squeeze3A_1792 = vector.extract %slice3A_1791[0] : f32 from vector<1xf32>
        %mul3A_1793 = vector.broadcast %squeeze3A_1792 : f32 to vector<16xf32>
        %mul3A_1794 = arith.mulf %add3A_1634, %mul3A_1793 : vector<16xf32>
        %swap3A_1795 = arith.index_cast %rem3A_467 : i32 to index
        %swap3A_1796 = arith.index_cast %add3A_1594 : i32 to index
        %swap3A_1797 = arith.constant 48 : index
        %swap3A_1798 = tpu.vector_load %arg10[%swap3A_1795, %swap3A_1796, %swap3A_1797] {strides = array<i32>} : memref<4x400x64xf32, #tpu.memory_space<vmem>>, vector<1x1x16xf32>,
        %swap3A_1799 = vector.shape_cast %swap3A_1798 : vector<1x1x16xf32> to vector<16xf32>
        %swap3A_1800 = vector.shape_cast %mul3A_1794 : vector<16xf32> to vector<1x1x16xf32>
        tpu.vector_store %arg10[%swap3A_1795, %swap3A_1796, %swap3A_1797], %swap3A_1800 {strides = array<i32>} : memref<4x400x64xf32, #tpu.memory_space<vmem>>, vector<1x1x16xf32>,
        %slice3A_1801 = vector.extract_strided_slice %get3A_578 {offsets = [13], sizes = [1], strides = [1]} : vector<16xf32> to vector<1xf32>
        %squeeze3A_1802 = vector.extract %slice3A_1801[0] : f32 from vector<1xf32>
        %mul3A_1803 = vector.broadcast %squeeze3A_1802 : f32 to vector<16xf32>
        %mul3A_1804 = arith.mulf %add3A_1646, %mul3A_1803 : vector<16xf32>
        %swap3A_1805 = arith.index_cast %rem3A_467 : i32 to index
        %swap3A_1806 = arith.index_cast %add3A_1636 : i32 to index
        %swap3A_1807 = arith.constant 0 : index
        %swap3A_1808 = tpu.vector_load %arg10[%swap3A_1805, %swap3A_1806, %swap3A_1807] {strides = array<i32>} : memref<4x400x64xf32, #tpu.memory_space<vmem>>, vector<1x1x16xf32>,
        %swap3A_1809 = vector.shape_cast %swap3A_1808 : vector<1x1x16xf32> to vector<16xf32>
        %swap3A_1810 = vector.shape_cast %mul3A_1804 : vector<16xf32> to vector<1x1x16xf32>
        tpu.vector_store %arg10[%swap3A_1805, %swap3A_1806, %swap3A_1807], %swap3A_1810 {strides = array<i32>} : memref<4x400x64xf32, #tpu.memory_space<vmem>>, vector<1x1x16xf32>,
        %slice3A_1811 = vector.extract_strided_slice %get3A_578 {offsets = [13], sizes = [1], strides = [1]} : vector<16xf32> to vector<1xf32>
        %squeeze3A_1812 = vector.extract %slice3A_1811[0] : f32 from vector<1xf32>
        %mul3A_1813 = vector.broadcast %squeeze3A_1812 : f32 to vector<16xf32>
        %mul3A_1814 = arith.mulf %add3A_1656, %mul3A_1813 : vector<16xf32>
        %swap3A_1815 = arith.index_cast %rem3A_467 : i32 to index
        %swap3A_1816 = arith.index_cast %add3A_1636 : i32 to index
        %swap3A_1817 = arith.constant 16 : index
        %swap3A_1818 = tpu.vector_load %arg10[%swap3A_1815, %swap3A_1816, %swap3A_1817] {strides = array<i32>} : memref<4x400x64xf32, #tpu.memory_space<vmem>>, vector<1x1x16xf32>,
        %swap3A_1819 = vector.shape_cast %swap3A_1818 : vector<1x1x16xf32> to vector<16xf32>
        %swap3A_1820 = vector.shape_cast %mul3A_1814 : vector<16xf32> to vector<1x1x16xf32>
        tpu.vector_store %arg10[%swap3A_1815, %swap3A_1816, %swap3A_1817], %swap3A_1820 {strides = array<i32>} : memref<4x400x64xf32, #tpu.memory_space<vmem>>, vector<1x1x16xf32>,
        %slice3A_1821 = vector.extract_strided_slice %get3A_578 {offsets = [13], sizes = [1], strides = [1]} : vector<16xf32> to vector<1xf32>
        %squeeze3A_1822 = vector.extract %slice3A_1821[0] : f32 from vector<1xf32>
        %mul3A_1823 = vector.broadcast %squeeze3A_1822 : f32 to vector<16xf32>
        %mul3A_1824 = arith.mulf %add3A_1666, %mul3A_1823 : vector<16xf32>
        %swap3A_1825 = arith.index_cast %rem3A_467 : i32 to index
        %swap3A_1826 = arith.index_cast %add3A_1636 : i32 to index
        %swap3A_1827 = arith.constant 32 : index
        %swap3A_1828 = tpu.vector_load %arg10[%swap3A_1825, %swap3A_1826, %swap3A_1827] {strides = array<i32>} : memref<4x400x64xf32, #tpu.memory_space<vmem>>, vector<1x1x16xf32>,
        %swap3A_1829 = vector.shape_cast %swap3A_1828 : vector<1x1x16xf32> to vector<16xf32>
        %swap3A_1830 = vector.shape_cast %mul3A_1824 : vector<16xf32> to vector<1x1x16xf32>
        tpu.vector_store %arg10[%swap3A_1825, %swap3A_1826, %swap3A_1827], %swap3A_1830 {strides = array<i32>} : memref<4x400x64xf32, #tpu.memory_space<vmem>>, vector<1x1x16xf32>,
        %slice3A_1831 = vector.extract_strided_slice %get3A_578 {offsets = [13], sizes = [1], strides = [1]} : vector<16xf32> to vector<1xf32>
        %squeeze3A_1832 = vector.extract %slice3A_1831[0] : f32 from vector<1xf32>
        %mul3A_1833 = vector.broadcast %squeeze3A_1832 : f32 to vector<16xf32>
        %mul3A_1834 = arith.mulf %add3A_1676, %mul3A_1833 : vector<16xf32>
        %swap3A_1835 = arith.index_cast %rem3A_467 : i32 to index
        %swap3A_1836 = arith.index_cast %add3A_1636 : i32 to index
        %swap3A_1837 = arith.constant 48 : index
        %swap3A_1838 = tpu.vector_load %arg10[%swap3A_1835, %swap3A_1836, %swap3A_1837] {strides = array<i32>} : memref<4x400x64xf32, #tpu.memory_space<vmem>>, vector<1x1x16xf32>,
        %swap3A_1839 = vector.shape_cast %swap3A_1838 : vector<1x1x16xf32> to vector<16xf32>
        %swap3A_1840 = vector.shape_cast %mul3A_1834 : vector<16xf32> to vector<1x1x16xf32>
        tpu.vector_store %arg10[%swap3A_1835, %swap3A_1836, %swap3A_1837], %swap3A_1840 {strides = array<i32>} : memref<4x400x64xf32, #tpu.memory_space<vmem>>, vector<1x1x16xf32>,
        %slice3A_1841 = vector.extract_strided_slice %get3A_578 {offsets = [14], sizes = [1], strides = [1]} : vector<16xf32> to vector<1xf32>
        %squeeze3A_1842 = vector.extract %slice3A_1841[0] : f32 from vector<1xf32>
        %mul3A_1843 = vector.broadcast %squeeze3A_1842 : f32 to vector<16xf32>
        %mul3A_1844 = arith.mulf %add3A_1688, %mul3A_1843 : vector<16xf32>
        %swap3A_1845 = arith.index_cast %rem3A_467 : i32 to index
        %swap3A_1846 = arith.index_cast %add3A_1678 : i32 to index
        %swap3A_1847 = arith.constant 0 : index
        %swap3A_1848 = tpu.vector_load %arg10[%swap3A_1845, %swap3A_1846, %swap3A_1847] {strides = array<i32>} : memref<4x400x64xf32, #tpu.memory_space<vmem>>, vector<1x1x16xf32>,
        %swap3A_1849 = vector.shape_cast %swap3A_1848 : vector<1x1x16xf32> to vector<16xf32>
        %swap3A_1850 = vector.shape_cast %mul3A_1844 : vector<16xf32> to vector<1x1x16xf32>
        tpu.vector_store %arg10[%swap3A_1845, %swap3A_1846, %swap3A_1847], %swap3A_1850 {strides = array<i32>} : memref<4x400x64xf32, #tpu.memory_space<vmem>>, vector<1x1x16xf32>,
        %slice3A_1851 = vector.extract_strided_slice %get3A_578 {offsets = [14], sizes = [1], strides = [1]} : vector<16xf32> to vector<1xf32>
        %squeeze3A_1852 = vector.extract %slice3A_1851[0] : f32 from vector<1xf32>
        %mul3A_1853 = vector.broadcast %squeeze3A_1852 : f32 to vector<16xf32>
        %mul3A_1854 = arith.mulf %add3A_1698, %mul3A_1853 : vector<16xf32>
        %swap3A_1855 = arith.index_cast %rem3A_467 : i32 to index
        %swap3A_1856 = arith.index_cast %add3A_1678 : i32 to index
        %swap3A_1857 = arith.constant 16 : index
        %swap3A_1858 = tpu.vector_load %arg10[%swap3A_1855, %swap3A_1856, %swap3A_1857] {strides = array<i32>} : memref<4x400x64xf32, #tpu.memory_space<vmem>>, vector<1x1x16xf32>,
        %swap3A_1859 = vector.shape_cast %swap3A_1858 : vector<1x1x16xf32> to vector<16xf32>
        %swap3A_1860 = vector.shape_cast %mul3A_1854 : vector<16xf32> to vector<1x1x16xf32>
        tpu.vector_store %arg10[%swap3A_1855, %swap3A_1856, %swap3A_1857], %swap3A_1860 {strides = array<i32>} : memref<4x400x64xf32, #tpu.memory_space<vmem>>, vector<1x1x16xf32>,
        %slice3A_1861 = vector.extract_strided_slice %get3A_578 {offsets = [14], sizes = [1], strides = [1]} : vector<16xf32> to vector<1xf32>
        %squeeze3A_1862 = vector.extract %slice3A_1861[0] : f32 from vector<1xf32>
        %mul3A_1863 = vector.broadcast %squeeze3A_1862 : f32 to vector<16xf32>
        %mul3A_1864 = arith.mulf %add3A_1708, %mul3A_1863 : vector<16xf32>
        %swap3A_1865 = arith.index_cast %rem3A_467 : i32 to index
        %swap3A_1866 = arith.index_cast %add3A_1678 : i32 to index
        %swap3A_1867 = arith.constant 32 : index
        %swap3A_1868 = tpu.vector_load %arg10[%swap3A_1865, %swap3A_1866, %swap3A_1867] {strides = array<i32>} : memref<4x400x64xf32, #tpu.memory_space<vmem>>, vector<1x1x16xf32>,
        %swap3A_1869 = vector.shape_cast %swap3A_1868 : vector<1x1x16xf32> to vector<16xf32>
        %swap3A_1870 = vector.shape_cast %mul3A_1864 : vector<16xf32> to vector<1x1x16xf32>
        tpu.vector_store %arg10[%swap3A_1865, %swap3A_1866, %swap3A_1867], %swap3A_1870 {strides = array<i32>} : memref<4x400x64xf32, #tpu.memory_space<vmem>>, vector<1x1x16xf32>,
        %slice3A_1871 = vector.extract_strided_slice %get3A_578 {offsets = [14], sizes = [1], strides = [1]} : vector<16xf32> to vector<1xf32>
        %squeeze3A_1872 = vector.extract %slice3A_1871[0] : f32 from vector<1xf32>
        %mul3A_1873 = vector.broadcast %squeeze3A_1872 : f32 to vector<16xf32>
        %mul3A_1874 = arith.mulf %add3A_1718, %mul3A_1873 : vector<16xf32>
        %swap3A_1875 = arith.index_cast %rem3A_467 : i32 to index
        %swap3A_1876 = arith.index_cast %add3A_1678 : i32 to index
        %swap3A_1877 = arith.constant 48 : index
        %swap3A_1878 = tpu.vector_load %arg10[%swap3A_1875, %swap3A_1876, %swap3A_1877] {strides = array<i32>} : memref<4x400x64xf32, #tpu.memory_space<vmem>>, vector<1x1x16xf32>,
        %swap3A_1879 = vector.shape_cast %swap3A_1878 : vector<1x1x16xf32> to vector<16xf32>
        %swap3A_1880 = vector.shape_cast %mul3A_1874 : vector<16xf32> to vector<1x1x16xf32>
        tpu.vector_store %arg10[%swap3A_1875, %swap3A_1876, %swap3A_1877], %swap3A_1880 {strides = array<i32>} : memref<4x400x64xf32, #tpu.memory_space<vmem>>, vector<1x1x16xf32>,
        %slice3A_1881 = vector.extract_strided_slice %get3A_578 {offsets = [15], sizes = [1], strides = [1]} : vector<16xf32> to vector<1xf32>
        %squeeze3A_1882 = vector.extract %slice3A_1881[0] : f32 from vector<1xf32>
        %mul3A_1883 = vector.broadcast %squeeze3A_1882 : f32 to vector<16xf32>
        %mul3A_1884 = arith.mulf %add3A_1730, %mul3A_1883 : vector<16xf32>
        %swap3A_1885 = arith.index_cast %rem3A_467 : i32 to index
        %swap3A_1886 = arith.index_cast %add3A_1720 : i32 to index
        %swap3A_1887 = arith.constant 0 : index
        %swap3A_1888 = tpu.vector_load %arg10[%swap3A_1885, %swap3A_1886, %swap3A_1887] {strides = array<i32>} : memref<4x400x64xf32, #tpu.memory_space<vmem>>, vector<1x1x16xf32>,
        %swap3A_1889 = vector.shape_cast %swap3A_1888 : vector<1x1x16xf32> to vector<16xf32>
        %swap3A_1890 = vector.shape_cast %mul3A_1884 : vector<16xf32> to vector<1x1x16xf32>
        tpu.vector_store %arg10[%swap3A_1885, %swap3A_1886, %swap3A_1887], %swap3A_1890 {strides = array<i32>} : memref<4x400x64xf32, #tpu.memory_space<vmem>>, vector<1x1x16xf32>,
        %slice3A_1891 = vector.extract_strided_slice %get3A_578 {offsets = [15], sizes = [1], strides = [1]} : vector<16xf32> to vector<1xf32>
        %squeeze3A_1892 = vector.extract %slice3A_1891[0] : f32 from vector<1xf32>
        %mul3A_1893 = vector.broadcast %squeeze3A_1892 : f32 to vector<16xf32>
        %mul3A_1894 = arith.mulf %add3A_1740, %mul3A_1893 : vector<16xf32>
        %swap3A_1895 = arith.index_cast %rem3A_467 : i32 to index
        %swap3A_1896 = arith.index_cast %add3A_1720 : i32 to index
        %swap3A_1897 = arith.constant 16 : index
        %swap3A_1898 = tpu.vector_load %arg10[%swap3A_1895, %swap3A_1896, %swap3A_1897] {strides = array<i32>} : memref<4x400x64xf32, #tpu.memory_space<vmem>>, vector<1x1x16xf32>,
        %swap3A_1899 = vector.shape_cast %swap3A_1898 : vector<1x1x16xf32> to vector<16xf32>
        %swap3A_1900 = vector.shape_cast %mul3A_1894 : vector<16xf32> to vector<1x1x16xf32>
        tpu.vector_store %arg10[%swap3A_1895, %swap3A_1896, %swap3A_1897], %swap3A_1900 {strides = array<i32>} : memref<4x400x64xf32, #tpu.memory_space<vmem>>, vector<1x1x16xf32>,
        %slice3A_1901 = vector.extract_strided_slice %get3A_578 {offsets = [15], sizes = [1], strides = [1]} : vector<16xf32> to vector<1xf32>
        %squeeze3A_1902 = vector.extract %slice3A_1901[0] : f32 from vector<1xf32>
        %mul3A_1903 = vector.broadcast %squeeze3A_1902 : f32 to vector<16xf32>
        %mul3A_1904 = arith.mulf %add3A_1750, %mul3A_1903 : vector<16xf32>
        %swap3A_1905 = arith.index_cast %rem3A_467 : i32 to index
        %swap3A_1906 = arith.index_cast %add3A_1720 : i32 to index
        %swap3A_1907 = arith.constant 32 : index
        %swap3A_1908 = tpu.vector_load %arg10[%swap3A_1905, %swap3A_1906, %swap3A_1907] {strides = array<i32>} : memref<4x400x64xf32, #tpu.memory_space<vmem>>, vector<1x1x16xf32>,
        %swap3A_1909 = vector.shape_cast %swap3A_1908 : vector<1x1x16xf32> to vector<16xf32>
        %swap3A_1910 = vector.shape_cast %mul3A_1904 : vector<16xf32> to vector<1x1x16xf32>
        tpu.vector_store %arg10[%swap3A_1905, %swap3A_1906, %swap3A_1907], %swap3A_1910 {strides = array<i32>} : memref<4x400x64xf32, #tpu.memory_space<vmem>>, vector<1x1x16xf32>,
        %slice3A_1911 = vector.extract_strided_slice %get3A_578 {offsets = [15], sizes = [1], strides = [1]} : vector<16xf32> to vector<1xf32>
        %squeeze3A_1912 = vector.extract %slice3A_1911[0] : f32 from vector<1xf32>
        %mul3A_1913 = vector.broadcast %squeeze3A_1912 : f32 to vector<16xf32>
        %mul3A_1914 = arith.mulf %add3A_1760, %mul3A_1913 : vector<16xf32>
        %swap3A_1915 = arith.index_cast %rem3A_467 : i32 to index
        %swap3A_1916 = arith.index_cast %add3A_1720 : i32 to index
        %swap3A_1917 = arith.constant 48 : index
        %swap3A_1918 = tpu.vector_load %arg10[%swap3A_1915, %swap3A_1916, %swap3A_1917] {strides = array<i32>} : memref<4x400x64xf32, #tpu.memory_space<vmem>>, vector<1x1x16xf32>,
        %swap3A_1919 = vector.shape_cast %swap3A_1918 : vector<1x1x16xf32> to vector<16xf32>
        %swap3A_1920 = vector.shape_cast %mul3A_1914 : vector<16xf32> to vector<1x1x16xf32>
        tpu.vector_store %arg10[%swap3A_1915, %swap3A_1916, %swap3A_1917], %swap3A_1920 {strides = array<i32>} : memref<4x400x64xf32, #tpu.memory_space<vmem>>, vector<1x1x16xf32>,
      }
      %scan3A_520 = arith.constant 25 : i32
      %mul3A_521 = arith.constant 2 : i32
      %mul3A_522 = arith.muli %add3A_455, %mul3A_521 : i32
      %add3A_523 = arith.addi %mul3A_2, %mul3A_522 : i32
      %add3A_524 = arith.constant 0 : i32
      %add3A_525 = arith.addi %add3A_523, %add3A_524 : i32
      %mul3A_526 = arith.constant 201 : i32
      %mul3A_527 = arith.muli %add3A_525, %mul3A_526 : i32
      %dma_start3A_528 = arith.constant 0 : i32
      %dma_start3A_529 = arith.constant 0 : i32
      %dma_start3A_530 = tpu.memref_slice %arg10[%rem3A_467, %dma_start3A_528, %dma_start3A_529] : memref<4x400x64xf32, #tpu.memory_space<vmem>> -> memref<1x200x64xf32, #tpu.memory_space<vmem>>
      %dma_start3A_531 = tpu.memref_squeeze %dma_start3A_530 : memref<1x200x64xf32, #tpu.memory_space<vmem>> -> memref<200x64xf32, #tpu.memory_space<vmem>>
      %dma_start3A_532 = arith.constant 0 : i32
      %dma_start3A_533 = tpu.memref_slice %arg7[%mul3A_527, %dma_start3A_532] : memref<823296x64xf32, #tpu.memory_space<hbm>> -> memref<200x64xf32, #tpu.memory_space<hbm>>
      %dma_start3A_534 = tpu.memref_slice %arg15[%rem3A_467] : memref<4x!tpu.dma_semaphore, #tpu.memory_space<semaphore_mem>> -> memref<1x!tpu.dma_semaphore, #tpu.memory_space<semaphore_mem>>
      %dma_start3A_535 = tpu.memref_squeeze %dma_start3A_534 : memref<1x!tpu.dma_semaphore, #tpu.memory_space<semaphore_mem>> -> memref<!tpu.dma_semaphore, #tpu.memory_space<semaphore_mem>>
      %dma_start3A_536 = arith.constant 0 : i32
      %dma_start3A_537 = tpu.memref_slice %arg7[%mul3A_527, %dma_start3A_536] : memref<823296x64xf32, #tpu.memory_space<hbm>> -> memref<200x64xf32, #tpu.memory_space<hbm>>
      %dma_start3A_538 = arith.constant 0 : i32
      %dma_start3A_539 = arith.constant 0 : i32
      %dma_start3A_540 = tpu.memref_slice %arg10[%rem3A_467, %dma_start3A_538, %dma_start3A_539] : memref<4x400x64xf32, #tpu.memory_space<vmem>> -> memref<1x200x64xf32, #tpu.memory_space<vmem>>
      %dma_start3A_541 = tpu.memref_squeeze %dma_start3A_540 : memref<1x200x64xf32, #tpu.memory_space<vmem>> -> memref<200x64xf32, #tpu.memory_space<vmem>>
      tpu.enqueue_dma source(%dma_start3A_541 : memref<200x64xf32, #tpu.memory_space<vmem>>) target(%dma_start3A_537 : memref<200x64xf32, #tpu.memory_space<hbm>>) target_semaphore(%dma_start3A_535 : memref<!tpu.dma_semaphore, #tpu.memory_space<semaphore_mem>>)
      %mul3A_542 = arith.constant 2 : i32
      %mul3A_543 = arith.muli %add3A_455, %mul3A_542 : i32
      %add3A_544 = arith.addi %mul3A_2, %mul3A_543 : i32
      %add3A_545 = arith.constant 1 : i32
      %add3A_546 = arith.addi %add3A_544, %add3A_545 : i32
      %mul3A_547 = arith.constant 201 : i32
      %mul3A_548 = arith.muli %add3A_546, %mul3A_547 : i32
      %dma_start3A_549 = arith.constant 200 : i32
      %dma_start3A_550 = arith.constant 0 : i32
      %dma_start3A_551 = tpu.memref_slice %arg10[%rem3A_467, %dma_start3A_549, %dma_start3A_550] : memref<4x400x64xf32, #tpu.memory_space<vmem>> -> memref<1x200x64xf32, #tpu.memory_space<vmem>>
      %dma_start3A_552 = tpu.memref_squeeze %dma_start3A_551 : memref<1x200x64xf32, #tpu.memory_space<vmem>> -> memref<200x64xf32, #tpu.memory_space<vmem>>
      %dma_start3A_553 = arith.constant 0 : i32
      %dma_start3A_554 = tpu.memref_slice %arg7[%mul3A_548, %dma_start3A_553] : memref<823296x64xf32, #tpu.memory_space<hbm>> -> memref<200x64xf32, #tpu.memory_space<hbm>>
      %dma_start3A_555 = tpu.memref_slice %arg15[%rem3A_467] : memref<4x!tpu.dma_semaphore, #tpu.memory_space<semaphore_mem>> -> memref<1x!tpu.dma_semaphore, #tpu.memory_space<semaphore_mem>>
      %dma_start3A_556 = tpu.memref_squeeze %dma_start3A_555 : memref<1x!tpu.dma_semaphore, #tpu.memory_space<semaphore_mem>> -> memref<!tpu.dma_semaphore, #tpu.memory_space<semaphore_mem>>
      %dma_start3A_557 = arith.constant 0 : i32
      %dma_start3A_558 = tpu.memref_slice %arg7[%mul3A_548, %dma_start3A_557] : memref<823296x64xf32, #tpu.memory_space<hbm>> -> memref<200x64xf32, #tpu.memory_space<hbm>>
      %dma_start3A_559 = arith.constant 200 : i32
      %dma_start3A_560 = arith.constant 0 : i32
      %dma_start3A_561 = tpu.memref_slice %arg10[%rem3A_467, %dma_start3A_559, %dma_start3A_560] : memref<4x400x64xf32, #tpu.memory_space<vmem>> -> memref<1x200x64xf32, #tpu.memory_space<vmem>>
      %dma_start3A_562 = tpu.memref_squeeze %dma_start3A_561 : memref<1x200x64xf32, #tpu.memory_space<vmem>> -> memref<200x64xf32, #tpu.memory_space<vmem>>
      tpu.enqueue_dma source(%dma_start3A_562 : memref<200x64xf32, #tpu.memory_space<vmem>>) target(%dma_start3A_558 : memref<200x64xf32, #tpu.memory_space<hbm>>) target_semaphore(%dma_start3A_556 : memref<!tpu.dma_semaphore, #tpu.memory_space<semaphore_mem>>)
    }
    %scan3A_306 = arith.constant 64 : i32
    %dma_wait3A_307 = arith.constant 0 : i32
    %dma_wait3A_308 = arith.constant 0 : i32
    %dma_wait3A_309 = arith.constant 0 : i32
    %dma_wait3A_310 = arith.constant 0 : i32
    %dma_wait3A_311 = tpu.memref_slice %arg10[%dma_wait3A_307, %dma_wait3A_309, %dma_wait3A_310] : memref<4x400x64xf32, #tpu.memory_space<vmem>> -> memref<1x200x64xf32, #tpu.memory_space<vmem>>
    %dma_wait3A_312 = tpu.memref_squeeze %dma_wait3A_311 : memref<1x200x64xf32, #tpu.memory_space<vmem>> -> memref<200x64xf32, #tpu.memory_space<vmem>>
    %dma_wait3A_313 = arith.constant 0 : i32
    %dma_wait3A_314 = arith.constant 0 : i32
    %dma_wait3A_315 = tpu.memref_slice %arg7[%dma_wait3A_313, %dma_wait3A_314] : memref<823296x64xf32, #tpu.memory_space<hbm>> -> memref<200x64xf32, #tpu.memory_space<hbm>>
    %dma_wait3A_316 = tpu.memref_slice %arg15[%dma_wait3A_308] : memref<4x!tpu.dma_semaphore, #tpu.memory_space<semaphore_mem>> -> memref<1x!tpu.dma_semaphore, #tpu.memory_space<semaphore_mem>>
    %dma_wait3A_317 = tpu.memref_squeeze %dma_wait3A_316 : memref<1x!tpu.dma_semaphore, #tpu.memory_space<semaphore_mem>> -> memref<!tpu.dma_semaphore, #tpu.memory_space<semaphore_mem>>
    %dma_wait3A_318 = arith.constant 0 : i32
    %dma_wait3A_319 = arith.constant 0 : i32
    %dma_wait3A_320 = tpu.memref_slice %arg7[%dma_wait3A_318, %dma_wait3A_319] : memref<823296x64xf32, #tpu.memory_space<hbm>> -> memref<200x64xf32, #tpu.memory_space<hbm>>
    %dma_wait3A_321 = arith.constant 0 : i32
    %dma_wait3A_322 = arith.constant 0 : i32
    %dma_wait3A_323 = tpu.memref_slice %arg10[%dma_wait3A_307, %dma_wait3A_321, %dma_wait3A_322] : memref<4x400x64xf32, #tpu.memory_space<vmem>> -> memref<1x200x64xf32, #tpu.memory_space<vmem>>
    %dma_wait3A_324 = tpu.memref_squeeze %dma_wait3A_323 : memref<1x200x64xf32, #tpu.memory_space<vmem>> -> memref<200x64xf32, #tpu.memory_space<vmem>>
    tpu.wait_dma2 semaphore(%dma_wait3A_317 : memref<!tpu.dma_semaphore, #tpu.memory_space<semaphore_mem>>) src(%dma_wait3A_324 : memref<200x64xf32, #tpu.memory_space<vmem>>) dst(%dma_wait3A_320 : memref<200x64xf32, #tpu.memory_space<hbm>>)
    %dma_wait3A_325 = arith.constant 0 : i32
    %dma_wait3A_326 = arith.constant 0 : i32
    %dma_wait3A_327 = arith.constant 200 : i32
    %dma_wait3A_328 = arith.constant 0 : i32
    %dma_wait3A_329 = tpu.memref_slice %arg10[%dma_wait3A_325, %dma_wait3A_327, %dma_wait3A_328] : memref<4x400x64xf32, #tpu.memory_space<vmem>> -> memref<1x200x64xf32, #tpu.memory_space<vmem>>
    %dma_wait3A_330 = tpu.memref_squeeze %dma_wait3A_329 : memref<1x200x64xf32, #tpu.memory_space<vmem>> -> memref<200x64xf32, #tpu.memory_space<vmem>>
    %dma_wait3A_331 = arith.constant 0 : i32
    %dma_wait3A_332 = arith.constant 0 : i32
    %dma_wait3A_333 = tpu.memref_slice %arg7[%dma_wait3A_331, %dma_wait3A_332] : memref<823296x64xf32, #tpu.memory_space<hbm>> -> memref<200x64xf32, #tpu.memory_space<hbm>>
    %dma_wait3A_334 = tpu.memref_slice %arg15[%dma_wait3A_326] : memref<4x!tpu.dma_semaphore, #tpu.memory_space<semaphore_mem>> -> memref<1x!tpu.dma_semaphore, #tpu.memory_space<semaphore_mem>>
    %dma_wait3A_335 = tpu.memref_squeeze %dma_wait3A_334 : memref<1x!tpu.dma_semaphore, #tpu.memory_space<semaphore_mem>> -> memref<!tpu.dma_semaphore, #tpu.memory_space<semaphore_mem>>
    %dma_wait3A_336 = arith.constant 0 : i32
    %dma_wait3A_337 = arith.constant 0 : i32
    %dma_wait3A_338 = tpu.memref_slice %arg7[%dma_wait3A_336, %dma_wait3A_337] : memref<823296x64xf32, #tpu.memory_space<hbm>> -> memref<200x64xf32, #tpu.memory_space<hbm>>
    %dma_wait3A_339 = arith.constant 200 : i32
    %dma_wait3A_340 = arith.constant 0 : i32
    %dma_wait3A_341 = tpu.memref_slice %arg10[%dma_wait3A_325, %dma_wait3A_339, %dma_wait3A_340] : memref<4x400x64xf32, #tpu.memory_space<vmem>> -> memref<1x200x64xf32, #tpu.memory_space<vmem>>
    %dma_wait3A_342 = tpu.memref_squeeze %dma_wait3A_341 : memref<1x200x64xf32, #tpu.memory_space<vmem>> -> memref<200x64xf32, #tpu.memory_space<vmem>>
    tpu.wait_dma2 semaphore(%dma_wait3A_335 : memref<!tpu.dma_semaphore, #tpu.memory_space<semaphore_mem>>) src(%dma_wait3A_342 : memref<200x64xf32, #tpu.memory_space<vmem>>) dst(%dma_wait3A_338 : memref<200x64xf32, #tpu.memory_space<hbm>>)
    %dma_wait3A_343 = arith.constant 1 : i32
    %dma_wait3A_344 = arith.constant 1 : i32
    %dma_wait3A_345 = arith.constant 0 : i32
    %dma_wait3A_346 = arith.constant 0 : i32
    %dma_wait3A_347 = tpu.memref_slice %arg10[%dma_wait3A_343, %dma_wait3A_345, %dma_wait3A_346] : memref<4x400x64xf32, #tpu.memory_space<vmem>> -> memref<1x200x64xf32, #tpu.memory_space<vmem>>
    %dma_wait3A_348 = tpu.memref_squeeze %dma_wait3A_347 : memref<1x200x64xf32, #tpu.memory_space<vmem>> -> memref<200x64xf32, #tpu.memory_space<vmem>>
    %dma_wait3A_349 = arith.constant 0 : i32
    %dma_wait3A_350 = arith.constant 0 : i32
    %dma_wait3A_351 = tpu.memref_slice %arg7[%dma_wait3A_349, %dma_wait3A_350] : memref<823296x64xf32, #tpu.memory_space<hbm>> -> memref<200x64xf32, #tpu.memory_space<hbm>>
    %dma_wait3A_352 = tpu.memref_slice %arg15[%dma_wait3A_344] : memref<4x!tpu.dma_semaphore, #tpu.memory_space<semaphore_mem>> -> memref<1x!tpu.dma_semaphore, #tpu.memory_space<semaphore_mem>>
    %dma_wait3A_353 = tpu.memref_squeeze %dma_wait3A_352 : memref<1x!tpu.dma_semaphore, #tpu.memory_space<semaphore_mem>> -> memref<!tpu.dma_semaphore, #tpu.memory_space<semaphore_mem>>
    %dma_wait3A_354 = arith.constant 0 : i32
    %dma_wait3A_355 = arith.constant 0 : i32
    %dma_wait3A_356 = tpu.memref_slice %arg7[%dma_wait3A_354, %dma_wait3A_355] : memref<823296x64xf32, #tpu.memory_space<hbm>> -> memref<200x64xf32, #tpu.memory_space<hbm>>
    %dma_wait3A_357 = arith.constant 0 : i32
    %dma_wait3A_358 = arith.constant 0 : i32
    %dma_wait3A_359 = tpu.memref_slice %arg10[%dma_wait3A_343, %dma_wait3A_357, %dma_wait3A_358] : memref<4x400x64xf32, #tpu.memory_space<vmem>> -> memref<1x200x64xf32, #tpu.memory_space<vmem>>
    %dma_wait3A_360 = tpu.memref_squeeze %dma_wait3A_359 : memref<1x200x64xf32, #tpu.memory_space<vmem>> -> memref<200x64xf32, #tpu.memory_space<vmem>>
    tpu.wait_dma2 semaphore(%dma_wait3A_353 : memref<!tpu.dma_semaphore, #tpu.memory_space<semaphore_mem>>) src(%dma_wait3A_360 : memref<200x64xf32, #tpu.memory_space<vmem>>) dst(%dma_wait3A_356 : memref<200x64xf32, #tpu.memory_space<hbm>>)
    %dma_wait3A_361 = arith.constant 1 : i32
    %dma_wait3A_362 = arith.constant 1 : i32
    %dma_wait3A_363 = arith.constant 200 : i32
    %dma_wait3A_364 = arith.constant 0 : i32
    %dma_wait3A_365 = tpu.memref_slice %arg10[%dma_wait3A_361, %dma_wait3A_363, %dma_wait3A_364] : memref<4x400x64xf32, #tpu.memory_space<vmem>> -> memref<1x200x64xf32, #tpu.memory_space<vmem>>
    %dma_wait3A_366 = tpu.memref_squeeze %dma_wait3A_365 : memref<1x200x64xf32, #tpu.memory_space<vmem>> -> memref<200x64xf32, #tpu.memory_space<vmem>>
    %dma_wait3A_367 = arith.constant 0 : i32
    %dma_wait3A_368 = arith.constant 0 : i32
    %dma_wait3A_369 = tpu.memref_slice %arg7[%dma_wait3A_367, %dma_wait3A_368] : memref<823296x64xf32, #tpu.memory_space<hbm>> -> memref<200x64xf32, #tpu.memory_space<hbm>>
    %dma_wait3A_370 = tpu.memref_slice %arg15[%dma_wait3A_362] : memref<4x!tpu.dma_semaphore, #tpu.memory_space<semaphore_mem>> -> memref<1x!tpu.dma_semaphore, #tpu.memory_space<semaphore_mem>>
    %dma_wait3A_371 = tpu.memref_squeeze %dma_wait3A_370 : memref<1x!tpu.dma_semaphore, #tpu.memory_space<semaphore_mem>> -> memref<!tpu.dma_semaphore, #tpu.memory_space<semaphore_mem>>
    %dma_wait3A_372 = arith.constant 0 : i32
    %dma_wait3A_373 = arith.constant 0 : i32
    %dma_wait3A_374 = tpu.memref_slice %arg7[%dma_wait3A_372, %dma_wait3A_373] : memref<823296x64xf32, #tpu.memory_space<hbm>> -> memref<200x64xf32, #tpu.memory_space<hbm>>
    %dma_wait3A_375 = arith.constant 200 : i32
    %dma_wait3A_376 = arith.constant 0 : i32
    %dma_wait3A_377 = tpu.memref_slice %arg10[%dma_wait3A_361, %dma_wait3A_375, %dma_wait3A_376] : memref<4x400x64xf32, #tpu.memory_space<vmem>> -> memref<1x200x64xf32, #tpu.memory_space<vmem>>
    %dma_wait3A_378 = tpu.memref_squeeze %dma_wait3A_377 : memref<1x200x64xf32, #tpu.memory_space<vmem>> -> memref<200x64xf32, #tpu.memory_space<vmem>>
    tpu.wait_dma2 semaphore(%dma_wait3A_371 : memref<!tpu.dma_semaphore, #tpu.memory_space<semaphore_mem>>) src(%dma_wait3A_378 : memref<200x64xf32, #tpu.memory_space<vmem>>) dst(%dma_wait3A_374 : memref<200x64xf32, #tpu.memory_space<hbm>>)
    %dma_wait3A_379 = arith.constant 2 : i32
    %dma_wait3A_380 = arith.constant 2 : i32
    %dma_wait3A_381 = arith.constant 0 : i32
    %dma_wait3A_382 = arith.constant 0 : i32
    %dma_wait3A_383 = tpu.memref_slice %arg10[%dma_wait3A_379, %dma_wait3A_381, %dma_wait3A_382] : memref<4x400x64xf32, #tpu.memory_space<vmem>> -> memref<1x200x64xf32, #tpu.memory_space<vmem>>
    %dma_wait3A_384 = tpu.memref_squeeze %dma_wait3A_383 : memref<1x200x64xf32, #tpu.memory_space<vmem>> -> memref<200x64xf32, #tpu.memory_space<vmem>>
    %dma_wait3A_385 = arith.constant 0 : i32
    %dma_wait3A_386 = arith.constant 0 : i32
    %dma_wait3A_387 = tpu.memref_slice %arg7[%dma_wait3A_385, %dma_wait3A_386] : memref<823296x64xf32, #tpu.memory_space<hbm>> -> memref<200x64xf32, #tpu.memory_space<hbm>>
    %dma_wait3A_388 = tpu.memref_slice %arg15[%dma_wait3A_380] : memref<4x!tpu.dma_semaphore, #tpu.memory_space<semaphore_mem>> -> memref<1x!tpu.dma_semaphore, #tpu.memory_space<semaphore_mem>>
    %dma_wait3A_389 = tpu.memref_squeeze %dma_wait3A_388 : memref<1x!tpu.dma_semaphore, #tpu.memory_space<semaphore_mem>> -> memref<!tpu.dma_semaphore, #tpu.memory_space<semaphore_mem>>
    %dma_wait3A_390 = arith.constant 0 : i32
    %dma_wait3A_391 = arith.constant 0 : i32
    %dma_wait3A_392 = tpu.memref_slice %arg7[%dma_wait3A_390, %dma_wait3A_391] : memref<823296x64xf32, #tpu.memory_space<hbm>> -> memref<200x64xf32, #tpu.memory_space<hbm>>
    %dma_wait3A_393 = arith.constant 0 : i32
    %dma_wait3A_394 = arith.constant 0 : i32
    %dma_wait3A_395 = tpu.memref_slice %arg10[%dma_wait3A_379, %dma_wait3A_393, %dma_wait3A_394] : memref<4x400x64xf32, #tpu.memory_space<vmem>> -> memref<1x200x64xf32, #tpu.memory_space<vmem>>
    %dma_wait3A_396 = tpu.memref_squeeze %dma_wait3A_395 : memref<1x200x64xf32, #tpu.memory_space<vmem>> -> memref<200x64xf32, #tpu.memory_space<vmem>>
    tpu.wait_dma2 semaphore(%dma_wait3A_389 : memref<!tpu.dma_semaphore, #tpu.memory_space<semaphore_mem>>) src(%dma_wait3A_396 : memref<200x64xf32, #tpu.memory_space<vmem>>) dst(%dma_wait3A_392 : memref<200x64xf32, #tpu.memory_space<hbm>>)
    %dma_wait3A_397 = arith.constant 2 : i32
    %dma_wait3A_398 = arith.constant 2 : i32
    %dma_wait3A_399 = arith.constant 200 : i32
    %dma_wait3A_400 = arith.constant 0 : i32
    %dma_wait3A_401 = tpu.memref_slice %arg10[%dma_wait3A_397, %dma_wait3A_399, %dma_wait3A_400] : memref<4x400x64xf32, #tpu.memory_space<vmem>> -> memref<1x200x64xf32, #tpu.memory_space<vmem>>
    %dma_wait3A_402 = tpu.memref_squeeze %dma_wait3A_401 : memref<1x200x64xf32, #tpu.memory_space<vmem>> -> memref<200x64xf32, #tpu.memory_space<vmem>>
    %dma_wait3A_403 = arith.constant 0 : i32
    %dma_wait3A_404 = arith.constant 0 : i32
    %dma_wait3A_405 = tpu.memref_slice %arg7[%dma_wait3A_403, %dma_wait3A_404] : memref<823296x64xf32, #tpu.memory_space<hbm>> -> memref<200x64xf32, #tpu.memory_space<hbm>>
    %dma_wait3A_406 = tpu.memref_slice %arg15[%dma_wait3A_398] : memref<4x!tpu.dma_semaphore, #tpu.memory_space<semaphore_mem>> -> memref<1x!tpu.dma_semaphore, #tpu.memory_space<semaphore_mem>>
    %dma_wait3A_407 = tpu.memref_squeeze %dma_wait3A_406 : memref<1x!tpu.dma_semaphore, #tpu.memory_space<semaphore_mem>> -> memref<!tpu.dma_semaphore, #tpu.memory_space<semaphore_mem>>
    %dma_wait3A_408 = arith.constant 0 : i32
    %dma_wait3A_409 = arith.constant 0 : i32
    %dma_wait3A_410 = tpu.memref_slice %arg7[%dma_wait3A_408, %dma_wait3A_409] : memref<823296x64xf32, #tpu.memory_space<hbm>> -> memref<200x64xf32, #tpu.memory_space<hbm>>
    %dma_wait3A_411 = arith.constant 200 : i32
    %dma_wait3A_412 = arith.constant 0 : i32
    %dma_wait3A_413 = tpu.memref_slice %arg10[%dma_wait3A_397, %dma_wait3A_411, %dma_wait3A_412] : memref<4x400x64xf32, #tpu.memory_space<vmem>> -> memref<1x200x64xf32, #tpu.memory_space<vmem>>
    %dma_wait3A_414 = tpu.memref_squeeze %dma_wait3A_413 : memref<1x200x64xf32, #tpu.memory_space<vmem>> -> memref<200x64xf32, #tpu.memory_space<vmem>>
    tpu.wait_dma2 semaphore(%dma_wait3A_407 : memref<!tpu.dma_semaphore, #tpu.memory_space<semaphore_mem>>) src(%dma_wait3A_414 : memref<200x64xf32, #tpu.memory_space<vmem>>) dst(%dma_wait3A_410 : memref<200x64xf32, #tpu.memory_space<hbm>>)
    %dma_wait3A_415 = arith.constant 3 : i32
    %dma_wait3A_416 = arith.constant 3 : i32
    %dma_wait3A_417 = arith.constant 0 : i32
    %dma_wait3A_418 = arith.constant 0 : i32
    %dma_wait3A_419 = tpu.memref_slice %arg10[%dma_wait3A_415, %dma_wait3A_417, %dma_wait3A_418] : memref<4x400x64xf32, #tpu.memory_space<vmem>> -> memref<1x200x64xf32, #tpu.memory_space<vmem>>
    %dma_wait3A_420 = tpu.memref_squeeze %dma_wait3A_419 : memref<1x200x64xf32, #tpu.memory_space<vmem>> -> memref<200x64xf32, #tpu.memory_space<vmem>>
    %dma_wait3A_421 = arith.constant 0 : i32
    %dma_wait3A_422 = arith.constant 0 : i32
    %dma_wait3A_423 = tpu.memref_slice %arg7[%dma_wait3A_421, %dma_wait3A_422] : memref<823296x64xf32, #tpu.memory_space<hbm>> -> memref<200x64xf32, #tpu.memory_space<hbm>>
    %dma_wait3A_424 = tpu.memref_slice %arg15[%dma_wait3A_416] : memref<4x!tpu.dma_semaphore, #tpu.memory_space<semaphore_mem>> -> memref<1x!tpu.dma_semaphore, #tpu.memory_space<semaphore_mem>>
    %dma_wait3A_425 = tpu.memref_squeeze %dma_wait3A_424 : memref<1x!tpu.dma_semaphore, #tpu.memory_space<semaphore_mem>> -> memref<!tpu.dma_semaphore, #tpu.memory_space<semaphore_mem>>
    %dma_wait3A_426 = arith.constant 0 : i32
    %dma_wait3A_427 = arith.constant 0 : i32
    %dma_wait3A_428 = tpu.memref_slice %arg7[%dma_wait3A_426, %dma_wait3A_427] : memref<823296x64xf32, #tpu.memory_space<hbm>> -> memref<200x64xf32, #tpu.memory_space<hbm>>
    %dma_wait3A_429 = arith.constant 0 : i32
    %dma_wait3A_430 = arith.constant 0 : i32
    %dma_wait3A_431 = tpu.memref_slice %arg10[%dma_wait3A_415, %dma_wait3A_429, %dma_wait3A_430] : memref<4x400x64xf32, #tpu.memory_space<vmem>> -> memref<1x200x64xf32, #tpu.memory_space<vmem>>
    %dma_wait3A_432 = tpu.memref_squeeze %dma_wait3A_431 : memref<1x200x64xf32, #tpu.memory_space<vmem>> -> memref<200x64xf32, #tpu.memory_space<vmem>>
    tpu.wait_dma2 semaphore(%dma_wait3A_425 : memref<!tpu.dma_semaphore, #tpu.memory_space<semaphore_mem>>) src(%dma_wait3A_432 : memref<200x64xf32, #tpu.memory_space<vmem>>) dst(%dma_wait3A_428 : memref<200x64xf32, #tpu.memory_space<hbm>>)
    %dma_wait3A_433 = arith.constant 3 : i32
    %dma_wait3A_434 = arith.constant 3 : i32
    %dma_wait3A_435 = arith.constant 200 : i32
    %dma_wait3A_436 = arith.constant 0 : i32
    %dma_wait3A_437 = tpu.memref_slice %arg10[%dma_wait3A_433, %dma_wait3A_435, %dma_wait3A_436] : memref<4x400x64xf32, #tpu.memory_space<vmem>> -> memref<1x200x64xf32, #tpu.memory_space<vmem>>
    %dma_wait3A_438 = tpu.memref_squeeze %dma_wait3A_437 : memref<1x200x64xf32, #tpu.memory_space<vmem>> -> memref<200x64xf32, #tpu.memory_space<vmem>>
    %dma_wait3A_439 = arith.constant 0 : i32
    %dma_wait3A_440 = arith.constant 0 : i32
    %dma_wait3A_441 = tpu.memref_slice %arg7[%dma_wait3A_439, %dma_wait3A_440] : memref<823296x64xf32, #tpu.memory_space<hbm>> -> memref<200x64xf32, #tpu.memory_space<hbm>>
    %dma_wait3A_442 = tpu.memref_slice %arg15[%dma_wait3A_434] : memref<4x!tpu.dma_semaphore, #tpu.memory_space<semaphore_mem>> -> memref<1x!tpu.dma_semaphore, #tpu.memory_space<semaphore_mem>>
    %dma_wait3A_443 = tpu.memref_squeeze %dma_wait3A_442 : memref<1x!tpu.dma_semaphore, #tpu.memory_space<semaphore_mem>> -> memref<!tpu.dma_semaphore, #tpu.memory_space<semaphore_mem>>
    %dma_wait3A_444 = arith.constant 0 : i32
    %dma_wait3A_445 = arith.constant 0 : i32
    %dma_wait3A_446 = tpu.memref_slice %arg7[%dma_wait3A_444, %dma_wait3A_445] : memref<823296x64xf32, #tpu.memory_space<hbm>> -> memref<200x64xf32, #tpu.memory_space<hbm>>
    %dma_wait3A_447 = arith.constant 200 : i32
    %dma_wait3A_448 = arith.constant 0 : i32
    %dma_wait3A_449 = tpu.memref_slice %arg10[%dma_wait3A_433, %dma_wait3A_447, %dma_wait3A_448] : memref<4x400x64xf32, #tpu.memory_space<vmem>> -> memref<1x200x64xf32, #tpu.memory_space<vmem>>
    %dma_wait3A_450 = tpu.memref_squeeze %dma_wait3A_449 : memref<1x200x64xf32, #tpu.memory_space<vmem>> -> memref<200x64xf32, #tpu.memory_space<vmem>>
    tpu.wait_dma2 semaphore(%dma_wait3A_443 : memref<!tpu.dma_semaphore, #tpu.memory_space<semaphore_mem>>) src(%dma_wait3A_450 : memref<200x64xf32, #tpu.memory_space<vmem>>) dst(%dma_wait3A_446 : memref<200x64xf32, #tpu.memory_space<hbm>>)
    return
  }
}

</mosaic_0001>

<sc_bundles>
// kernel: _run_sc.3.cloned.1.call-start
scs
__scs_entry_jumppad:
0x0: {  	(pc) =	sbr.rel $0x88, $3  }
0x1: {  	(tag) =	ssettag $0x0;
	lr =	simm.s32 $0x1  }
0x2: {  	[smem:$0x3F9C] =	sst lr;
	_ =	strace $0xD0000000  }
0x3: {  	_ = 	snop  }
0x4: {  	_ = 	snop  }
0x5: {  	_ = 	snop  }
0x6: {  	_ = 	snop  }
0x7: {  	_ = 	snop  }
__scs_overlays_trampoline_lowered:
0x8: {  	[smem:$0x3FAB] =	sst s0  }
0x9: {  	[smem:$0x3FAC] =	sst s1  }
0xa: {  	[smem:$0x3FAD] =	sst s2  }
0xb: {  	[smem:$0x3FAE] =	sst s3  }
0xc: {  	[smem:$0x3FAF] =	sst s4  }
0xd: {  	[smem:$0x3FB0] =	sst s5  }
0xe: {  	[smem:$0x3FB1] =	sst s6  }
0xf: {  	[smem:$0x3FB2] =	sst s7  }
0x10: {  	[smem:$0x3FB3] =	sst s8  }
0x11: {  	[smem:$0x3FB4] =	sst s9;
	s0 =	simm.s32 @!p0 $0x0  }
0x12: {  	s1 =	sld [smem:$0x3F9A];
	s0 =	simm.s32 @p0 $0x1  }
0x13: {  	[smem:$0x3FB5] =	sst s0;
	s0 =	simm.s32 @!p1 $0x0  }
0x14: {  	s2 =	sld [smem:$0x3F99];
	s0 =	simm.s32 @p1 $0x1  }
0x15: {  	[smem:$0x3FB6] =	sst s0;
	s0 =	simm.s32 @!p2 $0x0  }
0x16: {  	s3 =	sld [smem:$0x3FDB];
	s0 =	simm.s32 @p2 $0x1  }
0x17: {  	s4 =	simm.s32 $0x1BF5;
	[smem:$0x3FB8] =	sst s0  }
0x18: {  	s0 =	sld [smem:$0x3F9B];
	_ =	swait.ge [sflag:s4], $0x0  }
0x19: {  	s7 =	sld [smem:$0x3F9C]  }
0x1a: {  	s8 =	sadd.s32 $0xFFFFE003, lr  }
0x1b: {  	s9 =	sadd.s32 $0xFFFFFEF7, lr;
	s5 =	simm.s32 $0xFFFFFFFF;
	p2 =	slt.u32 s8, $0xFFFFF086  }
0x1c: {  	p1 =	slt.u32 s9, $0xF7A;
	s5 =	simm.s32 @!p2 $0x0  }
0x1d: {  	s5 =	simm.s32 @p1 $0x1;
	p0 =	seq.s32 s7, s2  }
0x1e: {  	s7 =	smul.u32 @!p0 $0xF7A, s2;
	p2 =	seq.s32 @!p0 s5, $0x0  }
0x1f: {  	s9 =	smul.u32 $0xF7A, s1;
	s8 =	simm.s32 @!p0 $0x1BF5;
	p2 =	por !p2, p0  }
0x20: {  	[sflag:s8] =	ssyncset.s32 @!p0 $0xFFFFF086;
	s6 =	sadd.s32 @!p0 s3, s7;
	s7 =	simm.s32 @!p0 $0x108  }
0x21: {  	s3 =	sadd.s32 s3, s9;
	s6 =	sadd.s32 @!p0 $0x88, s6;
	s7 =	simm.s32 @p2 $0x1082  }
0x22: {  	[simem:s7], [sflag:s8] =	dma.local @!p0 [hbm:s6], $0xF7A  }
0x23: {  	s9 =	sor.u32 $0xD0000000, s2;
	s6 =	simm.s32 $0x108;
	_ =	swait.ge @!p0 [sflag:s8], $0x0  }
0x24: {  	s3 =	sadd.s32 $0x88, s3;
	s6 =	simm.s32 @!p1 $0x1082;
	[sflag:s4] =	ssyncset.s32 $0xFFFFF086  }
0x25: {  	[simem:s6], [sflag:s4] =	dma.local [hbm:s3], $0xF7A  }
0x26: {  	[smem:$0x3F9C] =	sst s1;
	(tag) =	ssettag s2;
	_ =	strace s9  }
0x27: {  	s1 =	sld [smem:$0x3FAC]  }
0x28: {  	s2 =	sld [smem:$0x3FAD]  }
0x29: {  	s4 =	sld [smem:$0x3FAF]  }
0x2a: {  	p0 =	seq.s32 s5, $0x0;
	s5 =	sld [smem:$0x3FB0]  }
0x2b: {  	s6 =	sld [smem:$0x3FB1]  }
0x2c: {  	s7 =	sld [smem:$0x3FB2]  }
0x2d: {  	s3 =	simm.s32 $0x108;
	s8 =	sld [smem:$0x3FB3]  }
0x2e: {  	s3 =	simm.s32 @!p0 $0x1082;
	s9 =	sld [smem:$0x3FB4]  }
0x2f: {  	lr =	sadd.s32 s0, s3;
	s0 =	sld [smem:$0x3FAB]  }
0x30: {  	s3 =	sld [smem:$0x3FAE]  }
0x31: {  	[smem:$0x3FB7] =	sst s10  }
0x32: {  	s10 =	sld [smem:$0x3FB5];
	_ =	sdelay $0x3  }
0x33: {  	p0 =	seq.s32 s10, $0x1;
	s10 =	sld [smem:$0x3FB7];
	_ =	sdelay $0x3  }
0x34: {  	[smem:$0x3FB7] =	sst s10  }
0x35: {  	s10 =	sld [smem:$0x3FB6];
	_ =	sdelay $0x3  }
0x36: {  	p1 =	seq.s32 s10, $0x1;
	s10 =	sld [smem:$0x3FB7];
	_ =	sdelay $0x3  }
0x37: {  	[smem:$0x3FB7] =	sst s10  }
0x38: {  	s10 =	sld [smem:$0x3FB8]  }
0x39: {  	_ = 	snop;
	(pc) =	sbr.ind lr, $3  }
0x3a: {  	_ = 	snop  }
0x3b: {  	_ = 	snop  }
0x3c: {  	p2 =	seq.s32 s10, $0x1;
	s10 =	sld [smem:$0x3FB7]  }
0x3d: {  	_ =	shalt  }
0x3e: {  	_ =	shalt  }
0x3f: {  	_ =	shalt  }
0x40: {  	_ =	shalt  }
0x41: {  	_ =	shalt  }
0x42: {  	_ =	shalt  }
0x43: {  	_ =	shalt  }
0x44: {  	_ =	shalt  }
0x45: {  	_ =	shalt  }
0x46: {  	_ =	shalt  }
0x47: {  	_ =	shalt  }
0x48: {  	_ =	shalt  }
0x49: {  	_ =	shalt  }
0x4a: {  	_ =	shalt  }
0x4b: {  	_ =	shalt  }
0x4c: {  	_ =	shalt  }
0x4d: {  	_ =	shalt  }
0x4e: {  	_ =	shalt  }
0x4f: {  	_ =	shalt  }
0x50: {  	_ =	shalt  }
0x51: {  	_ =	shalt  }
0x52: {  	_ =	shalt  }
0x53: {  	_ =	shalt  }
0x54: {  	_ =	shalt  }
0x55: {  	_ =	shalt  }
0x56: {  	_ =	shalt  }
0x57: {  	_ =	shalt  }
0x58: {  	_ =	shalt  }
0x59: {  	_ =	shalt  }
0x5a: {  	_ =	shalt  }
0x5b: {  	_ =	shalt  }
0x5c: {  	_ =	shalt  }
0x5d: {  	_ =	shalt  }
0x5e: {  	_ =	shalt  }
0x5f: {  	_ =	shalt  }
0x60: {  	_ =	shalt  }
0x61: {  	_ =	shalt  }
0x62: {  	_ =	shalt  }
0x63: {  	_ =	shalt  }
0x64: {  	_ =	shalt  }
0x65: {  	_ =	shalt  }
0x66: {  	_ =	shalt  }
0x67: {  	_ =	shalt  }
0x68: {  	_ =	shalt  }
0x69: {  	_ =	shalt  }
0x6a: {  	_ =	shalt  }
0x6b: {  	_ =	shalt  }
0x6c: {  	_ =	shalt  }
0x6d: {  	_ =	shalt  }
0x6e: {  	_ =	shalt  }
0x6f: {  	_ =	shalt  }
0x70: {  	_ =	shalt  }
0x71: {  	_ =	shalt  }
0x72: {  	_ =	shalt  }
0x73: {  	_ =	shalt  }
0x74: {  	_ =	shalt  }
0x75: {  	_ =	shalt  }
0x76: {  	_ =	shalt  }
0x77: {  	_ =	shalt  }
0x78: {  	_ =	shalt  }
0x79: {  	_ =	shalt  }
0x7a: {  	_ =	shalt  }
0x7b: {  	_ =	shalt  }
0x7c: {  	_ =	shalt  }
0x7d: {  	_ =	shalt  }
0x7e: {  	_ =	shalt  }
0x7f: {  	_ =	shalt  }
0x80: {  	_ =	shalt  }
0x81: {  	_ =	shalt  }
0x82: {  	_ =	shalt  }
0x83: {  	_ =	shalt  }
0x84: {  	_ =	shalt  }
0x85: {  	_ =	shalt  }
0x86: {  	_ =	shalt  }
0x87: {  	_ =	shalt  }
.Lfunc_end0:
.L_simem_size_0:
called_computation.1_lowered:
.L_overlay_start_0:
0x88: {  	s2 =	sld [smem:$0x3FD9]  }
0x89: {  	s3 =	sld [smem:$0x3FFE];
	_ =	sdelay $0x1  }
0x8a: {  	s1 =	srdreg.scid  }
0x8b: {  	s0 =	sand.u32 $0x1, s1  }
0x8c: {  	s17 =	sshll.u32 s0, $0xA;
	s2 =	sadd.s32 s3, s2  }
0x8d: {  	s2 =	sadd.s32 s2, s17  }
0x8e: {  	[smem:$0x3FC3] =	sst s2  }
0x8f: {  	_ = 	snop  }
0x90: {  	s2 =	sld [smem:$0x3FC8]  }
0x91: {  	s18 =	sld [smem:$0x3FC7]  }
0x92: {  	s4 =	sld [smem:$0x3FC6]  }
0x93: {  	s5 =	sld [smem:$0x3FD0];
	(tm) =	ssettm $0x1  }
0x94: {  	s6 =	sld [smem:$0x3FFB];
	_ =	sdelay $0x3  }
0x95: {  	_ =	strace s6  }
0x96: {  	s6 =	sld [smem:$0x3FFC];
	_ =	sdelay $0x3  }
0x97: {  	_ =	strace s6  }
0x98: {  	s6 =	sld [smem:$0x3FFD];
	_ =	sdelay $0x3  }
0x99: {  	_ =	strace s6  }
0x9a: {  	_ =	strace $0x8FFFFFFF  }
0x9b: {  	s19 =	sld [smem:$0x3FDB];
	_ =	sdelay $0x1  }
0x9c: {  	s7 =	simm.s32 $_scs_section_size  }
0x9d: {  	s8 =	simm.s32 $_size__tile_overlayer_lowered;
	s9 =	simm.s32 $_tile_overlayer_lowered  }
0x9e: {  	s22 =	simm.s32 $0x1BFF;
	s21 =	sshll.u32 s9, $0x1;
	s6 =	sadd.s32 s7, s19  }
0x9f: {  	s10 =	simm.s32 $0x0;
	s20 =	sshll.u32 s8, $0x1;
	s8 =	sadd.s32 s21, s6  }
0xa0: {  	[timem:s10], [sflag:s22] =	dma.local [hbm:s8], s20  }
0xa1: {  	_ =	swait.ge [sflag:s22], s20  }
0xa2: {  	s7 =	ssub.s32 $0x0, s20;
	[sflag:s22] =	ssyncset.done $0x0  }
0xa3: {  	[sflag:s22] =	ssyncadd.s32 s7;
	_ =	sdelay $0x1  }
0xa4: {  	s23 =	simm.s32 $0x1B8B  }
0xa5: {  	_ =	swait.ge [sflag:s23], $0x1  }
0xa6: {  	[sflag:s23] =	ssyncset.done $0x0  }
0xa7: {  	s25 =	simm.s32 $0x1B8E;
	s24 =	sld [smem:$0x3FFE];
	[sflag:s23] =	ssyncadd.s32 $0xFFFFFFFF  }
0xa8: {  	s26 =	simm.s32 $execute0_lowered;
	[smem:$0x3FD2] =	sst s25  }
0xa9: {  	s8 =	sshll.u32 s26, $0x1;
	_ =	strace $0x80000046;
	[dreg:$0x1] =	wrdreg $0xFFFFFFFF  }
0xaa: {  	s28 =	simm.s32 $_size_execute0_lowered;
	s6 =	sadd.s32 s6, s8;
	[dreg:$0x0] =	wrdreg $0x0  }
0xab: {  	s8 =	sshll.u32 s28, $0x1;
	[dreg:$0x2] =	wrdreg s6  }
0xac: {  	[dreg:$0x3] =	wrdreg s8  }
0xad: {  	[dreg:$0x4] =	wrdreg $0xC0  }
0xae: {  	_ =	task [dreg:s10], $0x5FFFF  }
0xaf: {  	[dreg:$0x1] =	wrdreg $0xFFFFFFFF  }
0xb0: {  	[dreg:$0x0] =	wrdreg $0x60  }
0xb1: {  	[dreg:$0x2] =	wrdreg s24  }
0xb2: {  	[dreg:$0x3] =	wrdreg s2  }
0xb3: {  	[dreg:$0x4] =	wrdreg s18  }
0xb4: {  	[dreg:$0x5] =	wrdreg s4  }
0xb5: {  	[dreg:$0x6] =	wrdreg s5  }
0xb6: {  	[dreg:$0x7] =	wrdreg $0x9  }
0xb7: {  	_ =	task.clear_ibuf [dreg:s10], $0x8FFFF;
	_ =	strace $0x90000046  }
0xb8: {  	s29 =	simm.s32 $0x9;
	_ =	strace $0x80000048  }
0xb9: {  	_ =	swait.ge [sflag:s29], $0x1  }
0xba: {  	[sflag:s29] =	ssyncadd.s32 $0xFFFFFFFF  }
0xbb: {  	_ =	strace $0x90000048  }
0xbc: {  	_ =	sfence  }
0xbd: {  	s30 =	sld [smem:$0x0];
	_ =	sdelay $0x2  }
0xbe: {  	s31 =	sshll.u32 s1, $0xD;
	s1 =	sshrl.u32 s1, $0x2  }
0xbf: {  	s3 =	sand.u32 $0x4000, s31;
	s1 =	sadd.s32 s1, s30  }
0xc0: {  	s0 =	sor.u32 s3, s0;
	s1 =	sshll.u32 s1, $0x11  }
0xc1: {  	s0 =	sor.u32 s1, s0  }
0xc2: {  	s0 =	sadd.s32 $0x8F2B, s0  }
0xc3: {  	[sflag:s0] =	ssyncadd.remote.s32 $0x1  }
0xc4: {  	_ =	sfence.sel $0xFFFF  }
0xc5: {  	[dreg:$0x0] =	wrdreg $0xFFFFFFFF;
	(pc) =	sbr.abs _section_cstart, $3  }
0xc6: {  	[dreg:$0x1] =	wrdreg $0xFFFFFFFF  }
0xc7: {  	_ =	task.clear_ibuf [dreg:s10], $0x2FFFF;
	_ =	strace $0x9FFFFFFF  }
0xc8: {  	(tm) =	ssettm $0x7FFFFFFF  }
0xc9: {  	_ =	shalt  }
tec
execute0_lowered:
.L_overlay_start_1:
0x0: {  	(tag) =	ssettag $0x1  }
0x1: {  	s0 =	rddreg [dreg:$0x0]  }
0x2: {  	s1 =	rddreg [dreg:$0x1]  }
0x3: {  	s2 =	rddreg [dreg:$0x2]  }
0x4: {  	s4 =	rddreg [dreg:$0x3]  }
0x5: {  	s3 =	rddreg [dreg:$0x4]  }
0x6: {  	s5 =	simm.s32 $0x0;
	s7 =	srdreg.scid;
	s8 =	stileid.u32  }
0x7: {  	s15 =	simm.s32 $0x1CE80;
	s16 =	simm.s32 $0xE;
	s17 =	simm.s32 $0x80  }
0x8: {  	s18 =	simm.s32 $0xC80;
	s20 =	simm.s32 $0xD;
	s24 =	simm.s32 $0x1  }
0x9: {  	s29 =	simm.s32 $0x10;
	[smem:$0x7FF] =	sst s5;
	s6 =	sadd.s32 $0xF42E00, s0  }
0xa: {  	s7 =	sand.u32 $0x1, s7;
	s8 =	sshll.u32 s8, $0x1;
	s0 =	sadd.s32 $0xA00, s0  }
0xb: {  	_ =	strace $0x80000047;
	s30 =	ssub.s32 $0x2, s7;
	s7 =	sor.u32 s7, s8  }
0xc: {  	[dreg:$0x6] =	wrdreg s0;
	s31 =	sshrl.u32 s30, $0x1;
	s9 =	sshll.u32 s7, $0x4  }
0xd: {  	s10 =	smul.u32 $0x6480, s7;
	s8 =	sshll.u32 s7, $0x7;
	s4 =	sadd.s32 s4, s9  }
0xe: {  	s7 =	smul.u32 $0xC80, s7;
	s0 =	ssub.s32 s30, s31;
	[dreg:$0x7] =	wrdreg s4  }
0xf: {  	s11 =	sadd.s32 $0xC8, s10;
	s28 =	sadd.s32 $0xD58, s10;
	s19 =	sadd.s32 $0x19E8, s10  }
0x10: {  	v0 =	vlaneseq.u32;
	s21 =	sadd.s32 $0x2678, s10;
	s22 =	sadd.s32 $0x3308, s10;
	s23 =	sadd.s32 $0x3F98, s10  }
0x11: {  	v8 =	vmul.u32 $0xC9, v0;
	s25 =	sadd.s32 $0x4C28, s10;
	s26 =	sadd.s32 $0x58B8, s10;
	s30 =	sadd.s32 s1, s7  }
0x12: {  	s31 =	sadd.s32 s2, s7;
	s7 =	sor.u32 $0x32, s7;
	s14 =	smax.u32 s0, $0x1  }
0x13: {  	s0 =	simm.s32 $0x9;
	s4 =	simm.s32 $0xA;
	[dreg:$0x8] =	wrdreg s30;
	v1 =	vadd.s32 s11, v8;
	v2 =	vadd.s32 s28, v8  }
0x14: {  	[dreg:$0x9] =	wrdreg s31;
	s12 =	sadd.s32 s1, s7;
	s13 =	sadd.s32 s2, s7;
	v3 =	vadd.s32 s19, v8;
	v4 =	vadd.s32 s21, v8;
	v5 =	vadd.s32 s22, v8  }
0x15: {  	v6 =	vadd.s32 s23, v8;
	v7 =	vadd.s32 s25, v8;
	v8 =	vadd.s32 s26, v8;
	s19 =	simm.s32 $0xB;
	s21 =	simm.s32 $0xC;
	s22 =	simm.s32 $0x0  }
.LBB2_1:
0x16: {  	s7 =	rddreg [dreg:$0x7]  }
0x17: {  	[tilespmem:s15], [sflag:$0xE] =	stream.linear.gather [hbm4b:s7+s5], $0x80, $0x38;
	[tilespmem:$0x1CF00] =	vst v63  }
0x18: {  	_ =	swait.ge [sflag:s16], $0x80  }
0x19: {  	[sflag:s16] =	ssyncset.done $0x0  }
0x1a: {  	[sflag:s16] =	ssyncadd.s32 $0xFFFFFF80  }
0x1b: {  	[tilespmem:s18], [sflag:$0xD] =	stream.indirect.gather [hbm4b:s6+s17], $0x40, s15, s17, $0xb8;
	[tilespmem:$0x1CF00] =	vst v63  }
0x1c: {  	s9 =	simm.s32 $0x19C80;
	s30 =	rddreg [dreg:$0x6]  }
0x1d: {  	[tilespmem:s9], [sflag:$0xE] =	stream.linear.gather [hbm4b:s30+s5], $0x3200, $0x38;
	[tilespmem:$0x1CF00] =	vst v63  }
0x1e: {  	_ =	swait.ge [sflag:s16], $0x3200  }
0x1f: {  	[sflag:s16] =	ssyncset.done $0x0  }
0x20: {  	[sflag:s16] =	ssyncadd.s32 $0xFFFFCE00  }
0x21: {  	_ =	swait.ge [sflag:s20], $0x2000  }
0x22: {  	[sflag:s20] =	ssyncset.done $0x0  }
0x23: {  	[sflag:s20] =	ssyncadd.s32 $0xFFFFE000  }
0x24: {  	[tilespmem:$0x1CE80] =	vst v1  }
0x25: {  	[tilespmem:$0x1CE90] =	vst v2  }
0x26: {  	[tilespmem:$0x1CEA0] =	vst v3  }
0x27: {  	[tilespmem:$0x1CEB0] =	vst v4  }
0x28: {  	[tilespmem:$0x1CEC0] =	vst v5  }
0x29: {  	[tilespmem:$0x1CED0] =	vst v6  }
0x2a: {  	[tilespmem:$0x1CEE0] =	vst v7  }
0x2b: {  	[tilespmem:$0x1CEF0] =	vst v8  }
0x2c: {  	[hbm4b:s3+s17] =	stream.indirect.scatter [tilespmem:s18], [sflag:$0xD], $0x40, s15, s17, $0xb8;
	[tilespmem:$0x1CF00] =	vst v63  }
0x2d: {  	_ =	swait.ge [sflag:s20], $0x2000  }
0x2e: {  	[sflag:s20] =	ssyncset.done $0x0  }
0x2f: {  	s31 =	rddreg [dreg:$0x8];
	[sflag:s20] =	ssyncadd.s32 $0xFFFFE000  }
0x30: {  	[tilespmem:s5], [sflag:$0x1] =	stream.linear.gather [hbm4b:s31+s5], $0x190, $0x38;
	[tilespmem:$0x1CF00] =	vst v63  }
0x31: {  	s10 =	simm.s32 $0x640;
	s9 =	rddreg [dreg:$0x9]  }
0x32: {  	[tilespmem:s10], [sflag:$0x1] =	stream.linear.gather [hbm4b:s9+s5], $0x190, $0x38;
	[tilespmem:$0x1CF00] =	vst v63  }
0x33: {  	s11 =	simm.s32 $0x190  }
0x34: {  	[tilespmem:s11], [sflag:$0x2] =	stream.linear.gather [hbm4b:s12+s5], $0x190, $0x38;
	[tilespmem:$0x1CF00] =	vst v63  }
0x35: {  	s23 =	simm.s32 $0x7D0  }
0x36: {  	[tilespmem:s23], [sflag:$0x2] =	stream.linear.gather [hbm4b:s13+s5], $0x190, $0x38;
	[tilespmem:$0x1CF00] =	vst v63  }
0x37: {  	_ =	swait.ge [sflag:s24], $0x190  }
0x38: {  	[sflag:s24] =	ssyncset.done $0x0  }
0x39: {  	[sflag:s24] =	ssyncadd.s32 $0xFFFFFE70  }
0x3a: {  	_ =	swait.ge [sflag:s24], $0x190  }
0x3b: {  	[sflag:s24] =	ssyncset.done $0x0  }
0x3c: {  	[sflag:s24] =	ssyncadd.s32 $0xFFFFFE70  }
0x3d: {  	[tilespmem:s18], [sflag:$0x5] =	stream.indirect.gather [hbm4b:s6+s17], $0x40, s5, s17, $0xb8;
	[tilespmem:$0x1CF00] =	vst v63  }
0x3e: {  	s25 =	simm.s32 $0x2C80  }
0x3f: {  	[tilespmem:s25], [sflag:$0x5] =	stream.indirect.gather [hbm4b:s6+s17], $0x40, s17, s17, $0xb8;
	[tilespmem:$0x1CF00] =	vst v63  }
0x40: {  	s26 =	simm.s32 $0x100;
	s28 =	simm.s32 $0x4C80  }
0x41: {  	[tilespmem:s28], [sflag:$0x5] =	stream.indirect.gather [hbm4b:s6+s17], $0x40, s26, s17, $0xb8;
	[tilespmem:$0x1CF00] =	vst v63  }
0x42: {  	s30 =	simm.s32 $0x180;
	s31 =	simm.s32 $0x6C80;
	s23 =	simm.s32 $0x0  }
0x43: {  	[tilespmem:s31], [sflag:$0x5] =	stream.indirect.gather [hbm4b:s6+s29], $0x40, s30, s29, $0xb8;
	[tilespmem:$0x1CF00] =	vst v63  }
.LBB2_2:
0x44: {  	p0 =	sgt.u32 s23, $0x3D  }
.Ltmp0:
0x45: {  	_ = 	snop;
	(pc) =	sbr.rel @p0 .LBB2_4-.Ltmp0, $1  }
0x46: {  	_ =	sdelay $0x3  }
0x47: {  	s7 =	sadd.s32 $0x2, s23  }
0x48: {  	s9 =	sshll.u32 s7, $0x1  }
0x49: {  	s9 =	sadd.s32 s8, s9  }
0x4a: {  	s7 =	sand.u32 $0x3, s7;
	s9 =	smul.u32 $0x19, s9  }
0x4b: {  	s25 =	smul.u32 $0x190, s7  }
.Ltmp1:
0x4c: {  	s7 =	sadd.s32 $0x1, s7;
	s26 =	sadd.s32 s1, s9;
	(pc) =	sbr.rel .LBB2_5-.Ltmp1, $4  }
0x4d: {  	[tilespmem:s25], [sflag:s7] =	stream.linear.gather [hbm4b:s26+s5], $0x190, $0x38;
	[tilespmem:$0x1CF00] =	vst v63  }
0x4e: {  	s9 =	sadd.s32 s2, s9;
	s25 =	sadd.s32 $0x640, s25  }
0x4f: {  	[tilespmem:s25], [sflag:s7] =	stream.linear.gather [hbm4b:s9+s5], $0x190, $0x38;
	[tilespmem:$0x1CF00] =	vst v63  }
0x50: {  	s7 =	sadd.s32 $0x1, s23  }
.LBB2_4:
0x51: {  	p0 =	seq.s32 s23, $0x3F  }
.Ltmp2:
0x52: {  	_ = 	snop;
	(pc) =	sbr.rel @p0 .LBB2_6-.Ltmp2, $2  }
0x53: {  	_ =	sdelay $0x2  }
0x54: {  	s7 =	simm.s32 $0x3F;
	s25 =	simm.s32 $0x40  }
.LBB2_5:
0x55: {  	s9 =	sand.u32 $0x3, s7  }
0x56: {  	s25 =	sadd.s32 $0x1, s9  }
0x57: {  	_ =	swait.ge [sflag:s25], $0x190  }
0x58: {  	[sflag:s25] =	ssyncset.done $0x0  }
0x59: {  	[sflag:s25] =	ssyncadd.s32 $0xFFFFFE70  }
0x5a: {  	_ =	swait.ge [sflag:s25], $0x190  }
0x5b: {  	p0 =	slt.u32 s23, $0x3;
	[sflag:s25] =	ssyncset.done $0x0  }
0x5c: {  	[sflag:s25] =	ssyncadd.s32 $0xFFFFFE70;
	s25 =	sadd.s32 @!p0 $0x9, s9  }
0x5d: {  	_ =	swait.ge @!p0 [sflag:s25], $0x3200  }
0x5e: {  	[sflag:s25] =	ssyncset.done @!p0 $0x0  }
0x5f: {  	[sflag:s25] =	ssyncadd.s32 @!p0 $0xFFFFCE00  }
0x60: {  	s26 =	smul.u32 $0x19000, s9;
	_ =	swait.ge @!p0 [sflag:s25], $0x3200  }
0x61: {  	s28 =	smul.u32 $0x640, s9;
	[sflag:s25] =	ssyncset.done @!p0 $0x0  }
0x62: {  	[sflag:s25] =	ssyncadd.s32 @!p0 $0xFFFFCE00;
	s25 =	sshrl.u32 s26, $0x2  }
0x63: {  	s28 =	sshrl.u32 s28, $0x2;
	s9 =	sadd.s32 $0x5, s9;
	s26 =	sadd.s32 $0xC80, s25  }
0x64: {  	[tilespmem:s26], [sflag:s9] =	stream.indirect.gather [hbm4b:s6+s17], $0x40, s28, s17, $0xb8;
	[tilespmem:$0x1CF00] =	vst v63  }
0x65: {  	s30 =	sadd.s32 $0x80, s28;
	s31 =	sadd.s32 $0x2C80, s25  }
0x66: {  	[tilespmem:s31], [sflag:s9] =	stream.indirect.gather [hbm4b:s6+s17], $0x40, s30, s17, $0xb8;
	[tilespmem:$0x1CF00] =	vst v63  }
0x67: {  	s11 =	sadd.s32 $0x100, s28;
	s10 =	sadd.s32 $0x4C80, s25  }
0x68: {  	[tilespmem:s10], [sflag:s9] =	stream.indirect.gather [hbm4b:s6+s17], $0x40, s11, s17, $0xb8;
	[tilespmem:$0x1CF00] =	vst v63  }
0x69: {  	s25 =	sadd.s32 $0x6C80, s25;
	s31 =	sadd.s32 $0x180, s28  }
0x6a: {  	[tilespmem:s25], [sflag:s9] =	stream.indirect.gather [hbm4b:s6+s29], $0x40, s31, s29, $0xb8;
	[tilespmem:$0x1CF00] =	vst v63  }
0x6b: {  	s25 =	smov.u32 s7  }
.LBB2_6:
0x6c: {  	s26 =	sand.u32 $0x3, s23  }
0x6d: {  	s7 =	sadd.s32 $0x5, s26  }
0x6e: {  	_ =	swait.ge [sflag:s7], $0x2000  }
0x6f: {  	[sflag:s7] =	ssyncset.done $0x0  }
0x70: {  	[sflag:s7] =	ssyncadd.s32 $0xFFFFE000  }
0x71: {  	_ =	swait.ge [sflag:s7], $0x2000  }
0x72: {  	[sflag:s7] =	ssyncset.done $0x0  }
0x73: {  	[sflag:s7] =	ssyncadd.s32 $0xFFFFE000  }
0x74: {  	s9 =	smul.u32 $0x640, s26;
	_ =	swait.ge [sflag:s7], $0x2000  }
0x75: {  	s28 =	smul.u32 $0x19000, s26;
	[sflag:s7] =	ssyncset.done $0x0  }
0x76: {  	[sflag:s7] =	ssyncadd.s32 $0xFFFFE000  }
0x77: {  	s9 =	sshrl.u32 s9, $0x2;
	s28 =	sshrl.u32 s28, $0x2;
	_ =	swait.ge [sflag:s7], $0x400  }
0x78: {  	s31 =	sadd.s32 $0x640, s9;
	s30 =	sadd.s32 $0xC80, s28;
	[sflag:s7] =	ssyncset.done $0x0  }
0x79: {  	s9 =	simm.s32 $0x0;
	[sflag:s7] =	ssyncadd.s32 $0xFFFFFC00;
	s7 =	sadd.s32 $0xE80, s28  }
.LBB2_7:
0x7a: {  	v9 =	vor.u32 s9, v0  }
0x7b: {  	v10 =	vmulhi.u32 $0x51EB851F, v9;
	_ =	sdelay $0x1  }
0x7c: {  	v10 =	vshrl.u32 v10, $0x6  }
0x7d: {  	v10 =	vmul.u32 $0xC8, v10;
	_ =	sdelay $0x1  }
0x7e: {  	v9 =	vsub.s32 v9, v10  }
0x7f: {  	v10 =	vshll.u32 v9, $0x6  }
0x80: {  	(v2sf) =	vpush v10, $0x1;
	_ =	sdelay $0x3  }
0x81: {  	(v2sf) =	vpush v10, $0x0;
	_ =	sdelay $0x4  }
0x82: {  	v11 =	vld [tilespmem:s7+$0xFFFFFE00]  }
0x83: {  	v13 =	vld [tilespmem:s7+$0xFFFFFE10]  }
0x84: {  	v15 =	vld [tilespmem:s7+$0xFFFFFE20]  }
0x85: {  	v17 =	vld [tilespmem:s7+$0xFFFFFE30]  }
0x86: {  	v19 =	vld [tilespmem:s7+$0xFFFFFE40]  }
0x87: {  	v21 =	vld [tilespmem:s7+$0xFFFFFE50]  }
0x88: {  	v23 =	vld [tilespmem:s7+$0xFFFFFE60];
	s10 =	spop (v2sf);
	(v2sf) =	vpush v10, $0x3  }
0x89: {  	v25 =	vld [tilespmem:s7+$0xFFFFFE70]  }
0x8a: {  	v27 =	vld [tilespmem:s7+$0xFFFFFE80]  }
0x8b: {  	v35 =	vld [tilespmem:s7+$0xFFFFFE90]  }
0x8c: {  	v37 =	vld [tilespmem:s7+$0xFFFFFEA0];
	s11 =	spop (v2sf);
	(v2sf) =	vpush v10, $0x2  }
0x8d: {  	v40 =	vld [tilespmem:s7+$0xFFFFFEB0]  }
0x8e: {  	v45 =	vld [tilespmem:s7+$0xFFFFFED0]  }
0x8f: {  	v9 =	vld [tilespmem:s31+$0x0]  }
0x90: {  	v20 =	vld [tilespmem:s10+$0x19C80]  }
0x91: {  	v22 =	vld [tilespmem:s10+$0x19C90]  }
0x92: {  	v24 =	vld [tilespmem:s10+$0x19CA0]  }
0x93: {  	v26 =	vld [tilespmem:s10+$0x19CB0]  }
0x94: {  	v12 =	vld [tilespmem:s11+$0x19C80]  }
0x95: {  	v14 =	vld [tilespmem:s11+$0x19C90]  }
0x96: {  	v16 =	vld [tilespmem:s11+$0x19CA0]  }
0x97: {  	v18 =	vld [tilespmem:s11+$0x19CB0];
	s10 =	spop (v2sf)  }
0x98: {  	(v2sf) =	vpush v10, $0x5;
	v61 =	vld [tilespmem:s10+$0x19C80]  }
0x99: {  	v62 =	vld [tilespmem:s10+$0x19C90]  }
0x9a: {  	v63 =	vld [tilespmem:s10+$0x19CA0]  }
0x9b: {  	v32 =	vbroadcast v9, $0x0;
	v11 =	vadd.f32 v12, v11;
	s11 =	spop (v2sf);
	v34 =	vld [tilespmem:s10+$0x19CB0]  }
0x9c: {  	v13 =	vadd.f32 v14, v13;
	(v2sf) =	vpush v10, $0x4;
	v28 =	vld [tilespmem:s11+$0x19C80]  }
0x9d: {  	v17 =	vadd.f32 v18, v17;
	v11 =	vmul.f32 v11, v32;
	v29 =	vld [tilespmem:s11+$0x19C90]  }
0x9e: {  	v15 =	vadd.f32 v16, v15;
	v13 =	vmul.f32 v13, v32;
	v30 =	vld [tilespmem:s11+$0x19CA0]  }
0x9f: {  	v36 =	vbroadcast v9, $0x1;
	v21 =	vadd.f32 v22, v21;
	v38 =	vmul.f32 v17, v32;
	v31 =	vld [tilespmem:s11+$0x19CB0];
	[tilespmem:s7+$0xFFFFFE00] =	vst v11  }
0xa0: {  	v42 =	vld [tilespmem:s7+$0xFFFFFEC0];
	v33 =	vadd.f32 v20, v19;
	v11 =	vmul.f32 v15, v32;
	[tilespmem:s7+$0xFFFFFE10] =	vst v13  }
0xa1: {  	v47 =	vld [tilespmem:s7+$0xFFFFFEE0];
	v41 =	vadd.f32 v26, v25;
	v43 =	vmul.f32 v21, v36;
	[tilespmem:s7+$0xFFFFFE30] =	vst v38  }
0xa2: {  	v50 =	vld [tilespmem:s7+$0xFFFFFEF0];
	v39 =	vadd.f32 v24, v23;
	[tilespmem:s7+$0xFFFFFE20] =	vst v11;
	v11 =	vmul.f32 v33, v36  }
0xa3: {  	v57 =	vld [tilespmem:s7+$0xFFFFFF10];
	v53 =	vbroadcast v9, $0x3;
	v48 =	vmul.f32 v41, v36;
	[tilespmem:s7+$0xFFFFFE50] =	vst v43;
	v14 =	vadd.f32 v62, v45  }
0xa4: {  	v59 =	vld [tilespmem:s7+$0xFFFFFF20];
	v46 =	vbroadcast v9, $0x2;
	[tilespmem:s7+$0xFFFFFE40] =	vst v11;
	v11 =	vmul.f32 v39, v36;
	v44 =	vadd.f32 v28, v27  }
0xa5: {  	v41 =	vld [tilespmem:s7+$0xFFFFFF70];
	[tilespmem:s7+$0xFFFFFE70] =	vst v48;
	v20 =	vadd.f32 v29, v35;
	v56 =	vmul.f32 v14, v53  }
0xa6: {  	v43 =	vld [tilespmem:s7+$0xFFFFFF80];
	v49 =	vadd.f32 v30, v37;
	[tilespmem:s7+$0xFFFFFE60] =	vst v11;
	v11 =	vmul.f32 v44, v46  }
0xa7: {  	v33 =	vld [tilespmem:s7+$0xFFFFFFE0];
	v51 =	vadd.f32 v31, v40;
	v52 =	vmul.f32 v20, v46;
	[tilespmem:s7+$0xFFFFFED0] =	vst v56;
	s10 =	spop (v2sf);
	(v2sf) =	vpush v10, $0x7  }
0xa8: {  	v12 =	vadd.f32 v61, v42;
	v61 =	vld [tilespmem:s7+$0xFFFFFF30];
	[tilespmem:s7+$0xFFFFFE80] =	vst v11;
	v11 =	vmul.f32 v49, v46  }
0xa9: {  	v16 =	vadd.f32 v63, v47;
	v55 =	vadd.f32 v34, v50;
	v63 =	vld [tilespmem:s7+$0xFFFFFF40];
	v54 =	vmul.f32 v51, v46;
	[tilespmem:s7+$0xFFFFFE90] =	vst v52  }
0xaa: {  	v39 =	vld [tilespmem:s7+$0xFFFFFF60];
	[tilespmem:s7+$0xFFFFFEA0] =	vst v11;
	v11 =	vmul.f32 v12, v53  }
0xab: {  	v37 =	vld [tilespmem:s7+$0xFFFFFF50];
	[tilespmem:s7+$0xFFFFFEB0] =	vst v54;
	v12 =	vmul.f32 v55, v53;
	s11 =	spop (v2sf);
	(v2sf) =	vpush v10, $0x6  }
0xac: {  	v28 =	vld [tilespmem:s7+$0xFFFFFFD0];
	[tilespmem:s7+$0xFFFFFEC0] =	vst v11;
	v11 =	vmul.f32 v16, v53  }
0xad: {  	v56 =	vld [tilespmem:s7+$0xFFFFFFA0];
	[tilespmem:s7+$0xFFFFFEF0] =	vst v12  }
0xae: {  	[tilespmem:s7+$0xFFFFFEE0] =	vst v11;
	v11 =	vld [tilespmem:s7+$0xFFFFFF00]  }
0xaf: {  	v12 =	vld [tilespmem:s11+$0x19C80]  }
0xb0: {  	v58 =	vld [tilespmem:s11+$0x19C90]  }
0xb1: {  	v60 =	vld [tilespmem:s11+$0x19CA0]  }
0xb2: {  	v62 =	vld [tilespmem:s11+$0x19CB0]  }
0xb3: {  	v36 =	vld [tilespmem:s10+$0x19C80]  }
0xb4: {  	v38 =	vld [tilespmem:s10+$0x19C90]  }
0xb5: {  	v40 =	vld [tilespmem:s10+$0x19CA0]  }
0xb6: {  	v42 =	vld [tilespmem:s10+$0x19CB0];
	s10 =	spop (v2sf)  }
0xb7: {  	v48 =	vld [tilespmem:s10+$0x19C80]  }
0xb8: {  	(v2sf) =	vpush v10, $0x9;
	v50 =	vld [tilespmem:s10+$0x19C90]  }
0xb9: {  	v51 =	vld [tilespmem:s10+$0x19CA0]  }
0xba: {  	v49 =	vbroadcast v9, $0x4;
	v11 =	vadd.f32 v12, v11;
	s11 =	spop (v2sf);
	v53 =	vld [tilespmem:s10+$0x19CB0]  }
0xbb: {  	v13 =	vadd.f32 v58, v57;
	v44 =	vld [tilespmem:s11+$0x19C80]  }
0xbc: {  	v17 =	vadd.f32 v62, v61;
	v11 =	vmul.f32 v11, v49;
	(v2sf) =	vpush v10, $0x8;
	v45 =	vld [tilespmem:s11+$0x19C90]  }
0xbd: {  	v15 =	vadd.f32 v60, v59;
	v13 =	vmul.f32 v13, v49;
	v46 =	vld [tilespmem:s11+$0x19CA0]  }
0xbe: {  	v55 =	vbroadcast v9, $0x5;
	v21 =	vadd.f32 v38, v37;
	v57 =	vmul.f32 v17, v49;
	v47 =	vld [tilespmem:s11+$0x19CB0];
	[tilespmem:s7+$0xFFFFFF00] =	vst v11  }
0xbf: {  	v54 =	vld [tilespmem:s7+$0xFFFFFF90];
	v52 =	vadd.f32 v36, v63;
	v11 =	vmul.f32 v15, v49;
	[tilespmem:s7+$0xFFFFFF10] =	vst v13  }
0xc0: {  	v59 =	vld [tilespmem:s7+$0xFFFFFFB0];
	v60 =	vadd.f32 v42, v41;
	v62 =	vmul.f32 v21, v55;
	[tilespmem:s7+$0xFFFFFF30] =	vst v57  }
0xc1: {  	v58 =	vadd.f32 v40, v39;
	v36 =	vld [tilespmem:s7+$0xFFFFFFF0];
	[tilespmem:s7+$0xFFFFFF20] =	vst v11;
	v11 =	vmul.f32 v52, v55  }
0xc2: {  	v61 =	vld [tilespmem:s7+$0xFFFFFFC0];
	v39 =	vbroadcast v9, $0x7;
	v34 =	vmul.f32 v60, v55;
	[tilespmem:s7+$0xFFFFFF50] =	vst v62;
	v14 =	vadd.f32 v50, v28  }
0xc3: {  	v32 =	vbroadcast v9, $0x6;
	v49 =	vld [tilespmem:s7+$0x40];
	[tilespmem:s7+$0xFFFFFF40] =	vst v11;
	v11 =	vmul.f32 v58, v55;
	v63 =	vadd.f32 v44, v43  }
0xc4: {  	[tilespmem:s7+$0xFFFFFF70] =	vst v34;
	v57 =	vld [tilespmem:s7+$0x80];
	v20 =	vadd.f32 v45, v54;
	v42 =	vmul.f32 v14, v39  }
0xc5: {  	v16 =	vadd.f32 v51, v33;
	v51 =	vld [tilespmem:s7+$0x50];
	v35 =	vadd.f32 v46, v56;
	[tilespmem:s7+$0xFFFFFF60] =	vst v11;
	v11 =	vmul.f32 v63, v32  }
0xc6: {  	v41 =	vadd.f32 v53, v36;
	v53 =	vld [tilespmem:s7+$0x60];
	v37 =	vadd.f32 v47, v59;
	v38 =	vmul.f32 v20, v32;
	[tilespmem:s7+$0xFFFFFFD0] =	vst v42  }
0xc7: {  	v12 =	vadd.f32 v48, v61;
	v55 =	vld [tilespmem:s7+$0x70];
	[tilespmem:s7+$0xFFFFFF80] =	vst v11;
	v11 =	vmul.f32 v35, v32;
	s10 =	spop (v2sf);
	(v2sf) =	vpush v10, $0xB  }
0xc8: {  	v43 =	vld [tilespmem:s7+$0x10];
	v40 =	vmul.f32 v37, v32;
	[tilespmem:s7+$0xFFFFFF90] =	vst v38  }
0xc9: {  	v45 =	vld [tilespmem:s7+$0x20];
	[tilespmem:s7+$0xFFFFFFA0] =	vst v11;
	v11 =	vmul.f32 v12, v39  }
0xca: {  	v47 =	vld [tilespmem:s7+$0x30];
	[tilespmem:s7+$0xFFFFFFB0] =	vst v40;
	v12 =	vmul.f32 v41, v39  }
0xcb: {  	v41 =	vld [tilespmem:s7+$0xA0];
	[tilespmem:s7+$0xFFFFFFC0] =	vst v11;
	v11 =	vmul.f32 v16, v39;
	s11 =	spop (v2sf);
	(v2sf) =	vpush v10, $0xA  }
0xcc: {  	[tilespmem:s7+$0xFFFFFFF0] =	vst v12;
	v39 =	vld [tilespmem:s7+$0x90]  }
0xcd: {  	[tilespmem:s7+$0xFFFFFFE0] =	vst v11;
	v11 =	vld [tilespmem:s7+$0x0]  }
0xce: {  	v12 =	vld [tilespmem:s11+$0x19C80]  }
0xcf: {  	v44 =	vld [tilespmem:s11+$0x19C90]  }
0xd0: {  	v46 =	vld [tilespmem:s11+$0x19CA0]  }
0xd1: {  	v48 =	vld [tilespmem:s11+$0x19CB0]  }
0xd2: {  	v50 =	vld [tilespmem:s10+$0x19C80]  }
0xd3: {  	v52 =	vld [tilespmem:s10+$0x19C90]  }
0xd4: {  	v54 =	vld [tilespmem:s10+$0x19CA0]  }
0xd5: {  	v56 =	vld [tilespmem:s10+$0x19CB0]  }
0xd6: {  	v17 =	vadd.f32 v48, v47;
	v48 =	vld [tilespmem:s7+$0xD0];
	s10 =	spop (v2sf)  }
0xd7: {  	(v2sf) =	vpush v10, $0xD;
	v62 =	vld [tilespmem:s10+$0x19C80]  }
0xd8: {  	v35 =	vld [tilespmem:s10+$0x19C90]  }
0xd9: {  	v36 =	vld [tilespmem:s10+$0x19CA0]  }
0xda: {  	v63 =	vbroadcast v9, $0x8;
	v11 =	vadd.f32 v12, v11;
	s11 =	spop (v2sf);
	v38 =	vld [tilespmem:s10+$0x19CB0]  }
0xdb: {  	v13 =	vadd.f32 v44, v43;
	(v2sf) =	vpush v10, $0xC;
	v58 =	vld [tilespmem:s11+$0x19C80]  }
0xdc: {  	v11 =	vmul.f32 v11, v63;
	v59 =	vld [tilespmem:s11+$0x19C90]  }
0xdd: {  	v15 =	vadd.f32 v46, v45;
	v13 =	vmul.f32 v13, v63;
	v60 =	vld [tilespmem:s11+$0x19CA0]  }
0xde: {  	v40 =	vbroadcast v9, $0x9;
	v21 =	vadd.f32 v52, v51;
	v17 =	vmul.f32 v17, v63;
	v61 =	vld [tilespmem:s11+$0x19CB0];
	[tilespmem:s7+$0x0] =	vst v11  }
0xdf: {  	v37 =	vadd.f32 v50, v49;
	v43 =	vld [tilespmem:s7+$0xB0];
	v11 =	vmul.f32 v15, v63;
	[tilespmem:s7+$0x10] =	vst v13  }
0xe0: {  	v44 =	vadd.f32 v56, v55;
	v50 =	vld [tilespmem:s7+$0xE0];
	v46 =	vmul.f32 v21, v40;
	[tilespmem:s7+$0x30] =	vst v17  }
0xe1: {  	v42 =	vadd.f32 v54, v53;
	v45 =	vld [tilespmem:s7+$0xC0];
	[tilespmem:s7+$0x20] =	vst v11;
	v11 =	vmul.f32 v37, v40  }
0xe2: {  	v51 =	vld [tilespmem:s7+$0xF0];
	v54 =	vbroadcast v9, $0xB;
	[tilespmem:s7+$0x50] =	vst v46;
	v15 =	vmul.f32 v44, v40;
	v14 =	vadd.f32 v35, v48  }
0xe3: {  	v49 =	vbroadcast v9, $0xA;
	[tilespmem:s7+$0x40] =	vst v11;
	v11 =	vmul.f32 v42, v40;
	v47 =	vadd.f32 v58, v57  }
0xe4: {  	v34 =	vld [tilespmem:s7+$0x160];
	[tilespmem:s7+$0x70] =	vst v15;
	v20 =	vadd.f32 v59, v39;
	v14 =	vmul.f32 v14, v54  }
0xe5: {  	v63 =	vld [tilespmem:s7+$0x150];
	v16 =	vadd.f32 v36, v50;
	v13 =	vadd.f32 v60, v41;
	[tilespmem:s7+$0x60] =	vst v11;
	v11 =	vmul.f32 v47, v49  }
0xe6: {  	v36 =	vld [tilespmem:s7+$0x170];
	v52 =	vadd.f32 v61, v43;
	v53 =	vmul.f32 v20, v49;
	[tilespmem:s7+$0xD0] =	vst v14;
	s10 =	spop (v2sf);
	(v2sf) =	vpush v10, $0xF  }
0xe7: {  	v12 =	vadd.f32 v62, v45;
	v56 =	vadd.f32 v38, v51;
	v38 =	vld [tilespmem:s7+$0x180];
	[tilespmem:s7+$0x80] =	vst v11;
	v11 =	vmul.f32 v13, v49  }
0xe8: {  	v48 =	vld [tilespmem:s7+$0x190];
	v55 =	vmul.f32 v52, v49;
	[tilespmem:s7+$0x90] =	vst v53  }
0xe9: {  	v58 =	vld [tilespmem:s7+$0x120];
	[tilespmem:s7+$0xA0] =	vst v11;
	v11 =	vmul.f32 v12, v54  }
0xea: {  	v59 =	vld [tilespmem:s7+$0x130];
	[tilespmem:s7+$0xB0] =	vst v55;
	v12 =	vmul.f32 v56, v54;
	s11 =	spop (v2sf);
	(v2sf) =	vpush v10, $0xE  }
0xeb: {  	v61 =	vld [tilespmem:s7+$0x140];
	[tilespmem:s7+$0xC0] =	vst v11;
	v11 =	vmul.f32 v16, v54  }
0xec: {  	[tilespmem:s7+$0xF0] =	vst v12;
	v10 =	vld [tilespmem:s7+$0x110]  }
0xed: {  	[tilespmem:s7+$0xE0] =	vst v11;
	v11 =	vld [tilespmem:s7+$0x100]  }
0xee: {  	v12 =	vld [tilespmem:s11+$0x19C80]  }
0xef: {  	v57 =	vld [tilespmem:s11+$0x19C90]  }
0xf0: {  	v15 =	vld [tilespmem:s11+$0x19CA0]  }
0xf1: {  	v60 =	vld [tilespmem:s11+$0x19CB0]  }
0xf2: {  	v62 =	vld [tilespmem:s10+$0x19C80]  }
0xf3: {  	v33 =	vld [tilespmem:s10+$0x19C90]  }
0xf4: {  	v35 =	vld [tilespmem:s10+$0x19CA0]  }
0xf5: {  	v37 =	vld [tilespmem:s10+$0x19CB0];
	s11 =	spop (v2sf)  }
0xf6: {  	v43 =	vld [tilespmem:s11+$0x19C80]  }
0xf7: {  	v45 =	vld [tilespmem:s11+$0x19C90]  }
0xf8: {  	v46 =	vld [tilespmem:s11+$0x19CA0]  }
0xf9: {  	v44 =	vbroadcast v9, $0xC;
	v11 =	vadd.f32 v12, v11;
	s10 =	spop (v2sf);
	v47 =	vld [tilespmem:s11+$0x19CB0]  }
0xfa: {  	v10 =	vadd.f32 v57, v10;
	v39 =	vld [tilespmem:s10+$0x19C80]  }
0xfb: {  	v14 =	vadd.f32 v15, v58;
	v11 =	vmul.f32 v11, v44;
	v40 =	vld [tilespmem:s10+$0x19C90]  }
0xfc: {  	v16 =	vadd.f32 v60, v59;
	v10 =	vmul.f32 v10, v44;
	v41 =	vld [tilespmem:s10+$0x19CA0]  }
0xfd: {  	v49 =	vbroadcast v9, $0xD;
	v18 =	vadd.f32 v62, v61;
	v42 =	vld [tilespmem:s10+$0x19CB0];
	[tilespmem:s7+$0x100] =	vst v11;
	v11 =	vmul.f32 v14, v44  }
0xfe: {  	v50 =	vld [tilespmem:s7+$0x1A0];
	v20 =	vadd.f32 v33, v63;
	[tilespmem:s7+$0x110] =	vst v10;
	v10 =	vmul.f32 v16, v44  }
0xff: {  	v51 =	vadd.f32 v35, v34;
	v18 =	vmul.f32 v18, v49;
	[tilespmem:s7+$0x120] =	vst v11;
	v11 =	vld [tilespmem:s7+$0x1B0]  }
0x100: {  	v52 =	vadd.f32 v37, v36;
	v20 =	vmul.f32 v20, v49;
	[tilespmem:s7+$0x130] =	vst v10;
	v10 =	vld [tilespmem:s7+$0x1C0]  }
0x101: {  	v56 =	vbroadcast v9, $0xE;
	v54 =	vld [tilespmem:s7+$0x1D0];
	v55 =	vmul.f32 v51, v49;
	[tilespmem:s7+$0x140] =	vst v18;
	v53 =	vadd.f32 v39, v38  }
0x102: {  	v57 =	vld [tilespmem:s7+$0x1E0];
	[tilespmem:s7+$0x150] =	vst v20;
	v14 =	vmul.f32 v52, v49;
	v19 =	vadd.f32 v40, v48  }
0x103: {  	v58 =	vld [tilespmem:s7+$0x1F0];
	[tilespmem:s7+$0x160] =	vst v55;
	v16 =	vadd.f32 v41, v50;
	v59 =	vmul.f32 v53, v56  }
0x104: {  	[tilespmem:s7+$0x170] =	vst v14;
	v11 =	vadd.f32 v42, v11;
	v60 =	vmul.f32 v19, v56  }
0x105: {  	v9 =	vbroadcast v9, $0xF;
	v10 =	vadd.f32 v43, v10;
	v61 =	vmul.f32 v16, v56;
	[tilespmem:s7+$0x180] =	vst v59  }
0x106: {  	v13 =	vadd.f32 v45, v54;
	[tilespmem:s7+$0x190] =	vst v60;
	v11 =	vmul.f32 v11, v56  }
0x107: {  	p0 =	sne.s32 s9, $0x180;
	v62 =	vadd.f32 v46, v57;
	[tilespmem:s7+$0x1A0] =	vst v61;
	v10 =	vmul.f32 v10, v9  }
.Ltmp3:
0x108: {  	v63 =	vadd.f32 v47, v58;
	[tilespmem:s7+$0x1B0] =	vst v11;
	v11 =	vmul.f32 v13, v9;
	(pc) =	sbr.rel @p0 .LBB2_7-.Ltmp3, $4  }
0x109: {  	[tilespmem:s7+$0x1C0] =	vst v10;
	v10 =	vmul.f32 v62, v9  }
0x10a: {  	v9 =	vmul.f32 v63, v9;
	[tilespmem:s7+$0x1D0] =	vst v11  }
0x10b: {  	[tilespmem:s7+$0x1E0] =	vst v10  }
0x10c: {  	s9 =	sadd.s32 $0x10, s9;
	s31 =	sadd.s32 $0x10, s31;
	[tilespmem:s7+$0x1F0] =	vst v9;
	s7 =	sadd.s32 $0x400, s7  }
0x10d: {  	s7 =	sshll.u32 s23, $0x1  }
0x10e: {  	s7 =	sor.u32 s8, s7  }
0x10f: {  	s9 =	smul.u32 $0x648, s7  }
0x110: {  	s7 =	smul.u32 $0x3240, s7  }
0x111: {  	s10 =	sadd.s32 $0x9, s26;
	p0 =	slt.u32 s25, $0x40  }
.Ltmp4:
0x112: {  	s9 =	sadd.s32 s3, s9;
	s7 =	sshrl.u32 s7, $0x3;
	(pc) =	sbr.rel @p0 .LBB2_2-.Ltmp4, $4  }
0x113: {  	[hbm4b:s9+s5] =	stream.linear.scatter [tilespmem:s30], [sflag:s10], $0x3200, $0x38;
	[tilespmem:$0x1CF00] =	vst v63  }
0x114: {  	s7 =	sadd.s32 s3, s7  }
0x115: {  	s31 =	sadd.s32 $0x3E80, s28;
	s23 =	smov.u32 s25;
	s7 =	sadd.s32 $0x648, s7  }
0x116: {  	[hbm4b:s7+s5] =	stream.linear.scatter [tilespmem:s31], [sflag:s10], $0x3200, $0x38;
	[tilespmem:$0x1CF00] =	vst v63  }
0x117: {  	_ =	swait.ge [sflag:s0], $0x3200  }
0x118: {  	[sflag:s0] =	ssyncset.done $0x0  }
0x119: {  	[sflag:s0] =	ssyncadd.s32 $0xFFFFCE00  }
0x11a: {  	_ =	swait.ge [sflag:s0], $0x3200  }
0x11b: {  	[sflag:s0] =	ssyncset.done $0x0  }
0x11c: {  	[sflag:s0] =	ssyncadd.s32 $0xFFFFCE00  }
0x11d: {  	_ =	swait.ge [sflag:s4], $0x3200  }
0x11e: {  	[sflag:s4] =	ssyncset.done $0x0  }
0x11f: {  	[sflag:s4] =	ssyncadd.s32 $0xFFFFCE00  }
0x120: {  	_ =	swait.ge [sflag:s4], $0x3200  }
0x121: {  	[sflag:s4] =	ssyncset.done $0x0  }
0x122: {  	[sflag:s4] =	ssyncadd.s32 $0xFFFFCE00  }
0x123: {  	_ =	swait.ge [sflag:s19], $0x3200  }
0x124: {  	[sflag:s19] =	ssyncset.done $0x0  }
0x125: {  	[sflag:s19] =	ssyncadd.s32 $0xFFFFCE00  }
0x126: {  	_ =	swait.ge [sflag:s19], $0x3200  }
0x127: {  	[sflag:s19] =	ssyncset.done $0x0  }
0x128: {  	s22 =	sadd.s32 $0x1, s22;
	[sflag:s19] =	ssyncadd.s32 $0xFFFFCE00  }
0x129: {  	p0 =	sne.s32 s22, s14;
	_ =	swait.ge [sflag:s21], $0x3200  }
.Ltmp5:
0x12a: {  	[sflag:s21] =	ssyncset.done $0x0;
	(pc) =	sbr.rel @p0 .LBB2_1-.Ltmp5, $4  }
0x12b: {  	[sflag:s21] =	ssyncadd.s32 $0xFFFFCE00  }
0x12c: {  	_ =	swait.ge [sflag:s21], $0x3200  }
0x12d: {  	[sflag:s21] =	ssyncset.done $0x0  }
0x12e: {  	[sflag:s21] =	ssyncadd.s32 $0xFFFFCE00  }
0x12f: {  	_ =	sfence.sel $0x180000  }
0x130: {  	[bflag:$0x0] =	sbarrier.arrive $0xFFFF  }
0x131: {  	_ =	strace $0x90000047  }
0x132: {  	s0 =	stileid.u32;
	[bflag:$0x2] =	sbarrier.arrive $0xFFFF  }
0x133: {  	p0 =	sne.s32 s0, $0x0;
	s0 =	rddreg [dreg:$0x5]  }
0x134: {  	s0 =	sadd.s32 @!p0 $0x100000, s0  }
0x135: {  	[sflag:s0] =	ssyncadd.tile.s32 @!p0 $0x1;
	_ =	shalt  }
.Lfunc_end2:
_tile_overlayer_lowered:
.L_overlay_start_2:
0x136: {  	(tag) =	ssettag $0x2  }
0x137: {  	s0 =	rddreg [dreg:$0x0];
	s2 =	stileid.u32  }
0x138: {  	s1 =	rddreg [dreg:$0x1];
	p0 =	sne.s32 s2, $0x0  }
0x139: {  	s3 =	rddreg [dreg:$0x2];
	[bflag:$0x3] =	sbarrier.arrive $0xFFFF;
	s2 =	simm.s32 @!p0 $0x1C0E  }
0x13a: {  	[timem:s3], [sflag:s2] =	dma.local @!p0 [hbm:s0], s1  }
0x13b: {  	s0 =	simm.s32 @!p0 $0xE  }
0x13c: {  	_ =	swait.ge @!p0 [sflag:s0], s1  }
0x13d: {  	s1 =	ssub.s32 @!p0 $0x0, s1;
	[sflag:s0] =	ssyncset.done @!p0 $0x0  }
0x13e: {  	[sflag:s0] =	ssyncadd.s32 @!p0 s1  }
0x13f: {  	[bflag:$0x3] =	sbarrier.arrive $0xFFFF  }
0x140: {  	_ =	shalt  }

// kernel: sparse-core-data-format-call.cloned.1.call-start
scs
called_computation_lowered:
.L_overlay_start_0:
0x0: {  	s2 =	sld [smem:$0x3FD9]  }
0x1: {  	s3 =	sld [smem:$0x3FFE];
	_ =	sdelay $0x1  }
0x2: {  	s1 =	srdreg.scid  }
0x3: {  	s0 =	sand.u32 $0x1, s1  }
0x4: {  	s18 =	sshll.u32 s0, $0xA;
	s2 =	sadd.s32 s3, s2  }
0x5: {  	s2 =	sadd.s32 s2, s18  }
0x6: {  	[smem:$0x3FC3] =	sst s2  }
0x7: {  	_ = 	snop  }
0x8: {  	s2 =	sld [smem:$0x3FD0];
	(tm) =	ssettm $0x1  }
0x9: {  	s19 =	sld [smem:$0x3FFB];
	_ =	sdelay $0x3  }
0xa: {  	_ =	strace s19  }
0xb: {  	s3 =	sld [smem:$0x3FFC];
	_ =	sdelay $0x3  }
0xc: {  	_ =	strace s3  }
0xd: {  	s3 =	sld [smem:$0x3FFD];
	_ =	sdelay $0x3  }
0xe: {  	_ =	strace s3  }
0xf: {  	_ =	strace $0x8FFFFFFF  }
0x10: {  	s20 =	sld [smem:$0x3FDB];
	_ =	sdelay $0x1  }
0x11: {  	s4 =	simm.s32 $_scs_section_size  }
0x12: {  	s5 =	simm.s32 $_size__tile_overlayer_lowered;
	s6 =	simm.s32 $_tile_overlayer_lowered  }
0x13: {  	s23 =	simm.s32 $0x1BFF;
	s22 =	sshll.u32 s6, $0x1;
	s3 =	sadd.s32 s4, s20  }
0x14: {  	s7 =	simm.s32 $0x0;
	s21 =	sshll.u32 s5, $0x1;
	s5 =	sadd.s32 s22, s3  }
0x15: {  	[timem:s7], [sflag:s23] =	dma.local [hbm:s5], s21  }
0x16: {  	_ =	swait.ge [sflag:s23], s21  }
0x17: {  	s4 =	ssub.s32 $0x0, s21;
	[sflag:s23] =	ssyncset.done $0x0  }
0x18: {  	[sflag:s23] =	ssyncadd.s32 s4;
	_ =	sdelay $0x1  }
0x19: {  	s24 =	simm.s32 $0x1B8B  }
0x1a: {  	_ =	swait.ge [sflag:s24], $0x1  }
0x1b: {  	[sflag:s24] =	ssyncset.done $0x0  }
0x1c: {  	s26 =	simm.s32 $0x1B8E;
	s25 =	sld [smem:$0x3FFE];
	[sflag:s24] =	ssyncadd.s32 $0xFFFFFFFF  }
0x1d: {  	s27 =	simm.s32 $execute0_lowered;
	[smem:$0x3FD2] =	sst s26  }
0x1e: {  	s5 =	sshll.u32 s27, $0x1;
	_ =	strace $0x80000049;
	[dreg:$0x1] =	wrdreg $0xFFFFFFFF  }
0x1f: {  	s28 =	simm.s32 $_size_execute0_lowered;
	s3 =	sadd.s32 s3, s5;
	[dreg:$0x0] =	wrdreg $0x0  }
0x20: {  	s5 =	sshll.u32 s28, $0x1;
	[dreg:$0x2] =	wrdreg s3  }
0x21: {  	[dreg:$0x3] =	wrdreg s5  }
0x22: {  	[dreg:$0x4] =	wrdreg $0xC0  }
0x23: {  	_ =	task [dreg:s7], $0x5FFFF  }
0x24: {  	[dreg:$0x1] =	wrdreg $0xFFFFFFFF  }
0x25: {  	[dreg:$0x0] =	wrdreg $0x60  }
0x26: {  	[dreg:$0x2] =	wrdreg s25  }
0x27: {  	[dreg:$0x3] =	wrdreg s2  }
0x28: {  	[dreg:$0x4] =	wrdreg $0x9  }
0x29: {  	_ =	task.clear_ibuf [dreg:s7], $0x5FFFF;
	_ =	strace $0x90000049  }
0x2a: {  	s29 =	simm.s32 $0x9;
	_ =	strace $0x8000004B  }
0x2b: {  	_ =	swait.ge [sflag:s29], $0x1  }
0x2c: {  	[sflag:s29] =	ssyncadd.s32 $0xFFFFFFFF  }
0x2d: {  	_ =	strace $0x9000004B  }
0x2e: {  	_ =	sfence  }
0x2f: {  	s30 =	sld [smem:$0x0];
	_ =	sdelay $0x2  }
0x30: {  	s31 =	sshll.u32 s1, $0xD;
	s1 =	sshrl.u32 s1, $0x2  }
0x31: {  	s3 =	sand.u32 $0x4000, s31;
	s1 =	sadd.s32 s1, s30  }
0x32: {  	s0 =	sor.u32 s3, s0;
	s1 =	sshll.u32 s1, $0x11  }
0x33: {  	s0 =	sor.u32 s1, s0  }
0x34: {  	s0 =	sadd.s32 $0x8F2B, s0  }
0x35: {  	[sflag:s0] =	ssyncadd.remote.s32 $0x1  }
0x36: {  	_ =	sfence.sel $0xFFFF  }
0x37: {  	[dreg:$0x0] =	wrdreg $0xFFFFFFFF;
	(pc) =	sbr.abs _section_cstart, $3  }
0x38: {  	[dreg:$0x1] =	wrdreg $0xFFFFFFFF  }
0x39: {  	_ =	task.clear_ibuf [dreg:s7], $0x2FFFF;
	_ =	strace $0x9FFFFFFF  }
0x3a: {  	(tm) =	ssettm $0x7FFFFFFF  }
0x3b: {  	_ =	shalt  }
tec
execute0_lowered:
.L_overlay_start_1:
0x0: {  	(tag) =	ssettag $0x1  }
0x1: {  	s0 =	srdreg.scid  }
0x2: {  	s1 =	sshll.u32 s0, $0x4  }
0x3: {  	s4 =	rddreg [dreg:$0x0];
	s0 =	stileid.u32;
	s1 =	sand.u32 $0x10, s1  }
0x4: {  	s2 =	rddreg [dreg:$0x1];
	s7 =	simm.s32 $0x1;
	s1 =	sor.u32 s0, s1  }
0x5: {  	s8 =	simm.s32 $0x2;
	s11 =	simm.s32 $0x0;
	s3 =	sshll.u32 s1, $0x7  }
0x6: {  	s10 =	simm.s32 $0x0;
	s4 =	sadd.s32 $0xA00, s4;
	s6 =	ssub.s32 $0xC9000, s3  }
.Ltmp0:
0x7: {  	s1 =	rddreg [dreg:$0x2];
	s5 =	sand.u32 $0xF80, s6;
	(pc) =	sbr.rel .LBB1_1-.Ltmp0, $4  }
0x8: {  	_ =	strace $0x8000004A;
	s9 =	smov.u32 s3;
	p0 =	sne.s32 s5, $0x0  }
0x9: {  	s6 =	sshrl.u32 s6, $0xC;
	s5 =	simm.s32 $0x1;
	s7 =	simm.s32 @!p0 $0x0  }
0xa: {  	[sflag:s5] =	ssyncpa.u1 $0x0;
	p0 =	por $0x0, $0x0;
	s6 =	sadd.s32 s7, s6  }
0xb: {  	[sflag:s8] =	ssyncpa.u1 $0x0;
	s8 =	simm.s32 $0x648000;
	s7 =	sadd.s32 $0x1, s6  }
.LBB1_4:
0xc: {  	s14 =	sshll.u32 s11, $0x3  }
0xd: {  	s30 =	sand.u32 $0x7F, s11;
	s15 =	sand.u32 $0xFFFFFC00, s14  }
0xe: {  	s11 =	sor.u32 s30, s15  }
0xf: {  	s15 =	smulhi.u32 $0x28C1979, s11  }
0x10: {  	s14 =	smulhi.u32 $0x28C1979, s14  }
0x11: {  	s15 =	sshrl.u32 s15, $0xD  }
0x12: {  	s14 =	sshrl.u32 s14, $0xD;
	s15 =	smul.u32 $0xC9000, s15  }
0x13: {  	s14 =	sand.u32 $0x3F, s14  }
0x14: {  	s14 =	smul.u32 $0x19200, s14;
	s11 =	ssub.s32 s11, s15  }
0x15: {  	[tilespmem:s13+$0x810 ss:$0x81] =	vst.msk $0xffff, v2;
	s15 =	sand.u32 $0x7, s11  }
0x16: {  	[tilespmem:s13+$0x1020 ss:$0x81] =	vst.msk $0xffff, v0;
	s14 =	sadd.s32 s2, s14;
	s11 =	sshrl.u32 s11, $0x3;
	s15 =	sshll.u32 s15, $0x12  }
0x17: {  	[tilespmem:s13+$0x0 ss:$0x81] =	vst.msk $0xffff, v1;
	s11 =	sadd.s32 s11, s14;
	s31 =	sor.u32 $0x400, s15  }
0x18: {  	[hbm4b:s11+s31] =	stream.strided.scatter [tilespmem:s12], [sflag:$0x2], $0x2000, s8, s31, $0x20;
	[tilespmem:$0x8080] =	vst v63  }
.LBB1_5:
0x19: {  	s13 =	sadd.s32 $0x1000, s9  }
0x1a: {  	p2 =	sgt.s32 s13, $0xC8FFF  }
0x1b: {  	s13 =	smov.u32 @p2 s3;
	p2 =	sne.s32 s10, s7  }
.Ltmp1:
0x1c: {  	p1 =	slt.u32 s10, $0x2;
	(pc) =	sbr.rel @!p2 .LBB1_6-.Ltmp1, $4  }
0x1d: {  	s12 =	simm.s32 @!p1 $0x2  }
0x1e: {  	s14 =	sadd.s32 $0x1, s10;
	_ =	swait.ge @!p1 [sflag:s12], $0x2000  }
0x1f: {  	s11 =	smov.u32 s9;
	p0 =	por !p0, !p0;
	[sflag:s12] =	ssyncset.done @!p1 $0x0  }
0x20: {  	s10 =	smov.u32 s14;
	s9 =	smov.u32 s13;
	[sflag:s12] =	ssyncadd.s32 @!p1 $0xFFFFE000  }
.LBB1_1:
0x21: {  	p1 =	sge.u32 s10, s6  }
0x22: {  	s12 =	sand.u32 @!p1 $0x1FFFFFF, s9  }
0x23: {  	s13 =	smulhi.u32 @!p1 $0x1460CBD, s12;
	_ =	sdelay $0x1  }
0x24: {  	s13 =	sshrl.u32 @!p1 s13, $0xC  }
0x25: {  	s13 =	smul.u32 @!p1 $0xC9000, s13;
	_ =	sdelay $0x1  }
0x26: {  	s31 =	sadd.s32 $0xFFFFFFFF, s10;
	s14 =	sxor.u32 @!p1 $0xFFFFFFFF, s10;
	s12 =	ssub.s32 @!p1 s12, s13  }
0x27: {  	s15 =	simm.s32 @!p1 $0x80;
	s14 =	sshll.u32 @!p1 s14, $0xD;
	s12 =	sshll.u32 @!p1 s12, $0x4  }
0x28: {  	s13 =	sand.u32 @!p1 $0x2000, s14;
	s14 =	simm.s32 @!p1 $0x40;
	s12 =	sadd.s32 @!p1 s4, s12  }
0x29: {  	[tilespmem:s13], [sflag:$0x1] =	stream.strided.gather @!p1 [hbm4b:s12+s14], $0x2000, s15, s14, $0x38;
	[tilespmem:$0x8080] =	vst v63  }
0x2a: {  	p1 =	sge.u32 s31, s6  }
.Ltmp2:
0x2b: {  	_ = 	snop;
	(pc) =	sbr.rel @p1 .LBB1_5-.Ltmp2, $1  }
0x2c: {  	_ =	sdelay $0x3  }
0x2d: {  	s12 =	simm.s32 $0x1  }
0x2e: {  	_ =	swait.ge [sflag:s5], $0x2000;
	s12 =	simm.s32 @!p0 $0x0  }
0x2f: {  	[sflag:s5] =	ssyncset.done $0x0;
	s13 =	sshll.u32 s12, $0xD  }
0x30: {  	[sflag:s5] =	ssyncadd.s32 $0xFFFFE000;
	s16 =	sor.u32 $0x20, s13  }
0x31: {  	s12 =	smul.u32 $0x8100, s12;
	v3 =	vld [tilespmem:s16+$0x10]  }
0x32: {  	s30 =	sand.u32 $0x1, s10;
	v2 =	vld [tilespmem:s16+$0xFFFFFFF0]  }
0x33: {  	s13 =	smul.u32 $0x8100, s30;
	s12 =	sshrl.u32 s12, $0x2;
	v0 =	vld [tilespmem:s16+$0x0]  }
0x34: {  	v1 =	vld [tilespmem:s16+$0xFFFFFFE0];
	s14 =	sor.u32 $0x4000, s12  }
0x35: {  	s31 =	sshrl.u32 s13, $0x2;
	s13 =	sadd.s32 $0x0, s14  }
0x36: {  	s15 =	simm.s32 $0x4;
	s16 =	sadd.s32 $0x40, s16;
	s12 =	sor.u32 $0x4000, s31;
	[tilespmem:s13+$0x1830 ss:$0x81] =	vst.msk $0xffff, v3  }
.LBB1_3:
0x37: {  	v3 =	vld [tilespmem:s16+$0x10];
	p1 =	sne.s32 s15, $0x1FC;
	[tilespmem:s13+$0x810 ss:$0x81] =	vst.msk $0xffff, v2;
	s17 =	smov.u32 s15;
	s15 =	sadd.s32 $0x4, s15  }
.Ltmp3:
0x38: {  	v2 =	vld [tilespmem:s16+$0xFFFFFFF0];
	[tilespmem:s13+$0x1020 ss:$0x81] =	vst.msk $0xffff, v0;
	(pc) =	sbr.rel @p1 .LBB1_3-.Ltmp3, $4  }
0x39: {  	v0 =	vld [tilespmem:s16+$0x0];
	[tilespmem:s13+$0x0 ss:$0x81] =	vst.msk $0xffff, v1  }
0x3a: {  	s13 =	sshra.s32 s17, $0x2;
	v1 =	vld [tilespmem:s16+$0xFFFFFFE0]  }
0x3b: {  	s13 =	sadd.s32 s13, s14  }
0x3c: {  	s16 =	sadd.s32 $0x40, s16;
	[tilespmem:s13+$0x1830 ss:$0x81] =	vst.msk $0xffff, v3  }
.Ltmp4:
0x3d: {  	_ = 	snop;
	(pc) =	sbr.rel .LBB1_4-.Ltmp4, $1  }
0x3e: {  	_ =	sdelay $0x3  }
.LBB1_6:
0x3f: {  	_ =	sfence.sel $0x180000  }
0x40: {  	s2 =	simm.s32 $0x1;
	[bflag:$0x0] =	sbarrier.arrive $0xFFFF  }
0x41: {  	s31 =	simm.s32 $0x2;
	[sflag:s2] =	ssyncpa.u1 $0x1  }
0x42: {  	[sflag:s31] =	ssyncpa.u1 $0x1  }
0x43: {  	p0 =	sne.s32 s0, $0x0;
	_ =	strace $0x9000004A  }
0x44: {  	s0 =	sadd.s32 @!p0 $0x100000, s1;
	[bflag:$0x2] =	sbarrier.arrive $0xFFFF  }
0x45: {  	[sflag:s0] =	ssyncadd.tile.s32 @!p0 $0x1;
	_ =	shalt  }
.Lfunc_end1:
_tile_overlayer_lowered:
.L_overlay_start_2:
0x46: {  	(tag) =	ssettag $0x2  }
0x47: {  	s0 =	rddreg [dreg:$0x0];
	s2 =	stileid.u32  }
0x48: {  	s1 =	rddreg [dreg:$0x1];
	p0 =	sne.s32 s2, $0x0  }
0x49: {  	s3 =	rddreg [dreg:$0x2];
	[bflag:$0x3] =	sbarrier.arrive $0xFFFF;
	s2 =	simm.s32 @!p0 $0x1C01  }
0x4a: {  	[timem:s3], [sflag:s2] =	dma.local @!p0 [hbm:s0], s1  }
0x4b: {  	s0 =	simm.s32 @!p0 $0x1  }
0x4c: {  	_ =	swait.ge @!p0 [sflag:s0], s1  }
0x4d: {  	s1 =	ssub.s32 @!p0 $0x0, s1;
	[sflag:s0] =	ssyncset.done @!p0 $0x0  }
0x4e: {  	[sflag:s0] =	ssyncadd.s32 @!p0 s1  }
0x4f: {  	[bflag:$0x3] =	sbarrier.arrive $0xFFFF  }
0x50: {  	_ =	shalt  }

</sc_bundles>
